<compile_context>
chip_gen: v7x
topology: tpu7x:2x2x1
jax: 0.10.2.dev20260603
libtpu: 0.0.44.dev20260713+nightly
codegen_flags: <defaults>
</compile_context>

<pallas_src>
import functools

import jax
import jax.numpy as jnp
from jax import lax
from jax.experimental import pallas as pl
from jax.experimental.pallas import tpu as pltpu
from jax.experimental.pallas import tpu_sc as plsc

_LANES = 16


@functools.lru_cache(maxsize=None)
def _build_sc_add(B, S, D, dtype):
    mesh = plsc.VectorSubcoreMesh(core_axis_name="c", subcore_axis_name="s")
    NC, NS = mesh.num_cores, mesh.num_subcores
    NW = NC * NS
    SPW = S // NW
    R = 8
    NT = SPW // R
    NG = NT // 2
    CH = D // _LANES

    scratch = (
        [pltpu.VMEM((R, D), dtype) for _ in range(2)]
        + [pltpu.VMEM((R, D), dtype) for _ in range(2 * B)]
        + [pltpu.VMEM((R, D), dtype) for _ in range(2 * B)]
        + [pltpu.SemaphoreType.DMA for _ in range(4)]
    )

    @functools.partial(
        pl.kernel,
        out_type=jax.ShapeDtypeStruct((B, S, D), dtype),
        mesh=mesh,
        scratch_types=scratch,
    )
    def k(x_hbm, pos_hbm, out_hbm, *scr):
        pbuf = [scr[0], scr[1]]
        xbuf = [[scr[2 + b] for b in range(B)], [scr[2 + B + b] for b in range(B)]]
        obuf = [[scr[2 + 2 * B + b] for b in range(B)],
                [scr[2 + 3 * B + b] for b in range(B)]]
        in_sem = [scr[2 + 4 * B], scr[3 + 4 * B]]
        out_sem = [scr[4 + 4 * B], scr[5 + 4 * B]]

        wid = lax.axis_index("s") * NC + lax.axis_index("c")
        p0 = wid * SPW

        def issue_in(sl, row0):
            pltpu.async_copy(pos_hbm.at[pl.ds(row0, R)], pbuf[sl], in_sem[sl])
            for b in range(B):
                pltpu.async_copy(x_hbm.at[b, pl.ds(row0, R)], xbuf[sl][b], in_sem[sl])

        def issue_out(sl, row0):
            for b in range(B):
                pltpu.async_copy(obuf[sl][b], out_hbm.at[b, pl.ds(row0, R)], out_sem[sl])

        def wait_in(sl):
            pltpu.make_async_copy(pos_hbm.at[pl.ds(0, R)], pbuf[sl], in_sem[sl]).wait()
            for b in range(B):
                pltpu.make_async_copy(
                    x_hbm.at[b, pl.ds(0, R)], xbuf[sl][b], in_sem[sl]
                ).wait()

        def wait_out(sl):
            for b in range(B):
                pltpu.make_async_copy(
                    x_hbm.at[b, pl.ds(0, R)], obuf[sl][b], out_sem[sl]
                ).wait()

        def compute(sl):
            pv = pbuf[sl]
            xb = xbuf[sl]
            ob = obuf[sl]

            @plsc.parallel_loop(0, R * CH, 1, unroll=4)
            def _(i):
                r = i // CH
                col = (i % CH) * _LANES
                p = pv[r, pl.ds(col, _LANES)]
                for b in range(B):
                    ob[b][r, pl.ds(col, _LANES)] = xb[b][r, pl.ds(col, _LANES)] + p

        issue_in(0, p0)
        issue_in(1, p0 + R)
        wait_in(0)
        compute(0)
        issue_out(0, p0)
        issue_in(0, p0 + 2 * R)
        wait_in(1)
        compute(1)
        issue_out(1, p0 + R)
        issue_in(1, p0 + 3 * R)

        def pair(g, carry):
            row0 = p0 + (2 * g) * R
            for sl in range(2):
                rw = row0 + sl * R
                wait_in(sl)
                wait_out(sl)
                compute(sl)
                issue_out(sl, rw)
                issue_in(sl, rw + 2 * R)
            return carry

        lax.fori_loop(1, NG - 1, pair, 0)

        rlast = p0 + (NT - 2) * R
        for sl in range(2):
            wait_in(sl)
            wait_out(sl)
            compute(sl)
            issue_out(sl, rlast + sl * R)
        wait_out(0)
        wait_out(1)

    return k


def kernel(x, pos_table):
    B, S, D = x.shape
    return _build_sc_add(B, S, D, x.dtype)(x, pos_table)

# --- scband reference (transcript-rebuilt; emitter-appended) ---
"""Pipeline reference for scband-learnable-position-encoding-30442728194483 (READ-ONLY COPY).

The authoritative reference and input builder live on the scoring server;
editing this copy changes nothing except your own understanding.
"""

import jax, jax.numpy as jnp
import numpy as np

MAX_LEN = 8192
D_MODEL = 768
BATCH = 4
SEQ = 8192

def setup_inputs(seed: int = 0) -> dict:
    key = jax.random.key(seed)
    kx, kt = jax.random.split(key)
    x = jax.random.normal(kx, (BATCH, SEQ, D_MODEL), dtype=jnp.float32)
    # learned positional embedding table, nn.Embedding default init ~ N(0,1)
    pos_table = jax.random.normal(kt, (MAX_LEN, D_MODEL), dtype=jnp.float32)
    return {"x": x, "pos_table": pos_table}

def reference(x, pos_table):
    B, S, D = x.shape
    positions = jnp.broadcast_to(jnp.arange(S), (B, S))  # [B, S]
    pe = jnp.take(pos_table, positions, axis=0)           # [B, S, D] gather
    return x + pe

if __name__ == "__main__":
    import jax
    _d = setup_inputs()
    print(jax.jit(kernel)(*tuple(_d.values())))

</pallas_src>

<mosaic_0001>
#map = affine_map<(d0, d1) -> (0, 0, 0)>
#map1 = affine_map<(d0, d1) -> (0, 0)>
module attributes {stable_mosaic.version = 14 : i64} {
  func.func @k(%arg0: i32, %arg1: i32, %arg2: memref<4x8192x768xf32, #tpu.memory_space<hbm>>, %arg3: memref<8192x768xf32, #tpu.memory_space<hbm>>, %arg4: memref<4x8192x768xf32, #tpu.memory_space<hbm>>, %arg5: memref<8x768xf32, #tpu.memory_space<vmem>>, %arg6: memref<8x768xf32, #tpu.memory_space<vmem>>, %arg7: memref<8x768xf32, #tpu.memory_space<vmem>>, %arg8: memref<8x768xf32, #tpu.memory_space<vmem>>, %arg9: memref<8x768xf32, #tpu.memory_space<vmem>>, %arg10: memref<8x768xf32, #tpu.memory_space<vmem>>, %arg11: memref<8x768xf32, #tpu.memory_space<vmem>>, %arg12: memref<8x768xf32, #tpu.memory_space<vmem>>, %arg13: memref<8x768xf32, #tpu.memory_space<vmem>>, %arg14: memref<8x768xf32, #tpu.memory_space<vmem>>, %arg15: memref<8x768xf32, #tpu.memory_space<vmem>>, %arg16: memref<8x768xf32, #tpu.memory_space<vmem>>, %arg17: memref<8x768xf32, #tpu.memory_space<vmem>>, %arg18: memref<8x768xf32, #tpu.memory_space<vmem>>, %arg19: memref<8x768xf32, #tpu.memory_space<vmem>>, %arg20: memref<8x768xf32, #tpu.memory_space<vmem>>, %arg21: memref<8x768xf32, #tpu.memory_space<vmem>>, %arg22: memref<8x768xf32, #tpu.memory_space<vmem>>, %arg23: memref<!tpu.dma_semaphore, #tpu.memory_space<semaphore_mem>>, %arg24: memref<!tpu.dma_semaphore, #tpu.memory_space<semaphore_mem>>, %arg25: memref<!tpu.dma_semaphore, #tpu.memory_space<semaphore_mem>>, %arg26: memref<!tpu.dma_semaphore, #tpu.memory_space<semaphore_mem>>) attributes {dimension_semantics = [#tpu.dimension_semantics<core_parallel>, #tpu.dimension_semantics<subcore_parallel>], iteration_bounds = array<i64: 2, 16>, scalar_prefetch = 0 : i64, scratch_operands = 22 : i64, tpu.core_type = #tpu.core_type<sc_vector_subcore>, window_params = [{transform_indices = #map}, {transform_indices = #map1}, {transform_indices = #map}]} {
    %mul3A = arith.constant 2 : i32
    %mul3A_0 = arith.muli %arg1, %mul3A : i32
    %add3A = arith.addi %mul3A_0, %arg0 : i32
    %mul3A_1 = arith.constant 256 : i32
    %mul3A_2 = arith.muli %add3A, %mul3A_1 : i32
    %dma_start3A = arith.constant 0 : i32
    %dma_start3A_3 = tpu.memref_slice %arg3[%mul3A_2, %dma_start3A] : memref<8192x768xf32, #tpu.memory_space<hbm>> -> memref<8x768xf32, #tpu.memory_space<hbm>>
    %dma_start3A_4 = arith.constant 0 : i32
    %dma_start3A_5 = tpu.memref_slice %arg3[%mul3A_2, %dma_start3A_4] : memref<8192x768xf32, #tpu.memory_space<hbm>> -> memref<8x768xf32, #tpu.memory_space<hbm>>
    tpu.enqueue_dma source(%dma_start3A_5 : memref<8x768xf32, #tpu.memory_space<hbm>>) target(%arg5 : memref<8x768xf32, #tpu.memory_space<vmem>>) target_semaphore(%arg23 : memref<!tpu.dma_semaphore, #tpu.memory_space<semaphore_mem>>)
    %dma_start3A_6 = arith.constant 0 : i32
    %dma_start3A_7 = arith.constant 0 : i32
    %dma_start3A_8 = tpu.memref_slice %arg2[%dma_start3A_6, %mul3A_2, %dma_start3A_7] : memref<4x8192x768xf32, #tpu.memory_space<hbm>> -> memref<1x8x768xf32, #tpu.memory_space<hbm>>
    %dma_start3A_9 = tpu.memref_squeeze %dma_start3A_8 : memref<1x8x768xf32, #tpu.memory_space<hbm>> -> memref<8x768xf32, #tpu.memory_space<hbm>>
    %dma_start3A_10 = arith.constant 0 : i32
    %dma_start3A_11 = tpu.memref_slice %arg2[%dma_start3A_6, %mul3A_2, %dma_start3A_10] : memref<4x8192x768xf32, #tpu.memory_space<hbm>> -> memref<1x8x768xf32, #tpu.memory_space<hbm>>
    %dma_start3A_12 = tpu.memref_squeeze %dma_start3A_11 : memref<1x8x768xf32, #tpu.memory_space<hbm>> -> memref<8x768xf32, #tpu.memory_space<hbm>>
    tpu.enqueue_dma source(%dma_start3A_12 : memref<8x768xf32, #tpu.memory_space<hbm>>) target(%arg7 : memref<8x768xf32, #tpu.memory_space<vmem>>) target_semaphore(%arg23 : memref<!tpu.dma_semaphore, #tpu.memory_space<semaphore_mem>>)
    %dma_start3A_13 = arith.constant 1 : i32
    %dma_start3A_14 = arith.constant 0 : i32
    %dma_start3A_15 = tpu.memref_slice %arg2[%dma_start3A_13, %mul3A_2, %dma_start3A_14] : memref<4x8192x768xf32, #tpu.memory_space<hbm>> -> memref<1x8x768xf32, #tpu.memory_space<hbm>>
    %dma_start3A_16 = tpu.memref_squeeze %dma_start3A_15 : memref<1x8x768xf32, #tpu.memory_space<hbm>> -> memref<8x768xf32, #tpu.memory_space<hbm>>
    %dma_start3A_17 = arith.constant 0 : i32
    %dma_start3A_18 = tpu.memref_slice %arg2[%dma_start3A_13, %mul3A_2, %dma_start3A_17] : memref<4x8192x768xf32, #tpu.memory_space<hbm>> -> memref<1x8x768xf32, #tpu.memory_space<hbm>>
    %dma_start3A_19 = tpu.memref_squeeze %dma_start3A_18 : memref<1x8x768xf32, #tpu.memory_space<hbm>> -> memref<8x768xf32, #tpu.memory_space<hbm>>
    tpu.enqueue_dma source(%dma_start3A_19 : memref<8x768xf32, #tpu.memory_space<hbm>>) target(%arg8 : memref<8x768xf32, #tpu.memory_space<vmem>>) target_semaphore(%arg23 : memref<!tpu.dma_semaphore, #tpu.memory_space<semaphore_mem>>)
    %dma_start3A_20 = arith.constant 2 : i32
    %dma_start3A_21 = arith.constant 0 : i32
    %dma_start3A_22 = tpu.memref_slice %arg2[%dma_start3A_20, %mul3A_2, %dma_start3A_21] : memref<4x8192x768xf32, #tpu.memory_space<hbm>> -> memref<1x8x768xf32, #tpu.memory_space<hbm>>
    %dma_start3A_23 = tpu.memref_squeeze %dma_start3A_22 : memref<1x8x768xf32, #tpu.memory_space<hbm>> -> memref<8x768xf32, #tpu.memory_space<hbm>>
    %dma_start3A_24 = arith.constant 0 : i32
    %dma_start3A_25 = tpu.memref_slice %arg2[%dma_start3A_20, %mul3A_2, %dma_start3A_24] : memref<4x8192x768xf32, #tpu.memory_space<hbm>> -> memref<1x8x768xf32, #tpu.memory_space<hbm>>
    %dma_start3A_26 = tpu.memref_squeeze %dma_start3A_25 : memref<1x8x768xf32, #tpu.memory_space<hbm>> -> memref<8x768xf32, #tpu.memory_space<hbm>>
    tpu.enqueue_dma source(%dma_start3A_26 : memref<8x768xf32, #tpu.memory_space<hbm>>) target(%arg9 : memref<8x768xf32, #tpu.memory_space<vmem>>) target_semaphore(%arg23 : memref<!tpu.dma_semaphore, #tpu.memory_space<semaphore_mem>>)
    %dma_start3A_27 = arith.constant 3 : i32
    %dma_start3A_28 = arith.constant 0 : i32
    %dma_start3A_29 = tpu.memref_slice %arg2[%dma_start3A_27, %mul3A_2, %dma_start3A_28] : memref<4x8192x768xf32, #tpu.memory_space<hbm>> -> memref<1x8x768xf32, #tpu.memory_space<hbm>>
    %dma_start3A_30 = tpu.memref_squeeze %dma_start3A_29 : memref<1x8x768xf32, #tpu.memory_space<hbm>> -> memref<8x768xf32, #tpu.memory_space<hbm>>
    %dma_start3A_31 = arith.constant 0 : i32
    %dma_start3A_32 = tpu.memref_slice %arg2[%dma_start3A_27, %mul3A_2, %dma_start3A_31] : memref<4x8192x768xf32, #tpu.memory_space<hbm>> -> memref<1x8x768xf32, #tpu.memory_space<hbm>>
    %dma_start3A_33 = tpu.memref_squeeze %dma_start3A_32 : memref<1x8x768xf32, #tpu.memory_space<hbm>> -> memref<8x768xf32, #tpu.memory_space<hbm>>
    tpu.enqueue_dma source(%dma_start3A_33 : memref<8x768xf32, #tpu.memory_space<hbm>>) target(%arg10 : memref<8x768xf32, #tpu.memory_space<vmem>>) target_semaphore(%arg23 : memref<!tpu.dma_semaphore, #tpu.memory_space<semaphore_mem>>)
    %add3A_34 = arith.constant 8 : i32
    %add3A_35 = arith.addi %mul3A_2, %add3A_34 : i32
    %dma_start3A_36 = arith.constant 0 : i32
    %dma_start3A_37 = tpu.memref_slice %arg3[%add3A_35, %dma_start3A_36] : memref<8192x768xf32, #tpu.memory_space<hbm>> -> memref<8x768xf32, #tpu.memory_space<hbm>>
    %dma_start3A_38 = arith.constant 0 : i32
    %dma_start3A_39 = tpu.memref_slice %arg3[%add3A_35, %dma_start3A_38] : memref<8192x768xf32, #tpu.memory_space<hbm>> -> memref<8x768xf32, #tpu.memory_space<hbm>>
    tpu.enqueue_dma source(%dma_start3A_39 : memref<8x768xf32, #tpu.memory_space<hbm>>) target(%arg6 : memref<8x768xf32, #tpu.memory_space<vmem>>) target_semaphore(%arg24 : memref<!tpu.dma_semaphore, #tpu.memory_space<semaphore_mem>>)
    %dma_start3A_40 = arith.constant 0 : i32
    %dma_start3A_41 = arith.constant 0 : i32
    %dma_start3A_42 = tpu.memref_slice %arg2[%dma_start3A_40, %add3A_35, %dma_start3A_41] : memref<4x8192x768xf32, #tpu.memory_space<hbm>> -> memref<1x8x768xf32, #tpu.memory_space<hbm>>
    %dma_start3A_43 = tpu.memref_squeeze %dma_start3A_42 : memref<1x8x768xf32, #tpu.memory_space<hbm>> -> memref<8x768xf32, #tpu.memory_space<hbm>>
    %dma_start3A_44 = arith.constant 0 : i32
    %dma_start3A_45 = tpu.memref_slice %arg2[%dma_start3A_40, %add3A_35, %dma_start3A_44] : memref<4x8192x768xf32, #tpu.memory_space<hbm>> -> memref<1x8x768xf32, #tpu.memory_space<hbm>>
    %dma_start3A_46 = tpu.memref_squeeze %dma_start3A_45 : memref<1x8x768xf32, #tpu.memory_space<hbm>> -> memref<8x768xf32, #tpu.memory_space<hbm>>
    tpu.enqueue_dma source(%dma_start3A_46 : memref<8x768xf32, #tpu.memory_space<hbm>>) target(%arg11 : memref<8x768xf32, #tpu.memory_space<vmem>>) target_semaphore(%arg24 : memref<!tpu.dma_semaphore, #tpu.memory_space<semaphore_mem>>)
    %dma_start3A_47 = arith.constant 1 : i32
    %dma_start3A_48 = arith.constant 0 : i32
    %dma_start3A_49 = tpu.memref_slice %arg2[%dma_start3A_47, %add3A_35, %dma_start3A_48] : memref<4x8192x768xf32, #tpu.memory_space<hbm>> -> memref<1x8x768xf32, #tpu.memory_space<hbm>>
    %dma_start3A_50 = tpu.memref_squeeze %dma_start3A_49 : memref<1x8x768xf32, #tpu.memory_space<hbm>> -> memref<8x768xf32, #tpu.memory_space<hbm>>
    %dma_start3A_51 = arith.constant 0 : i32
    %dma_start3A_52 = tpu.memref_slice %arg2[%dma_start3A_47, %add3A_35, %dma_start3A_51] : memref<4x8192x768xf32, #tpu.memory_space<hbm>> -> memref<1x8x768xf32, #tpu.memory_space<hbm>>
    %dma_start3A_53 = tpu.memref_squeeze %dma_start3A_52 : memref<1x8x768xf32, #tpu.memory_space<hbm>> -> memref<8x768xf32, #tpu.memory_space<hbm>>
    tpu.enqueue_dma source(%dma_start3A_53 : memref<8x768xf32, #tpu.memory_space<hbm>>) target(%arg12 : memref<8x768xf32, #tpu.memory_space<vmem>>) target_semaphore(%arg24 : memref<!tpu.dma_semaphore, #tpu.memory_space<semaphore_mem>>)
    %dma_start3A_54 = arith.constant 2 : i32
    %dma_start3A_55 = arith.constant 0 : i32
    %dma_start3A_56 = tpu.memref_slice %arg2[%dma_start3A_54, %add3A_35, %dma_start3A_55] : memref<4x8192x768xf32, #tpu.memory_space<hbm>> -> memref<1x8x768xf32, #tpu.memory_space<hbm>>
    %dma_start3A_57 = tpu.memref_squeeze %dma_start3A_56 : memref<1x8x768xf32, #tpu.memory_space<hbm>> -> memref<8x768xf32, #tpu.memory_space<hbm>>
    %dma_start3A_58 = arith.constant 0 : i32
    %dma_start3A_59 = tpu.memref_slice %arg2[%dma_start3A_54, %add3A_35, %dma_start3A_58] : memref<4x8192x768xf32, #tpu.memory_space<hbm>> -> memref<1x8x768xf32, #tpu.memory_space<hbm>>
    %dma_start3A_60 = tpu.memref_squeeze %dma_start3A_59 : memref<1x8x768xf32, #tpu.memory_space<hbm>> -> memref<8x768xf32, #tpu.memory_space<hbm>>
    tpu.enqueue_dma source(%dma_start3A_60 : memref<8x768xf32, #tpu.memory_space<hbm>>) target(%arg13 : memref<8x768xf32, #tpu.memory_space<vmem>>) target_semaphore(%arg24 : memref<!tpu.dma_semaphore, #tpu.memory_space<semaphore_mem>>)
    %dma_start3A_61 = arith.constant 3 : i32
    %dma_start3A_62 = arith.constant 0 : i32
    %dma_start3A_63 = tpu.memref_slice %arg2[%dma_start3A_61, %add3A_35, %dma_start3A_62] : memref<4x8192x768xf32, #tpu.memory_space<hbm>> -> memref<1x8x768xf32, #tpu.memory_space<hbm>>
    %dma_start3A_64 = tpu.memref_squeeze %dma_start3A_63 : memref<1x8x768xf32, #tpu.memory_space<hbm>> -> memref<8x768xf32, #tpu.memory_space<hbm>>
    %dma_start3A_65 = arith.constant 0 : i32
    %dma_start3A_66 = tpu.memref_slice %arg2[%dma_start3A_61, %add3A_35, %dma_start3A_65] : memref<4x8192x768xf32, #tpu.memory_space<hbm>> -> memref<1x8x768xf32, #tpu.memory_space<hbm>>
    %dma_start3A_67 = tpu.memref_squeeze %dma_start3A_66 : memref<1x8x768xf32, #tpu.memory_space<hbm>> -> memref<8x768xf32, #tpu.memory_space<hbm>>
    tpu.enqueue_dma source(%dma_start3A_67 : memref<8x768xf32, #tpu.memory_space<hbm>>) target(%arg14 : memref<8x768xf32, #tpu.memory_space<vmem>>) target_semaphore(%arg24 : memref<!tpu.dma_semaphore, #tpu.memory_space<semaphore_mem>>)
    %dma_wait3A = arith.constant 0 : i32
    %dma_wait3A_68 = arith.constant 0 : i32
    %dma_wait3A_69 = tpu.memref_slice %arg3[%dma_wait3A, %dma_wait3A_68] : memref<8192x768xf32, #tpu.memory_space<hbm>> -> memref<8x768xf32, #tpu.memory_space<hbm>>
    %dma_wait3A_70 = arith.constant 0 : i32
    %dma_wait3A_71 = arith.constant 0 : i32
    %dma_wait3A_72 = tpu.memref_slice %arg3[%dma_wait3A_70, %dma_wait3A_71] : memref<8192x768xf32, #tpu.memory_space<hbm>> -> memref<8x768xf32, #tpu.memory_space<hbm>>
    tpu.wait_dma2 semaphore(%arg23 : memref<!tpu.dma_semaphore, #tpu.memory_space<semaphore_mem>>) src(%dma_wait3A_72 : memref<8x768xf32, #tpu.memory_space<hbm>>) dst(%arg5 : memref<8x768xf32, #tpu.memory_space<vmem>>)
    %dma_wait3A_73 = arith.constant 0 : i32
    %dma_wait3A_74 = arith.constant 0 : i32
    %dma_wait3A_75 = arith.constant 0 : i32
    %dma_wait3A_76 = tpu.memref_slice %arg2[%dma_wait3A_73, %dma_wait3A_74, %dma_wait3A_75] : memref<4x8192x768xf32, #tpu.memory_space<hbm>> -> memref<1x8x768xf32, #tpu.memory_space<hbm>>
    %dma_wait3A_77 = tpu.memref_squeeze %dma_wait3A_76 : memref<1x8x768xf32, #tpu.memory_space<hbm>> -> memref<8x768xf32, #tpu.memory_space<hbm>>
    %dma_wait3A_78 = arith.constant 0 : i32
    %dma_wait3A_79 = arith.constant 0 : i32
    %dma_wait3A_80 = tpu.memref_slice %arg2[%dma_wait3A_73, %dma_wait3A_78, %dma_wait3A_79] : memref<4x8192x768xf32, #tpu.memory_space<hbm>> -> memref<1x8x768xf32, #tpu.memory_space<hbm>>
    %dma_wait3A_81 = tpu.memref_squeeze %dma_wait3A_80 : memref<1x8x768xf32, #tpu.memory_space<hbm>> -> memref<8x768xf32, #tpu.memory_space<hbm>>
    tpu.wait_dma2 semaphore(%arg23 : memref<!tpu.dma_semaphore, #tpu.memory_space<semaphore_mem>>) src(%dma_wait3A_81 : memref<8x768xf32, #tpu.memory_space<hbm>>) dst(%arg7 : memref<8x768xf32, #tpu.memory_space<vmem>>)
    %dma_wait3A_82 = arith.constant 1 : i32
    %dma_wait3A_83 = arith.constant 0 : i32
    %dma_wait3A_84 = arith.constant 0 : i32
    %dma_wait3A_85 = tpu.memref_slice %arg2[%dma_wait3A_82, %dma_wait3A_83, %dma_wait3A_84] : memref<4x8192x768xf32, #tpu.memory_space<hbm>> -> memref<1x8x768xf32, #tpu.memory_space<hbm>>
    %dma_wait3A_86 = tpu.memref_squeeze %dma_wait3A_85 : memref<1x8x768xf32, #tpu.memory_space<hbm>> -> memref<8x768xf32, #tpu.memory_space<hbm>>
    %dma_wait3A_87 = arith.constant 0 : i32
    %dma_wait3A_88 = arith.constant 0 : i32
    %dma_wait3A_89 = tpu.memref_slice %arg2[%dma_wait3A_82, %dma_wait3A_87, %dma_wait3A_88] : memref<4x8192x768xf32, #tpu.memory_space<hbm>> -> memref<1x8x768xf32, #tpu.memory_space<hbm>>
    %dma_wait3A_90 = tpu.memref_squeeze %dma_wait3A_89 : memref<1x8x768xf32, #tpu.memory_space<hbm>> -> memref<8x768xf32, #tpu.memory_space<hbm>>
    tpu.wait_dma2 semaphore(%arg23 : memref<!tpu.dma_semaphore, #tpu.memory_space<semaphore_mem>>) src(%dma_wait3A_90 : memref<8x768xf32, #tpu.memory_space<hbm>>) dst(%arg8 : memref<8x768xf32, #tpu.memory_space<vmem>>)
    %dma_wait3A_91 = arith.constant 2 : i32
    %dma_wait3A_92 = arith.constant 0 : i32
    %dma_wait3A_93 = arith.constant 0 : i32
    %dma_wait3A_94 = tpu.memref_slice %arg2[%dma_wait3A_91, %dma_wait3A_92, %dma_wait3A_93] : memref<4x8192x768xf32, #tpu.memory_space<hbm>> -> memref<1x8x768xf32, #tpu.memory_space<hbm>>
    %dma_wait3A_95 = tpu.memref_squeeze %dma_wait3A_94 : memref<1x8x768xf32, #tpu.memory_space<hbm>> -> memref<8x768xf32, #tpu.memory_space<hbm>>
    %dma_wait3A_96 = arith.constant 0 : i32
    %dma_wait3A_97 = arith.constant 0 : i32
    %dma_wait3A_98 = tpu.memref_slice %arg2[%dma_wait3A_91, %dma_wait3A_96, %dma_wait3A_97] : memref<4x8192x768xf32, #tpu.memory_space<hbm>> -> memref<1x8x768xf32, #tpu.memory_space<hbm>>
    %dma_wait3A_99 = tpu.memref_squeeze %dma_wait3A_98 : memref<1x8x768xf32, #tpu.memory_space<hbm>> -> memref<8x768xf32, #tpu.memory_space<hbm>>
    tpu.wait_dma2 semaphore(%arg23 : memref<!tpu.dma_semaphore, #tpu.memory_space<semaphore_mem>>) src(%dma_wait3A_99 : memref<8x768xf32, #tpu.memory_space<hbm>>) dst(%arg9 : memref<8x768xf32, #tpu.memory_space<vmem>>)
    %dma_wait3A_100 = arith.constant 3 : i32
    %dma_wait3A_101 = arith.constant 0 : i32
    %dma_wait3A_102 = arith.constant 0 : i32
    %dma_wait3A_103 = tpu.memref_slice %arg2[%dma_wait3A_100, %dma_wait3A_101, %dma_wait3A_102] : memref<4x8192x768xf32, #tpu.memory_space<hbm>> -> memref<1x8x768xf32, #tpu.memory_space<hbm>>
    %dma_wait3A_104 = tpu.memref_squeeze %dma_wait3A_103 : memref<1x8x768xf32, #tpu.memory_space<hbm>> -> memref<8x768xf32, #tpu.memory_space<hbm>>
    %dma_wait3A_105 = arith.constant 0 : i32
    %dma_wait3A_106 = arith.constant 0 : i32
    %dma_wait3A_107 = tpu.memref_slice %arg2[%dma_wait3A_100, %dma_wait3A_105, %dma_wait3A_106] : memref<4x8192x768xf32, #tpu.memory_space<hbm>> -> memref<1x8x768xf32, #tpu.memory_space<hbm>>
    %dma_wait3A_108 = tpu.memref_squeeze %dma_wait3A_107 : memref<1x8x768xf32, #tpu.memory_space<hbm>> -> memref<8x768xf32, #tpu.memory_space<hbm>>
    tpu.wait_dma2 semaphore(%arg23 : memref<!tpu.dma_semaphore, #tpu.memory_space<semaphore_mem>>) src(%dma_wait3A_108 : memref<8x768xf32, #tpu.memory_space<hbm>>) dst(%arg10 : memref<8x768xf32, #tpu.memory_space<vmem>>)
    %parallel_loop3A = arith.constant 0 : i32
    %parallel_loop3A_109 = arith.constant 384 : i32
    %parallel_loop3A_110 = arith.constant 1 : i32
    scf.for %parallel_loop3A_583 = %parallel_loop3A to %parallel_loop3A_109 step %parallel_loop3A_110  : i32 {
      %parallel_loop3A_584 = arith.constant 48 : i32
      %parallel_loop3A_585 = arith.divsi %parallel_loop3A_583, %parallel_loop3A_584 : i32
      %parallel_loop3A_586 = arith.constant 0 : i32
      %parallel_loop3A_587 = arith.cmpi sgt, %parallel_loop3A_583, %parallel_loop3A_586 : i32
      %parallel_loop3A_588 = arith.extui %parallel_loop3A_587 : i1 to i32
      %parallel_loop3A_589 = arith.constant 0 : i32
      %parallel_loop3A_590 = arith.cmpi slt, %parallel_loop3A_583, %parallel_loop3A_589 : i32
      %parallel_loop3A_591 = arith.extui %parallel_loop3A_590 : i1 to i32
      %parallel_loop3A_592 = arith.subi %parallel_loop3A_588, %parallel_loop3A_591 : i32
      %parallel_loop3A_593 = arith.constant 0 : i32
      %parallel_loop3A_594 = arith.cmpi sgt, %parallel_loop3A_584, %parallel_loop3A_593 : i32
      %parallel_loop3A_595 = arith.extui %parallel_loop3A_594 : i1 to i32
      %parallel_loop3A_596 = arith.constant 0 : i32
      %parallel_loop3A_597 = arith.cmpi slt, %parallel_loop3A_584, %parallel_loop3A_596 : i32
      %parallel_loop3A_598 = arith.extui %parallel_loop3A_597 : i1 to i32
      %parallel_loop3A_599 = arith.subi %parallel_loop3A_595, %parallel_loop3A_598 : i32
      %parallel_loop3A_600 = arith.cmpi ne, %parallel_loop3A_592, %parallel_loop3A_599 : i32
      %parallel_loop3A_601 = arith.remsi %parallel_loop3A_583, %parallel_loop3A_584 : i32
      %parallel_loop3A_602 = arith.constant 0 : i32
      %parallel_loop3A_603 = arith.cmpi ne, %parallel_loop3A_601, %parallel_loop3A_602 : i32
      %parallel_loop3A_604 = arith.andi %parallel_loop3A_600, %parallel_loop3A_603 : i1
      %parallel_loop3A_605 = arith.constant 1 : i32
      %parallel_loop3A_606 = arith.subi %parallel_loop3A_585, %parallel_loop3A_605 : i32
      %parallel_loop3A_607 = arith.select %parallel_loop3A_604, %parallel_loop3A_606, %parallel_loop3A_585 : i32
      %parallel_loop3A_608 = arith.constant 48 : i32
      %parallel_loop3A_609 = arith.constant 0 : i32
      %parallel_loop3A_610 = arith.cmpi eq, %parallel_loop3A_608, %parallel_loop3A_609 : i32
      %parallel_loop3A_611 = arith.constant 1 : i32
      %parallel_loop3A_612 = arith.select %parallel_loop3A_610, %parallel_loop3A_611, %parallel_loop3A_608 : i32
      %parallel_loop3A_613 = arith.remsi %parallel_loop3A_583, %parallel_loop3A_612 : i32
      %parallel_loop3A_614 = arith.constant 0 : i32
      %parallel_loop3A_615 = arith.cmpi ne, %parallel_loop3A_613, %parallel_loop3A_614 : i32
      %parallel_loop3A_616 = arith.constant 0 : i32
      %parallel_loop3A_617 = arith.cmpi slt, %parallel_loop3A_613, %parallel_loop3A_616 : i32
      %parallel_loop3A_618 = arith.constant 0 : i32
      %parallel_loop3A_619 = arith.cmpi slt, %parallel_loop3A_612, %parallel_loop3A_618 : i32
      %parallel_loop3A_620 = arith.xori %parallel_loop3A_617, %parallel_loop3A_619 : i1
      %parallel_loop3A_621 = arith.andi %parallel_loop3A_620, %parallel_loop3A_615 : i1
      %parallel_loop3A_622 = arith.addi %parallel_loop3A_613, %parallel_loop3A_612 : i32
      %parallel_loop3A_623 = arith.select %parallel_loop3A_621, %parallel_loop3A_622, %parallel_loop3A_613 : i32
      %parallel_loop3A_624 = arith.constant 16 : i32
      %parallel_loop3A_625 = arith.muli %parallel_loop3A_623, %parallel_loop3A_624 : i32
      %parallel_loop3A_626 = arith.index_cast %parallel_loop3A_607 : i32 to index
      %parallel_loop3A_627 = arith.index_cast %parallel_loop3A_625 : i32 to index
      %parallel_loop3A_628 = tpu.vector_load %arg5[%parallel_loop3A_626, %parallel_loop3A_627] {strides = array<i32>} : memref<8x768xf32, #tpu.memory_space<vmem>>, vector<1x16xf32>,
      %parallel_loop3A_629 = vector.shape_cast %parallel_loop3A_628 : vector<1x16xf32> to vector<16xf32>
      %parallel_loop3A_630 = arith.index_cast %parallel_loop3A_607 : i32 to index
      %parallel_loop3A_631 = arith.index_cast %parallel_loop3A_625 : i32 to index
      %parallel_loop3A_632 = tpu.vector_load %arg7[%parallel_loop3A_630, %parallel_loop3A_631] {strides = array<i32>} : memref<8x768xf32, #tpu.memory_space<vmem>>, vector<1x16xf32>,
      %parallel_loop3A_633 = vector.shape_cast %parallel_loop3A_632 : vector<1x16xf32> to vector<16xf32>
      %parallel_loop3A_634 = arith.addf %parallel_loop3A_633, %parallel_loop3A_629 : vector<16xf32>
      %parallel_loop3A_635 = arith.index_cast %parallel_loop3A_607 : i32 to index
      %parallel_loop3A_636 = arith.index_cast %parallel_loop3A_625 : i32 to index
      %parallel_loop3A_637 = tpu.vector_load %arg15[%parallel_loop3A_635, %parallel_loop3A_636] {strides = array<i32>} : memref<8x768xf32, #tpu.memory_space<vmem>>, vector<1x16xf32>,
      %parallel_loop3A_638 = vector.shape_cast %parallel_loop3A_637 : vector<1x16xf32> to vector<16xf32>
      %parallel_loop3A_639 = vector.shape_cast %parallel_loop3A_634 : vector<16xf32> to vector<1x16xf32>
      tpu.vector_store %arg15[%parallel_loop3A_635, %parallel_loop3A_636], %parallel_loop3A_639 {strides = array<i32>} : memref<8x768xf32, #tpu.memory_space<vmem>>, vector<1x16xf32>,
      %parallel_loop3A_640 = arith.index_cast %parallel_loop3A_607 : i32 to index
      %parallel_loop3A_641 = arith.index_cast %parallel_loop3A_625 : i32 to index
      %parallel_loop3A_642 = tpu.vector_load %arg8[%parallel_loop3A_640, %parallel_loop3A_641] {strides = array<i32>} : memref<8x768xf32, #tpu.memory_space<vmem>>, vector<1x16xf32>,
      %parallel_loop3A_643 = vector.shape_cast %parallel_loop3A_642 : vector<1x16xf32> to vector<16xf32>
      %parallel_loop3A_644 = arith.addf %parallel_loop3A_643, %parallel_loop3A_629 : vector<16xf32>
      %parallel_loop3A_645 = arith.index_cast %parallel_loop3A_607 : i32 to index
      %parallel_loop3A_646 = arith.index_cast %parallel_loop3A_625 : i32 to index
      %parallel_loop3A_647 = tpu.vector_load %arg16[%parallel_loop3A_645, %parallel_loop3A_646] {strides = array<i32>} : memref<8x768xf32, #tpu.memory_space<vmem>>, vector<1x16xf32>,
      %parallel_loop3A_648 = vector.shape_cast %parallel_loop3A_647 : vector<1x16xf32> to vector<16xf32>
      %parallel_loop3A_649 = vector.shape_cast %parallel_loop3A_644 : vector<16xf32> to vector<1x16xf32>
      tpu.vector_store %arg16[%parallel_loop3A_645, %parallel_loop3A_646], %parallel_loop3A_649 {strides = array<i32>} : memref<8x768xf32, #tpu.memory_space<vmem>>, vector<1x16xf32>,
      %parallel_loop3A_650 = arith.index_cast %parallel_loop3A_607 : i32 to index
      %parallel_loop3A_651 = arith.index_cast %parallel_loop3A_625 : i32 to index
      %parallel_loop3A_652 = tpu.vector_load %arg9[%parallel_loop3A_650, %parallel_loop3A_651] {strides = array<i32>} : memref<8x768xf32, #tpu.memory_space<vmem>>, vector<1x16xf32>,
      %parallel_loop3A_653 = vector.shape_cast %parallel_loop3A_652 : vector<1x16xf32> to vector<16xf32>
      %parallel_loop3A_654 = arith.addf %parallel_loop3A_653, %parallel_loop3A_629 : vector<16xf32>
      %parallel_loop3A_655 = arith.index_cast %parallel_loop3A_607 : i32 to index
      %parallel_loop3A_656 = arith.index_cast %parallel_loop3A_625 : i32 to index
      %parallel_loop3A_657 = tpu.vector_load %arg17[%parallel_loop3A_655, %parallel_loop3A_656] {strides = array<i32>} : memref<8x768xf32, #tpu.memory_space<vmem>>, vector<1x16xf32>,
      %parallel_loop3A_658 = vector.shape_cast %parallel_loop3A_657 : vector<1x16xf32> to vector<16xf32>
      %parallel_loop3A_659 = vector.shape_cast %parallel_loop3A_654 : vector<16xf32> to vector<1x16xf32>
      tpu.vector_store %arg17[%parallel_loop3A_655, %parallel_loop3A_656], %parallel_loop3A_659 {strides = array<i32>} : memref<8x768xf32, #tpu.memory_space<vmem>>, vector<1x16xf32>,
      %parallel_loop3A_660 = arith.index_cast %parallel_loop3A_607 : i32 to index
      %parallel_loop3A_661 = arith.index_cast %parallel_loop3A_625 : i32 to index
      %parallel_loop3A_662 = tpu.vector_load %arg10[%parallel_loop3A_660, %parallel_loop3A_661] {strides = array<i32>} : memref<8x768xf32, #tpu.memory_space<vmem>>, vector<1x16xf32>,
      %parallel_loop3A_663 = vector.shape_cast %parallel_loop3A_662 : vector<1x16xf32> to vector<16xf32>
      %parallel_loop3A_664 = arith.addf %parallel_loop3A_663, %parallel_loop3A_629 : vector<16xf32>
      %parallel_loop3A_665 = arith.index_cast %parallel_loop3A_607 : i32 to index
      %parallel_loop3A_666 = arith.index_cast %parallel_loop3A_625 : i32 to index
      %parallel_loop3A_667 = tpu.vector_load %arg18[%parallel_loop3A_665, %parallel_loop3A_666] {strides = array<i32>} : memref<8x768xf32, #tpu.memory_space<vmem>>, vector<1x16xf32>,
      %parallel_loop3A_668 = vector.shape_cast %parallel_loop3A_667 : vector<1x16xf32> to vector<16xf32>
      %parallel_loop3A_669 = vector.shape_cast %parallel_loop3A_664 : vector<16xf32> to vector<1x16xf32>
      tpu.vector_store %arg18[%parallel_loop3A_665, %parallel_loop3A_666], %parallel_loop3A_669 {strides = array<i32>} : memref<8x768xf32, #tpu.memory_space<vmem>>, vector<1x16xf32>,
    } {sc.loop_unroll_factor = 4 : i64, sc.parallel_access}
    %dma_start3A_111 = arith.constant 0 : i32
    %dma_start3A_112 = arith.constant 0 : i32
    %dma_start3A_113 = tpu.memref_slice %arg4[%dma_start3A_111, %mul3A_2, %dma_start3A_112] : memref<4x8192x768xf32, #tpu.memory_space<hbm>> -> memref<1x8x768xf32, #tpu.memory_space<hbm>>
    %dma_start3A_114 = tpu.memref_squeeze %dma_start3A_113 : memref<1x8x768xf32, #tpu.memory_space<hbm>> -> memref<8x768xf32, #tpu.memory_space<hbm>>
    %dma_start3A_115 = arith.constant 0 : i32
    %dma_start3A_116 = tpu.memref_slice %arg4[%dma_start3A_111, %mul3A_2, %dma_start3A_115] : memref<4x8192x768xf32, #tpu.memory_space<hbm>> -> memref<1x8x768xf32, #tpu.memory_space<hbm>>
    %dma_start3A_117 = tpu.memref_squeeze %dma_start3A_116 : memref<1x8x768xf32, #tpu.memory_space<hbm>> -> memref<8x768xf32, #tpu.memory_space<hbm>>
    tpu.enqueue_dma source(%arg15 : memref<8x768xf32, #tpu.memory_space<vmem>>) target(%dma_start3A_117 : memref<8x768xf32, #tpu.memory_space<hbm>>) target_semaphore(%arg25 : memref<!tpu.dma_semaphore, #tpu.memory_space<semaphore_mem>>)
    %dma_start3A_118 = arith.constant 1 : i32
    %dma_start3A_119 = arith.constant 0 : i32
    %dma_start3A_120 = tpu.memref_slice %arg4[%dma_start3A_118, %mul3A_2, %dma_start3A_119] : memref<4x8192x768xf32, #tpu.memory_space<hbm>> -> memref<1x8x768xf32, #tpu.memory_space<hbm>>
    %dma_start3A_121 = tpu.memref_squeeze %dma_start3A_120 : memref<1x8x768xf32, #tpu.memory_space<hbm>> -> memref<8x768xf32, #tpu.memory_space<hbm>>
    %dma_start3A_122 = arith.constant 0 : i32
    %dma_start3A_123 = tpu.memref_slice %arg4[%dma_start3A_118, %mul3A_2, %dma_start3A_122] : memref<4x8192x768xf32, #tpu.memory_space<hbm>> -> memref<1x8x768xf32, #tpu.memory_space<hbm>>
    %dma_start3A_124 = tpu.memref_squeeze %dma_start3A_123 : memref<1x8x768xf32, #tpu.memory_space<hbm>> -> memref<8x768xf32, #tpu.memory_space<hbm>>
    tpu.enqueue_dma source(%arg16 : memref<8x768xf32, #tpu.memory_space<vmem>>) target(%dma_start3A_124 : memref<8x768xf32, #tpu.memory_space<hbm>>) target_semaphore(%arg25 : memref<!tpu.dma_semaphore, #tpu.memory_space<semaphore_mem>>)
    %dma_start3A_125 = arith.constant 2 : i32
    %dma_start3A_126 = arith.constant 0 : i32
    %dma_start3A_127 = tpu.memref_slice %arg4[%dma_start3A_125, %mul3A_2, %dma_start3A_126] : memref<4x8192x768xf32, #tpu.memory_space<hbm>> -> memref<1x8x768xf32, #tpu.memory_space<hbm>>
    %dma_start3A_128 = tpu.memref_squeeze %dma_start3A_127 : memref<1x8x768xf32, #tpu.memory_space<hbm>> -> memref<8x768xf32, #tpu.memory_space<hbm>>
    %dma_start3A_129 = arith.constant 0 : i32
    %dma_start3A_130 = tpu.memref_slice %arg4[%dma_start3A_125, %mul3A_2, %dma_start3A_129] : memref<4x8192x768xf32, #tpu.memory_space<hbm>> -> memref<1x8x768xf32, #tpu.memory_space<hbm>>
    %dma_start3A_131 = tpu.memref_squeeze %dma_start3A_130 : memref<1x8x768xf32, #tpu.memory_space<hbm>> -> memref<8x768xf32, #tpu.memory_space<hbm>>
    tpu.enqueue_dma source(%arg17 : memref<8x768xf32, #tpu.memory_space<vmem>>) target(%dma_start3A_131 : memref<8x768xf32, #tpu.memory_space<hbm>>) target_semaphore(%arg25 : memref<!tpu.dma_semaphore, #tpu.memory_space<semaphore_mem>>)
    %dma_start3A_132 = arith.constant 3 : i32
    %dma_start3A_133 = arith.constant 0 : i32
    %dma_start3A_134 = tpu.memref_slice %arg4[%dma_start3A_132, %mul3A_2, %dma_start3A_133] : memref<4x8192x768xf32, #tpu.memory_space<hbm>> -> memref<1x8x768xf32, #tpu.memory_space<hbm>>
    %dma_start3A_135 = tpu.memref_squeeze %dma_start3A_134 : memref<1x8x768xf32, #tpu.memory_space<hbm>> -> memref<8x768xf32, #tpu.memory_space<hbm>>
    %dma_start3A_136 = arith.constant 0 : i32
    %dma_start3A_137 = tpu.memref_slice %arg4[%dma_start3A_132, %mul3A_2, %dma_start3A_136] : memref<4x8192x768xf32, #tpu.memory_space<hbm>> -> memref<1x8x768xf32, #tpu.memory_space<hbm>>
    %dma_start3A_138 = tpu.memref_squeeze %dma_start3A_137 : memref<1x8x768xf32, #tpu.memory_space<hbm>> -> memref<8x768xf32, #tpu.memory_space<hbm>>
    tpu.enqueue_dma source(%arg18 : memref<8x768xf32, #tpu.memory_space<vmem>>) target(%dma_start3A_138 : memref<8x768xf32, #tpu.memory_space<hbm>>) target_semaphore(%arg25 : memref<!tpu.dma_semaphore, #tpu.memory_space<semaphore_mem>>)
    %add3A_139 = arith.constant 16 : i32
    %add3A_140 = arith.addi %mul3A_2, %add3A_139 : i32
    %dma_start3A_141 = arith.constant 0 : i32
    %dma_start3A_142 = tpu.memref_slice %arg3[%add3A_140, %dma_start3A_141] : memref<8192x768xf32, #tpu.memory_space<hbm>> -> memref<8x768xf32, #tpu.memory_space<hbm>>
    %dma_start3A_143 = arith.constant 0 : i32
    %dma_start3A_144 = tpu.memref_slice %arg3[%add3A_140, %dma_start3A_143] : memref<8192x768xf32, #tpu.memory_space<hbm>> -> memref<8x768xf32, #tpu.memory_space<hbm>>
    tpu.enqueue_dma source(%dma_start3A_144 : memref<8x768xf32, #tpu.memory_space<hbm>>) target(%arg5 : memref<8x768xf32, #tpu.memory_space<vmem>>) target_semaphore(%arg23 : memref<!tpu.dma_semaphore, #tpu.memory_space<semaphore_mem>>)
    %dma_start3A_145 = arith.constant 0 : i32
    %dma_start3A_146 = arith.constant 0 : i32
    %dma_start3A_147 = tpu.memref_slice %arg2[%dma_start3A_145, %add3A_140, %dma_start3A_146] : memref<4x8192x768xf32, #tpu.memory_space<hbm>> -> memref<1x8x768xf32, #tpu.memory_space<hbm>>
    %dma_start3A_148 = tpu.memref_squeeze %dma_start3A_147 : memref<1x8x768xf32, #tpu.memory_space<hbm>> -> memref<8x768xf32, #tpu.memory_space<hbm>>
    %dma_start3A_149 = arith.constant 0 : i32
    %dma_start3A_150 = tpu.memref_slice %arg2[%dma_start3A_145, %add3A_140, %dma_start3A_149] : memref<4x8192x768xf32, #tpu.memory_space<hbm>> -> memref<1x8x768xf32, #tpu.memory_space<hbm>>
    %dma_start3A_151 = tpu.memref_squeeze %dma_start3A_150 : memref<1x8x768xf32, #tpu.memory_space<hbm>> -> memref<8x768xf32, #tpu.memory_space<hbm>>
    tpu.enqueue_dma source(%dma_start3A_151 : memref<8x768xf32, #tpu.memory_space<hbm>>) target(%arg7 : memref<8x768xf32, #tpu.memory_space<vmem>>) target_semaphore(%arg23 : memref<!tpu.dma_semaphore, #tpu.memory_space<semaphore_mem>>)
    %dma_start3A_152 = arith.constant 1 : i32
    %dma_start3A_153 = arith.constant 0 : i32
    %dma_start3A_154 = tpu.memref_slice %arg2[%dma_start3A_152, %add3A_140, %dma_start3A_153] : memref<4x8192x768xf32, #tpu.memory_space<hbm>> -> memref<1x8x768xf32, #tpu.memory_space<hbm>>
    %dma_start3A_155 = tpu.memref_squeeze %dma_start3A_154 : memref<1x8x768xf32, #tpu.memory_space<hbm>> -> memref<8x768xf32, #tpu.memory_space<hbm>>
    %dma_start3A_156 = arith.constant 0 : i32
    %dma_start3A_157 = tpu.memref_slice %arg2[%dma_start3A_152, %add3A_140, %dma_start3A_156] : memref<4x8192x768xf32, #tpu.memory_space<hbm>> -> memref<1x8x768xf32, #tpu.memory_space<hbm>>
    %dma_start3A_158 = tpu.memref_squeeze %dma_start3A_157 : memref<1x8x768xf32, #tpu.memory_space<hbm>> -> memref<8x768xf32, #tpu.memory_space<hbm>>
    tpu.enqueue_dma source(%dma_start3A_158 : memref<8x768xf32, #tpu.memory_space<hbm>>) target(%arg8 : memref<8x768xf32, #tpu.memory_space<vmem>>) target_semaphore(%arg23 : memref<!tpu.dma_semaphore, #tpu.memory_space<semaphore_mem>>)
    %dma_start3A_159 = arith.constant 2 : i32
    %dma_start3A_160 = arith.constant 0 : i32
    %dma_start3A_161 = tpu.memref_slice %arg2[%dma_start3A_159, %add3A_140, %dma_start3A_160] : memref<4x8192x768xf32, #tpu.memory_space<hbm>> -> memref<1x8x768xf32, #tpu.memory_space<hbm>>
    %dma_start3A_162 = tpu.memref_squeeze %dma_start3A_161 : memref<1x8x768xf32, #tpu.memory_space<hbm>> -> memref<8x768xf32, #tpu.memory_space<hbm>>
    %dma_start3A_163 = arith.constant 0 : i32
    %dma_start3A_164 = tpu.memref_slice %arg2[%dma_start3A_159, %add3A_140, %dma_start3A_163] : memref<4x8192x768xf32, #tpu.memory_space<hbm>> -> memref<1x8x768xf32, #tpu.memory_space<hbm>>
    %dma_start3A_165 = tpu.memref_squeeze %dma_start3A_164 : memref<1x8x768xf32, #tpu.memory_space<hbm>> -> memref<8x768xf32, #tpu.memory_space<hbm>>
    tpu.enqueue_dma source(%dma_start3A_165 : memref<8x768xf32, #tpu.memory_space<hbm>>) target(%arg9 : memref<8x768xf32, #tpu.memory_space<vmem>>) target_semaphore(%arg23 : memref<!tpu.dma_semaphore, #tpu.memory_space<semaphore_mem>>)
    %dma_start3A_166 = arith.constant 3 : i32
    %dma_start3A_167 = arith.constant 0 : i32
    %dma_start3A_168 = tpu.memref_slice %arg2[%dma_start3A_166, %add3A_140, %dma_start3A_167] : memref<4x8192x768xf32, #tpu.memory_space<hbm>> -> memref<1x8x768xf32, #tpu.memory_space<hbm>>
    %dma_start3A_169 = tpu.memref_squeeze %dma_start3A_168 : memref<1x8x768xf32, #tpu.memory_space<hbm>> -> memref<8x768xf32, #tpu.memory_space<hbm>>
    %dma_start3A_170 = arith.constant 0 : i32
    %dma_start3A_171 = tpu.memref_slice %arg2[%dma_start3A_166, %add3A_140, %dma_start3A_170] : memref<4x8192x768xf32, #tpu.memory_space<hbm>> -> memref<1x8x768xf32, #tpu.memory_space<hbm>>
    %dma_start3A_172 = tpu.memref_squeeze %dma_start3A_171 : memref<1x8x768xf32, #tpu.memory_space<hbm>> -> memref<8x768xf32, #tpu.memory_space<hbm>>
    tpu.enqueue_dma source(%dma_start3A_172 : memref<8x768xf32, #tpu.memory_space<hbm>>) target(%arg10 : memref<8x768xf32, #tpu.memory_space<vmem>>) target_semaphore(%arg23 : memref<!tpu.dma_semaphore, #tpu.memory_space<semaphore_mem>>)
    %dma_wait3A_173 = arith.constant 0 : i32
    %dma_wait3A_174 = arith.constant 0 : i32
    %dma_wait3A_175 = tpu.memref_slice %arg3[%dma_wait3A_173, %dma_wait3A_174] : memref<8192x768xf32, #tpu.memory_space<hbm>> -> memref<8x768xf32, #tpu.memory_space<hbm>>
    %dma_wait3A_176 = arith.constant 0 : i32
    %dma_wait3A_177 = arith.constant 0 : i32
    %dma_wait3A_178 = tpu.memref_slice %arg3[%dma_wait3A_176, %dma_wait3A_177] : memref<8192x768xf32, #tpu.memory_space<hbm>> -> memref<8x768xf32, #tpu.memory_space<hbm>>
    tpu.wait_dma2 semaphore(%arg24 : memref<!tpu.dma_semaphore, #tpu.memory_space<semaphore_mem>>) src(%dma_wait3A_178 : memref<8x768xf32, #tpu.memory_space<hbm>>) dst(%arg6 : memref<8x768xf32, #tpu.memory_space<vmem>>)
    %dma_wait3A_179 = arith.constant 0 : i32
    %dma_wait3A_180 = arith.constant 0 : i32
    %dma_wait3A_181 = arith.constant 0 : i32
    %dma_wait3A_182 = tpu.memref_slice %arg2[%dma_wait3A_179, %dma_wait3A_180, %dma_wait3A_181] : memref<4x8192x768xf32, #tpu.memory_space<hbm>> -> memref<1x8x768xf32, #tpu.memory_space<hbm>>
    %dma_wait3A_183 = tpu.memref_squeeze %dma_wait3A_182 : memref<1x8x768xf32, #tpu.memory_space<hbm>> -> memref<8x768xf32, #tpu.memory_space<hbm>>
    %dma_wait3A_184 = arith.constant 0 : i32
    %dma_wait3A_185 = arith.constant 0 : i32
    %dma_wait3A_186 = tpu.memref_slice %arg2[%dma_wait3A_179, %dma_wait3A_184, %dma_wait3A_185] : memref<4x8192x768xf32, #tpu.memory_space<hbm>> -> memref<1x8x768xf32, #tpu.memory_space<hbm>>
    %dma_wait3A_187 = tpu.memref_squeeze %dma_wait3A_186 : memref<1x8x768xf32, #tpu.memory_space<hbm>> -> memref<8x768xf32, #tpu.memory_space<hbm>>
    tpu.wait_dma2 semaphore(%arg24 : memref<!tpu.dma_semaphore, #tpu.memory_space<semaphore_mem>>) src(%dma_wait3A_187 : memref<8x768xf32, #tpu.memory_space<hbm>>) dst(%arg11 : memref<8x768xf32, #tpu.memory_space<vmem>>)
    %dma_wait3A_188 = arith.constant 1 : i32
    %dma_wait3A_189 = arith.constant 0 : i32
    %dma_wait3A_190 = arith.constant 0 : i32
    %dma_wait3A_191 = tpu.memref_slice %arg2[%dma_wait3A_188, %dma_wait3A_189, %dma_wait3A_190] : memref<4x8192x768xf32, #tpu.memory_space<hbm>> -> memref<1x8x768xf32, #tpu.memory_space<hbm>>
    %dma_wait3A_192 = tpu.memref_squeeze %dma_wait3A_191 : memref<1x8x768xf32, #tpu.memory_space<hbm>> -> memref<8x768xf32, #tpu.memory_space<hbm>>
    %dma_wait3A_193 = arith.constant 0 : i32
    %dma_wait3A_194 = arith.constant 0 : i32
    %dma_wait3A_195 = tpu.memref_slice %arg2[%dma_wait3A_188, %dma_wait3A_193, %dma_wait3A_194] : memref<4x8192x768xf32, #tpu.memory_space<hbm>> -> memref<1x8x768xf32, #tpu.memory_space<hbm>>
    %dma_wait3A_196 = tpu.memref_squeeze %dma_wait3A_195 : memref<1x8x768xf32, #tpu.memory_space<hbm>> -> memref<8x768xf32, #tpu.memory_space<hbm>>
    tpu.wait_dma2 semaphore(%arg24 : memref<!tpu.dma_semaphore, #tpu.memory_space<semaphore_mem>>) src(%dma_wait3A_196 : memref<8x768xf32, #tpu.memory_space<hbm>>) dst(%arg12 : memref<8x768xf32, #tpu.memory_space<vmem>>)
    %dma_wait3A_197 = arith.constant 2 : i32
    %dma_wait3A_198 = arith.constant 0 : i32
    %dma_wait3A_199 = arith.constant 0 : i32
    %dma_wait3A_200 = tpu.memref_slice %arg2[%dma_wait3A_197, %dma_wait3A_198, %dma_wait3A_199] : memref<4x8192x768xf32, #tpu.memory_space<hbm>> -> memref<1x8x768xf32, #tpu.memory_space<hbm>>
    %dma_wait3A_201 = tpu.memref_squeeze %dma_wait3A_200 : memref<1x8x768xf32, #tpu.memory_space<hbm>> -> memref<8x768xf32, #tpu.memory_space<hbm>>
    %dma_wait3A_202 = arith.constant 0 : i32
    %dma_wait3A_203 = arith.constant 0 : i32
    %dma_wait3A_204 = tpu.memref_slice %arg2[%dma_wait3A_197, %dma_wait3A_202, %dma_wait3A_203] : memref<4x8192x768xf32, #tpu.memory_space<hbm>> -> memref<1x8x768xf32, #tpu.memory_space<hbm>>
    %dma_wait3A_205 = tpu.memref_squeeze %dma_wait3A_204 : memref<1x8x768xf32, #tpu.memory_space<hbm>> -> memref<8x768xf32, #tpu.memory_space<hbm>>
    tpu.wait_dma2 semaphore(%arg24 : memref<!tpu.dma_semaphore, #tpu.memory_space<semaphore_mem>>) src(%dma_wait3A_205 : memref<8x768xf32, #tpu.memory_space<hbm>>) dst(%arg13 : memref<8x768xf32, #tpu.memory_space<vmem>>)
    %dma_wait3A_206 = arith.constant 3 : i32
    %dma_wait3A_207 = arith.constant 0 : i32
    %dma_wait3A_208 = arith.constant 0 : i32
    %dma_wait3A_209 = tpu.memref_slice %arg2[%dma_wait3A_206, %dma_wait3A_207, %dma_wait3A_208] : memref<4x8192x768xf32, #tpu.memory_space<hbm>> -> memref<1x8x768xf32, #tpu.memory_space<hbm>>
    %dma_wait3A_210 = tpu.memref_squeeze %dma_wait3A_209 : memref<1x8x768xf32, #tpu.memory_space<hbm>> -> memref<8x768xf32, #tpu.memory_space<hbm>>
    %dma_wait3A_211 = arith.constant 0 : i32
    %dma_wait3A_212 = arith.constant 0 : i32
    %dma_wait3A_213 = tpu.memref_slice %arg2[%dma_wait3A_206, %dma_wait3A_211, %dma_wait3A_212] : memref<4x8192x768xf32, #tpu.memory_space<hbm>> -> memref<1x8x768xf32, #tpu.memory_space<hbm>>
    %dma_wait3A_214 = tpu.memref_squeeze %dma_wait3A_213 : memref<1x8x768xf32, #tpu.memory_space<hbm>> -> memref<8x768xf32, #tpu.memory_space<hbm>>
    tpu.wait_dma2 semaphore(%arg24 : memref<!tpu.dma_semaphore, #tpu.memory_space<semaphore_mem>>) src(%dma_wait3A_214 : memref<8x768xf32, #tpu.memory_space<hbm>>) dst(%arg14 : memref<8x768xf32, #tpu.memory_space<vmem>>)
    %parallel_loop3A_215 = arith.constant 0 : i32
    %parallel_loop3A_216 = arith.constant 384 : i32
    %parallel_loop3A_217 = arith.constant 1 : i32
    scf.for %parallel_loop3A_583 = %parallel_loop3A_215 to %parallel_loop3A_216 step %parallel_loop3A_217  : i32 {
      %parallel_loop3A_584 = arith.constant 48 : i32
      %parallel_loop3A_585 = arith.divsi %parallel_loop3A_583, %parallel_loop3A_584 : i32
      %parallel_loop3A_586 = arith.constant 0 : i32
      %parallel_loop3A_587 = arith.cmpi sgt, %parallel_loop3A_583, %parallel_loop3A_586 : i32
      %parallel_loop3A_588 = arith.extui %parallel_loop3A_587 : i1 to i32
      %parallel_loop3A_589 = arith.constant 0 : i32
      %parallel_loop3A_590 = arith.cmpi slt, %parallel_loop3A_583, %parallel_loop3A_589 : i32
      %parallel_loop3A_591 = arith.extui %parallel_loop3A_590 : i1 to i32
      %parallel_loop3A_592 = arith.subi %parallel_loop3A_588, %parallel_loop3A_591 : i32
      %parallel_loop3A_593 = arith.constant 0 : i32
      %parallel_loop3A_594 = arith.cmpi sgt, %parallel_loop3A_584, %parallel_loop3A_593 : i32
      %parallel_loop3A_595 = arith.extui %parallel_loop3A_594 : i1 to i32
      %parallel_loop3A_596 = arith.constant 0 : i32
      %parallel_loop3A_597 = arith.cmpi slt, %parallel_loop3A_584, %parallel_loop3A_596 : i32
      %parallel_loop3A_598 = arith.extui %parallel_loop3A_597 : i1 to i32
      %parallel_loop3A_599 = arith.subi %parallel_loop3A_595, %parallel_loop3A_598 : i32
      %parallel_loop3A_600 = arith.cmpi ne, %parallel_loop3A_592, %parallel_loop3A_599 : i32
      %parallel_loop3A_601 = arith.remsi %parallel_loop3A_583, %parallel_loop3A_584 : i32
      %parallel_loop3A_602 = arith.constant 0 : i32
      %parallel_loop3A_603 = arith.cmpi ne, %parallel_loop3A_601, %parallel_loop3A_602 : i32
      %parallel_loop3A_604 = arith.andi %parallel_loop3A_600, %parallel_loop3A_603 : i1
      %parallel_loop3A_605 = arith.constant 1 : i32
      %parallel_loop3A_606 = arith.subi %parallel_loop3A_585, %parallel_loop3A_605 : i32
      %parallel_loop3A_607 = arith.select %parallel_loop3A_604, %parallel_loop3A_606, %parallel_loop3A_585 : i32
      %parallel_loop3A_608 = arith.constant 48 : i32
      %parallel_loop3A_609 = arith.constant 0 : i32
      %parallel_loop3A_610 = arith.cmpi eq, %parallel_loop3A_608, %parallel_loop3A_609 : i32
      %parallel_loop3A_611 = arith.constant 1 : i32
      %parallel_loop3A_612 = arith.select %parallel_loop3A_610, %parallel_loop3A_611, %parallel_loop3A_608 : i32
      %parallel_loop3A_613 = arith.remsi %parallel_loop3A_583, %parallel_loop3A_612 : i32
      %parallel_loop3A_614 = arith.constant 0 : i32
      %parallel_loop3A_615 = arith.cmpi ne, %parallel_loop3A_613, %parallel_loop3A_614 : i32
      %parallel_loop3A_616 = arith.constant 0 : i32
      %parallel_loop3A_617 = arith.cmpi slt, %parallel_loop3A_613, %parallel_loop3A_616 : i32
      %parallel_loop3A_618 = arith.constant 0 : i32
      %parallel_loop3A_619 = arith.cmpi slt, %parallel_loop3A_612, %parallel_loop3A_618 : i32
      %parallel_loop3A_620 = arith.xori %parallel_loop3A_617, %parallel_loop3A_619 : i1
      %parallel_loop3A_621 = arith.andi %parallel_loop3A_620, %parallel_loop3A_615 : i1
      %parallel_loop3A_622 = arith.addi %parallel_loop3A_613, %parallel_loop3A_612 : i32
      %parallel_loop3A_623 = arith.select %parallel_loop3A_621, %parallel_loop3A_622, %parallel_loop3A_613 : i32
      %parallel_loop3A_624 = arith.constant 16 : i32
      %parallel_loop3A_625 = arith.muli %parallel_loop3A_623, %parallel_loop3A_624 : i32
      %parallel_loop3A_626 = arith.index_cast %parallel_loop3A_607 : i32 to index
      %parallel_loop3A_627 = arith.index_cast %parallel_loop3A_625 : i32 to index
      %parallel_loop3A_628 = tpu.vector_load %arg6[%parallel_loop3A_626, %parallel_loop3A_627] {strides = array<i32>} : memref<8x768xf32, #tpu.memory_space<vmem>>, vector<1x16xf32>,
      %parallel_loop3A_629 = vector.shape_cast %parallel_loop3A_628 : vector<1x16xf32> to vector<16xf32>
      %parallel_loop3A_630 = arith.index_cast %parallel_loop3A_607 : i32 to index
      %parallel_loop3A_631 = arith.index_cast %parallel_loop3A_625 : i32 to index
      %parallel_loop3A_632 = tpu.vector_load %arg11[%parallel_loop3A_630, %parallel_loop3A_631] {strides = array<i32>} : memref<8x768xf32, #tpu.memory_space<vmem>>, vector<1x16xf32>,
      %parallel_loop3A_633 = vector.shape_cast %parallel_loop3A_632 : vector<1x16xf32> to vector<16xf32>
      %parallel_loop3A_634 = arith.addf %parallel_loop3A_633, %parallel_loop3A_629 : vector<16xf32>
      %parallel_loop3A_635 = arith.index_cast %parallel_loop3A_607 : i32 to index
      %parallel_loop3A_636 = arith.index_cast %parallel_loop3A_625 : i32 to index
      %parallel_loop3A_637 = tpu.vector_load %arg19[%parallel_loop3A_635, %parallel_loop3A_636] {strides = array<i32>} : memref<8x768xf32, #tpu.memory_space<vmem>>, vector<1x16xf32>,
      %parallel_loop3A_638 = vector.shape_cast %parallel_loop3A_637 : vector<1x16xf32> to vector<16xf32>
      %parallel_loop3A_639 = vector.shape_cast %parallel_loop3A_634 : vector<16xf32> to vector<1x16xf32>
      tpu.vector_store %arg19[%parallel_loop3A_635, %parallel_loop3A_636], %parallel_loop3A_639 {strides = array<i32>} : memref<8x768xf32, #tpu.memory_space<vmem>>, vector<1x16xf32>,
      %parallel_loop3A_640 = arith.index_cast %parallel_loop3A_607 : i32 to index
      %parallel_loop3A_641 = arith.index_cast %parallel_loop3A_625 : i32 to index
      %parallel_loop3A_642 = tpu.vector_load %arg12[%parallel_loop3A_640, %parallel_loop3A_641] {strides = array<i32>} : memref<8x768xf32, #tpu.memory_space<vmem>>, vector<1x16xf32>,
      %parallel_loop3A_643 = vector.shape_cast %parallel_loop3A_642 : vector<1x16xf32> to vector<16xf32>
      %parallel_loop3A_644 = arith.addf %parallel_loop3A_643, %parallel_loop3A_629 : vector<16xf32>
      %parallel_loop3A_645 = arith.index_cast %parallel_loop3A_607 : i32 to index
      %parallel_loop3A_646 = arith.index_cast %parallel_loop3A_625 : i32 to index
      %parallel_loop3A_647 = tpu.vector_load %arg20[%parallel_loop3A_645, %parallel_loop3A_646] {strides = array<i32>} : memref<8x768xf32, #tpu.memory_space<vmem>>, vector<1x16xf32>,
      %parallel_loop3A_648 = vector.shape_cast %parallel_loop3A_647 : vector<1x16xf32> to vector<16xf32>
      %parallel_loop3A_649 = vector.shape_cast %parallel_loop3A_644 : vector<16xf32> to vector<1x16xf32>
      tpu.vector_store %arg20[%parallel_loop3A_645, %parallel_loop3A_646], %parallel_loop3A_649 {strides = array<i32>} : memref<8x768xf32, #tpu.memory_space<vmem>>, vector<1x16xf32>,
      %parallel_loop3A_650 = arith.index_cast %parallel_loop3A_607 : i32 to index
      %parallel_loop3A_651 = arith.index_cast %parallel_loop3A_625 : i32 to index
      %parallel_loop3A_652 = tpu.vector_load %arg13[%parallel_loop3A_650, %parallel_loop3A_651] {strides = array<i32>} : memref<8x768xf32, #tpu.memory_space<vmem>>, vector<1x16xf32>,
      %parallel_loop3A_653 = vector.shape_cast %parallel_loop3A_652 : vector<1x16xf32> to vector<16xf32>
      %parallel_loop3A_654 = arith.addf %parallel_loop3A_653, %parallel_loop3A_629 : vector<16xf32>
      %parallel_loop3A_655 = arith.index_cast %parallel_loop3A_607 : i32 to index
      %parallel_loop3A_656 = arith.index_cast %parallel_loop3A_625 : i32 to index
      %parallel_loop3A_657 = tpu.vector_load %arg21[%parallel_loop3A_655, %parallel_loop3A_656] {strides = array<i32>} : memref<8x768xf32, #tpu.memory_space<vmem>>, vector<1x16xf32>,
      %parallel_loop3A_658 = vector.shape_cast %parallel_loop3A_657 : vector<1x16xf32> to vector<16xf32>
      %parallel_loop3A_659 = vector.shape_cast %parallel_loop3A_654 : vector<16xf32> to vector<1x16xf32>
      tpu.vector_store %arg21[%parallel_loop3A_655, %parallel_loop3A_656], %parallel_loop3A_659 {strides = array<i32>} : memref<8x768xf32, #tpu.memory_space<vmem>>, vector<1x16xf32>,
      %parallel_loop3A_660 = arith.index_cast %parallel_loop3A_607 : i32 to index
      %parallel_loop3A_661 = arith.index_cast %parallel_loop3A_625 : i32 to index
      %parallel_loop3A_662 = tpu.vector_load %arg14[%parallel_loop3A_660, %parallel_loop3A_661] {strides = array<i32>} : memref<8x768xf32, #tpu.memory_space<vmem>>, vector<1x16xf32>,
      %parallel_loop3A_663 = vector.shape_cast %parallel_loop3A_662 : vector<1x16xf32> to vector<16xf32>
      %parallel_loop3A_664 = arith.addf %parallel_loop3A_663, %parallel_loop3A_629 : vector<16xf32>
      %parallel_loop3A_665 = arith.index_cast %parallel_loop3A_607 : i32 to index
      %parallel_loop3A_666 = arith.index_cast %parallel_loop3A_625 : i32 to index
      %parallel_loop3A_667 = tpu.vector_load %arg22[%parallel_loop3A_665, %parallel_loop3A_666] {strides = array<i32>} : memref<8x768xf32, #tpu.memory_space<vmem>>, vector<1x16xf32>,
      %parallel_loop3A_668 = vector.shape_cast %parallel_loop3A_667 : vector<1x16xf32> to vector<16xf32>
      %parallel_loop3A_669 = vector.shape_cast %parallel_loop3A_664 : vector<16xf32> to vector<1x16xf32>
      tpu.vector_store %arg22[%parallel_loop3A_665, %parallel_loop3A_666], %parallel_loop3A_669 {strides = array<i32>} : memref<8x768xf32, #tpu.memory_space<vmem>>, vector<1x16xf32>,
    } {sc.loop_unroll_factor = 4 : i64, sc.parallel_access}
    %add3A_218 = arith.constant 8 : i32
    %add3A_219 = arith.addi %mul3A_2, %add3A_218 : i32
    %dma_start3A_220 = arith.constant 0 : i32
    %dma_start3A_221 = arith.constant 0 : i32
    %dma_start3A_222 = tpu.memref_slice %arg4[%dma_start3A_220, %add3A_219, %dma_start3A_221] : memref<4x8192x768xf32, #tpu.memory_space<hbm>> -> memref<1x8x768xf32, #tpu.memory_space<hbm>>
    %dma_start3A_223 = tpu.memref_squeeze %dma_start3A_222 : memref<1x8x768xf32, #tpu.memory_space<hbm>> -> memref<8x768xf32, #tpu.memory_space<hbm>>
    %dma_start3A_224 = arith.constant 0 : i32
    %dma_start3A_225 = tpu.memref_slice %arg4[%dma_start3A_220, %add3A_219, %dma_start3A_224] : memref<4x8192x768xf32, #tpu.memory_space<hbm>> -> memref<1x8x768xf32, #tpu.memory_space<hbm>>
    %dma_start3A_226 = tpu.memref_squeeze %dma_start3A_225 : memref<1x8x768xf32, #tpu.memory_space<hbm>> -> memref<8x768xf32, #tpu.memory_space<hbm>>
    tpu.enqueue_dma source(%arg19 : memref<8x768xf32, #tpu.memory_space<vmem>>) target(%dma_start3A_226 : memref<8x768xf32, #tpu.memory_space<hbm>>) target_semaphore(%arg26 : memref<!tpu.dma_semaphore, #tpu.memory_space<semaphore_mem>>)
    %dma_start3A_227 = arith.constant 1 : i32
    %dma_start3A_228 = arith.constant 0 : i32
    %dma_start3A_229 = tpu.memref_slice %arg4[%dma_start3A_227, %add3A_219, %dma_start3A_228] : memref<4x8192x768xf32, #tpu.memory_space<hbm>> -> memref<1x8x768xf32, #tpu.memory_space<hbm>>
    %dma_start3A_230 = tpu.memref_squeeze %dma_start3A_229 : memref<1x8x768xf32, #tpu.memory_space<hbm>> -> memref<8x768xf32, #tpu.memory_space<hbm>>
    %dma_start3A_231 = arith.constant 0 : i32
    %dma_start3A_232 = tpu.memref_slice %arg4[%dma_start3A_227, %add3A_219, %dma_start3A_231] : memref<4x8192x768xf32, #tpu.memory_space<hbm>> -> memref<1x8x768xf32, #tpu.memory_space<hbm>>
    %dma_start3A_233 = tpu.memref_squeeze %dma_start3A_232 : memref<1x8x768xf32, #tpu.memory_space<hbm>> -> memref<8x768xf32, #tpu.memory_space<hbm>>
    tpu.enqueue_dma source(%arg20 : memref<8x768xf32, #tpu.memory_space<vmem>>) target(%dma_start3A_233 : memref<8x768xf32, #tpu.memory_space<hbm>>) target_semaphore(%arg26 : memref<!tpu.dma_semaphore, #tpu.memory_space<semaphore_mem>>)
    %dma_start3A_234 = arith.constant 2 : i32
    %dma_start3A_235 = arith.constant 0 : i32
    %dma_start3A_236 = tpu.memref_slice %arg4[%dma_start3A_234, %add3A_219, %dma_start3A_235] : memref<4x8192x768xf32, #tpu.memory_space<hbm>> -> memref<1x8x768xf32, #tpu.memory_space<hbm>>
    %dma_start3A_237 = tpu.memref_squeeze %dma_start3A_236 : memref<1x8x768xf32, #tpu.memory_space<hbm>> -> memref<8x768xf32, #tpu.memory_space<hbm>>
    %dma_start3A_238 = arith.constant 0 : i32
    %dma_start3A_239 = tpu.memref_slice %arg4[%dma_start3A_234, %add3A_219, %dma_start3A_238] : memref<4x8192x768xf32, #tpu.memory_space<hbm>> -> memref<1x8x768xf32, #tpu.memory_space<hbm>>
    %dma_start3A_240 = tpu.memref_squeeze %dma_start3A_239 : memref<1x8x768xf32, #tpu.memory_space<hbm>> -> memref<8x768xf32, #tpu.memory_space<hbm>>
    tpu.enqueue_dma source(%arg21 : memref<8x768xf32, #tpu.memory_space<vmem>>) target(%dma_start3A_240 : memref<8x768xf32, #tpu.memory_space<hbm>>) target_semaphore(%arg26 : memref<!tpu.dma_semaphore, #tpu.memory_space<semaphore_mem>>)
    %dma_start3A_241 = arith.constant 3 : i32
    %dma_start3A_242 = arith.constant 0 : i32
    %dma_start3A_243 = tpu.memref_slice %arg4[%dma_start3A_241, %add3A_219, %dma_start3A_242] : memref<4x8192x768xf32, #tpu.memory_space<hbm>> -> memref<1x8x768xf32, #tpu.memory_space<hbm>>
    %dma_start3A_244 = tpu.memref_squeeze %dma_start3A_243 : memref<1x8x768xf32, #tpu.memory_space<hbm>> -> memref<8x768xf32, #tpu.memory_space<hbm>>
    %dma_start3A_245 = arith.constant 0 : i32
    %dma_start3A_246 = tpu.memref_slice %arg4[%dma_start3A_241, %add3A_219, %dma_start3A_245] : memref<4x8192x768xf32, #tpu.memory_space<hbm>> -> memref<1x8x768xf32, #tpu.memory_space<hbm>>
    %dma_start3A_247 = tpu.memref_squeeze %dma_start3A_246 : memref<1x8x768xf32, #tpu.memory_space<hbm>> -> memref<8x768xf32, #tpu.memory_space<hbm>>
    tpu.enqueue_dma source(%arg22 : memref<8x768xf32, #tpu.memory_space<vmem>>) target(%dma_start3A_247 : memref<8x768xf32, #tpu.memory_space<hbm>>) target_semaphore(%arg26 : memref<!tpu.dma_semaphore, #tpu.memory_space<semaphore_mem>>)
    %add3A_248 = arith.constant 24 : i32
    %add3A_249 = arith.addi %mul3A_2, %add3A_248 : i32
    %dma_start3A_250 = arith.constant 0 : i32
    %dma_start3A_251 = tpu.memref_slice %arg3[%add3A_249, %dma_start3A_250] : memref<8192x768xf32, #tpu.memory_space<hbm>> -> memref<8x768xf32, #tpu.memory_space<hbm>>
    %dma_start3A_252 = arith.constant 0 : i32
    %dma_start3A_253 = tpu.memref_slice %arg3[%add3A_249, %dma_start3A_252] : memref<8192x768xf32, #tpu.memory_space<hbm>> -> memref<8x768xf32, #tpu.memory_space<hbm>>
    tpu.enqueue_dma source(%dma_start3A_253 : memref<8x768xf32, #tpu.memory_space<hbm>>) target(%arg6 : memref<8x768xf32, #tpu.memory_space<vmem>>) target_semaphore(%arg24 : memref<!tpu.dma_semaphore, #tpu.memory_space<semaphore_mem>>)
    %dma_start3A_254 = arith.constant 0 : i32
    %dma_start3A_255 = arith.constant 0 : i32
    %dma_start3A_256 = tpu.memref_slice %arg2[%dma_start3A_254, %add3A_249, %dma_start3A_255] : memref<4x8192x768xf32, #tpu.memory_space<hbm>> -> memref<1x8x768xf32, #tpu.memory_space<hbm>>
    %dma_start3A_257 = tpu.memref_squeeze %dma_start3A_256 : memref<1x8x768xf32, #tpu.memory_space<hbm>> -> memref<8x768xf32, #tpu.memory_space<hbm>>
    %dma_start3A_258 = arith.constant 0 : i32
    %dma_start3A_259 = tpu.memref_slice %arg2[%dma_start3A_254, %add3A_249, %dma_start3A_258] : memref<4x8192x768xf32, #tpu.memory_space<hbm>> -> memref<1x8x768xf32, #tpu.memory_space<hbm>>
    %dma_start3A_260 = tpu.memref_squeeze %dma_start3A_259 : memref<1x8x768xf32, #tpu.memory_space<hbm>> -> memref<8x768xf32, #tpu.memory_space<hbm>>
    tpu.enqueue_dma source(%dma_start3A_260 : memref<8x768xf32, #tpu.memory_space<hbm>>) target(%arg11 : memref<8x768xf32, #tpu.memory_space<vmem>>) target_semaphore(%arg24 : memref<!tpu.dma_semaphore, #tpu.memory_space<semaphore_mem>>)
    %dma_start3A_261 = arith.constant 1 : i32
    %dma_start3A_262 = arith.constant 0 : i32
    %dma_start3A_263 = tpu.memref_slice %arg2[%dma_start3A_261, %add3A_249, %dma_start3A_262] : memref<4x8192x768xf32, #tpu.memory_space<hbm>> -> memref<1x8x768xf32, #tpu.memory_space<hbm>>
    %dma_start3A_264 = tpu.memref_squeeze %dma_start3A_263 : memref<1x8x768xf32, #tpu.memory_space<hbm>> -> memref<8x768xf32, #tpu.memory_space<hbm>>
    %dma_start3A_265 = arith.constant 0 : i32
    %dma_start3A_266 = tpu.memref_slice %arg2[%dma_start3A_261, %add3A_249, %dma_start3A_265] : memref<4x8192x768xf32, #tpu.memory_space<hbm>> -> memref<1x8x768xf32, #tpu.memory_space<hbm>>
    %dma_start3A_267 = tpu.memref_squeeze %dma_start3A_266 : memref<1x8x768xf32, #tpu.memory_space<hbm>> -> memref<8x768xf32, #tpu.memory_space<hbm>>
    tpu.enqueue_dma source(%dma_start3A_267 : memref<8x768xf32, #tpu.memory_space<hbm>>) target(%arg12 : memref<8x768xf32, #tpu.memory_space<vmem>>) target_semaphore(%arg24 : memref<!tpu.dma_semaphore, #tpu.memory_space<semaphore_mem>>)
    %dma_start3A_268 = arith.constant 2 : i32
    %dma_start3A_269 = arith.constant 0 : i32
    %dma_start3A_270 = tpu.memref_slice %arg2[%dma_start3A_268, %add3A_249, %dma_start3A_269] : memref<4x8192x768xf32, #tpu.memory_space<hbm>> -> memref<1x8x768xf32, #tpu.memory_space<hbm>>
    %dma_start3A_271 = tpu.memref_squeeze %dma_start3A_270 : memref<1x8x768xf32, #tpu.memory_space<hbm>> -> memref<8x768xf32, #tpu.memory_space<hbm>>
    %dma_start3A_272 = arith.constant 0 : i32
    %dma_start3A_273 = tpu.memref_slice %arg2[%dma_start3A_268, %add3A_249, %dma_start3A_272] : memref<4x8192x768xf32, #tpu.memory_space<hbm>> -> memref<1x8x768xf32, #tpu.memory_space<hbm>>
    %dma_start3A_274 = tpu.memref_squeeze %dma_start3A_273 : memref<1x8x768xf32, #tpu.memory_space<hbm>> -> memref<8x768xf32, #tpu.memory_space<hbm>>
    tpu.enqueue_dma source(%dma_start3A_274 : memref<8x768xf32, #tpu.memory_space<hbm>>) target(%arg13 : memref<8x768xf32, #tpu.memory_space<vmem>>) target_semaphore(%arg24 : memref<!tpu.dma_semaphore, #tpu.memory_space<semaphore_mem>>)
    %dma_start3A_275 = arith.constant 3 : i32
    %dma_start3A_276 = arith.constant 0 : i32
    %dma_start3A_277 = tpu.memref_slice %arg2[%dma_start3A_275, %add3A_249, %dma_start3A_276] : memref<4x8192x768xf32, #tpu.memory_space<hbm>> -> memref<1x8x768xf32, #tpu.memory_space<hbm>>
    %dma_start3A_278 = tpu.memref_squeeze %dma_start3A_277 : memref<1x8x768xf32, #tpu.memory_space<hbm>> -> memref<8x768xf32, #tpu.memory_space<hbm>>
    %dma_start3A_279 = arith.constant 0 : i32
    %dma_start3A_280 = tpu.memref_slice %arg2[%dma_start3A_275, %add3A_249, %dma_start3A_279] : memref<4x8192x768xf32, #tpu.memory_space<hbm>> -> memref<1x8x768xf32, #tpu.memory_space<hbm>>
    %dma_start3A_281 = tpu.memref_squeeze %dma_start3A_280 : memref<1x8x768xf32, #tpu.memory_space<hbm>> -> memref<8x768xf32, #tpu.memory_space<hbm>>
    tpu.enqueue_dma source(%dma_start3A_281 : memref<8x768xf32, #tpu.memory_space<hbm>>) target(%arg14 : memref<8x768xf32, #tpu.memory_space<vmem>>) target_semaphore(%arg24 : memref<!tpu.dma_semaphore, #tpu.memory_space<semaphore_mem>>)
    %scan3A = arith.constant 0 : i32
    %scan3A_282 = arith.constant 1 : i32
    %scan3A_283 = arith.constant 14 : i32
    %scan3A_284 = arith.addi %scan3A_282, %scan3A_283 : i32
    %scan3A_285 = arith.constant 1 : i32
    scf.for %scan3A_583 = %scan3A_282 to %scan3A_284 step %scan3A_285  : i32 {
      %mul3A_584 = arith.constant 2 : i32
      %mul3A_585 = arith.muli %mul3A_584, %scan3A_583 : i32
      %mul3A_586 = arith.constant 8 : i32
      %mul3A_587 = arith.muli %mul3A_585, %mul3A_586 : i32
      %add3A_588 = arith.addi %mul3A_2, %mul3A_587 : i32
      %add3A_589 = arith.constant 0 : i32
      %add3A_590 = arith.addi %add3A_588, %add3A_589 : i32
      %dma_wait3A_591 = arith.constant 0 : i32
      %dma_wait3A_592 = arith.constant 0 : i32
      %dma_wait3A_593 = tpu.memref_slice %arg3[%dma_wait3A_591, %dma_wait3A_592] : memref<8192x768xf32, #tpu.memory_space<hbm>> -> memref<8x768xf32, #tpu.memory_space<hbm>>
      %dma_wait3A_594 = arith.constant 0 : i32
      %dma_wait3A_595 = arith.constant 0 : i32
      %dma_wait3A_596 = tpu.memref_slice %arg3[%dma_wait3A_594, %dma_wait3A_595] : memref<8192x768xf32, #tpu.memory_space<hbm>> -> memref<8x768xf32, #tpu.memory_space<hbm>>
      tpu.wait_dma2 semaphore(%arg23 : memref<!tpu.dma_semaphore, #tpu.memory_space<semaphore_mem>>) src(%dma_wait3A_596 : memref<8x768xf32, #tpu.memory_space<hbm>>) dst(%arg5 : memref<8x768xf32, #tpu.memory_space<vmem>>)
      %dma_wait3A_597 = arith.constant 0 : i32
      %dma_wait3A_598 = arith.constant 0 : i32
      %dma_wait3A_599 = arith.constant 0 : i32
      %dma_wait3A_600 = tpu.memref_slice %arg2[%dma_wait3A_597, %dma_wait3A_598, %dma_wait3A_599] : memref<4x8192x768xf32, #tpu.memory_space<hbm>> -> memref<1x8x768xf32, #tpu.memory_space<hbm>>
      %dma_wait3A_601 = tpu.memref_squeeze %dma_wait3A_600 : memref<1x8x768xf32, #tpu.memory_space<hbm>> -> memref<8x768xf32, #tpu.memory_space<hbm>>
      %dma_wait3A_602 = arith.constant 0 : i32
      %dma_wait3A_603 = arith.constant 0 : i32
      %dma_wait3A_604 = tpu.memref_slice %arg2[%dma_wait3A_597, %dma_wait3A_602, %dma_wait3A_603] : memref<4x8192x768xf32, #tpu.memory_space<hbm>> -> memref<1x8x768xf32, #tpu.memory_space<hbm>>
      %dma_wait3A_605 = tpu.memref_squeeze %dma_wait3A_604 : memref<1x8x768xf32, #tpu.memory_space<hbm>> -> memref<8x768xf32, #tpu.memory_space<hbm>>
      tpu.wait_dma2 semaphore(%arg23 : memref<!tpu.dma_semaphore, #tpu.memory_space<semaphore_mem>>) src(%dma_wait3A_605 : memref<8x768xf32, #tpu.memory_space<hbm>>) dst(%arg7 : memref<8x768xf32, #tpu.memory_space<vmem>>)
      %dma_wait3A_606 = arith.constant 1 : i32
      %dma_wait3A_607 = arith.constant 0 : i32
      %dma_wait3A_608 = arith.constant 0 : i32
      %dma_wait3A_609 = tpu.memref_slice %arg2[%dma_wait3A_606, %dma_wait3A_607, %dma_wait3A_608] : memref<4x8192x768xf32, #tpu.memory_space<hbm>> -> memref<1x8x768xf32, #tpu.memory_space<hbm>>
      %dma_wait3A_610 = tpu.memref_squeeze %dma_wait3A_609 : memref<1x8x768xf32, #tpu.memory_space<hbm>> -> memref<8x768xf32, #tpu.memory_space<hbm>>
      %dma_wait3A_611 = arith.constant 0 : i32
      %dma_wait3A_612 = arith.constant 0 : i32
      %dma_wait3A_613 = tpu.memref_slice %arg2[%dma_wait3A_606, %dma_wait3A_611, %dma_wait3A_612] : memref<4x8192x768xf32, #tpu.memory_space<hbm>> -> memref<1x8x768xf32, #tpu.memory_space<hbm>>
      %dma_wait3A_614 = tpu.memref_squeeze %dma_wait3A_613 : memref<1x8x768xf32, #tpu.memory_space<hbm>> -> memref<8x768xf32, #tpu.memory_space<hbm>>
      tpu.wait_dma2 semaphore(%arg23 : memref<!tpu.dma_semaphore, #tpu.memory_space<semaphore_mem>>) src(%dma_wait3A_614 : memref<8x768xf32, #tpu.memory_space<hbm>>) dst(%arg8 : memref<8x768xf32, #tpu.memory_space<vmem>>)
      %dma_wait3A_615 = arith.constant 2 : i32
      %dma_wait3A_616 = arith.constant 0 : i32
      %dma_wait3A_617 = arith.constant 0 : i32
      %dma_wait3A_618 = tpu.memref_slice %arg2[%dma_wait3A_615, %dma_wait3A_616, %dma_wait3A_617] : memref<4x8192x768xf32, #tpu.memory_space<hbm>> -> memref<1x8x768xf32, #tpu.memory_space<hbm>>
      %dma_wait3A_619 = tpu.memref_squeeze %dma_wait3A_618 : memref<1x8x768xf32, #tpu.memory_space<hbm>> -> memref<8x768xf32, #tpu.memory_space<hbm>>
      %dma_wait3A_620 = arith.constant 0 : i32
      %dma_wait3A_621 = arith.constant 0 : i32
      %dma_wait3A_622 = tpu.memref_slice %arg2[%dma_wait3A_615, %dma_wait3A_620, %dma_wait3A_621] : memref<4x8192x768xf32, #tpu.memory_space<hbm>> -> memref<1x8x768xf32, #tpu.memory_space<hbm>>
      %dma_wait3A_623 = tpu.memref_squeeze %dma_wait3A_622 : memref<1x8x768xf32, #tpu.memory_space<hbm>> -> memref<8x768xf32, #tpu.memory_space<hbm>>
      tpu.wait_dma2 semaphore(%arg23 : memref<!tpu.dma_semaphore, #tpu.memory_space<semaphore_mem>>) src(%dma_wait3A_623 : memref<8x768xf32, #tpu.memory_space<hbm>>) dst(%arg9 : memref<8x768xf32, #tpu.memory_space<vmem>>)
      %dma_wait3A_624 = arith.constant 3 : i32
      %dma_wait3A_625 = arith.constant 0 : i32
      %dma_wait3A_626 = arith.constant 0 : i32
      %dma_wait3A_627 = tpu.memref_slice %arg2[%dma_wait3A_624, %dma_wait3A_625, %dma_wait3A_626] : memref<4x8192x768xf32, #tpu.memory_space<hbm>> -> memref<1x8x768xf32, #tpu.memory_space<hbm>>
      %dma_wait3A_628 = tpu.memref_squeeze %dma_wait3A_627 : memref<1x8x768xf32, #tpu.memory_space<hbm>> -> memref<8x768xf32, #tpu.memory_space<hbm>>
      %dma_wait3A_629 = arith.constant 0 : i32
      %dma_wait3A_630 = arith.constant 0 : i32
      %dma_wait3A_631 = tpu.memref_slice %arg2[%dma_wait3A_624, %dma_wait3A_629, %dma_wait3A_630] : memref<4x8192x768xf32, #tpu.memory_space<hbm>> -> memref<1x8x768xf32, #tpu.memory_space<hbm>>
      %dma_wait3A_632 = tpu.memref_squeeze %dma_wait3A_631 : memref<1x8x768xf32, #tpu.memory_space<hbm>> -> memref<8x768xf32, #tpu.memory_space<hbm>>
      tpu.wait_dma2 semaphore(%arg23 : memref<!tpu.dma_semaphore, #tpu.memory_space<semaphore_mem>>) src(%dma_wait3A_632 : memref<8x768xf32, #tpu.memory_space<hbm>>) dst(%arg10 : memref<8x768xf32, #tpu.memory_space<vmem>>)
      %dma_wait3A_633 = arith.constant 0 : i32
      %dma_wait3A_634 = arith.constant 0 : i32
      %dma_wait3A_635 = arith.constant 0 : i32
      %dma_wait3A_636 = tpu.memref_slice %arg2[%dma_wait3A_633, %dma_wait3A_634, %dma_wait3A_635] : memref<4x8192x768xf32, #tpu.memory_space<hbm>> -> memref<1x8x768xf32, #tpu.memory_space<hbm>>
      %dma_wait3A_637 = tpu.memref_squeeze %dma_wait3A_636 : memref<1x8x768xf32, #tpu.memory_space<hbm>> -> memref<8x768xf32, #tpu.memory_space<hbm>>
      %dma_wait3A_638 = arith.constant 0 : i32
      %dma_wait3A_639 = arith.constant 0 : i32
      %dma_wait3A_640 = tpu.memref_slice %arg2[%dma_wait3A_633, %dma_wait3A_638, %dma_wait3A_639] : memref<4x8192x768xf32, #tpu.memory_space<hbm>> -> memref<1x8x768xf32, #tpu.memory_space<hbm>>
      %dma_wait3A_641 = tpu.memref_squeeze %dma_wait3A_640 : memref<1x8x768xf32, #tpu.memory_space<hbm>> -> memref<8x768xf32, #tpu.memory_space<hbm>>
      tpu.wait_dma2 semaphore(%arg25 : memref<!tpu.dma_semaphore, #tpu.memory_space<semaphore_mem>>) src(%dma_wait3A_641 : memref<8x768xf32, #tpu.memory_space<hbm>>) dst(%arg15 : memref<8x768xf32, #tpu.memory_space<vmem>>)
      %dma_wait3A_642 = arith.constant 1 : i32
      %dma_wait3A_643 = arith.constant 0 : i32
      %dma_wait3A_644 = arith.constant 0 : i32
      %dma_wait3A_645 = tpu.memref_slice %arg2[%dma_wait3A_642, %dma_wait3A_643, %dma_wait3A_644] : memref<4x8192x768xf32, #tpu.memory_space<hbm>> -> memref<1x8x768xf32, #tpu.memory_space<hbm>>
      %dma_wait3A_646 = tpu.memref_squeeze %dma_wait3A_645 : memref<1x8x768xf32, #tpu.memory_space<hbm>> -> memref<8x768xf32, #tpu.memory_space<hbm>>
      %dma_wait3A_647 = arith.constant 0 : i32
      %dma_wait3A_648 = arith.constant 0 : i32
      %dma_wait3A_649 = tpu.memref_slice %arg2[%dma_wait3A_642, %dma_wait3A_647, %dma_wait3A_648] : memref<4x8192x768xf32, #tpu.memory_space<hbm>> -> memref<1x8x768xf32, #tpu.memory_space<hbm>>
      %dma_wait3A_650 = tpu.memref_squeeze %dma_wait3A_649 : memref<1x8x768xf32, #tpu.memory_space<hbm>> -> memref<8x768xf32, #tpu.memory_space<hbm>>
      tpu.wait_dma2 semaphore(%arg25 : memref<!tpu.dma_semaphore, #tpu.memory_space<semaphore_mem>>) src(%dma_wait3A_650 : memref<8x768xf32, #tpu.memory_space<hbm>>) dst(%arg16 : memref<8x768xf32, #tpu.memory_space<vmem>>)
      %dma_wait3A_651 = arith.constant 2 : i32
      %dma_wait3A_652 = arith.constant 0 : i32
      %dma_wait3A_653 = arith.constant 0 : i32
      %dma_wait3A_654 = tpu.memref_slice %arg2[%dma_wait3A_651, %dma_wait3A_652, %dma_wait3A_653] : memref<4x8192x768xf32, #tpu.memory_space<hbm>> -> memref<1x8x768xf32, #tpu.memory_space<hbm>>
      %dma_wait3A_655 = tpu.memref_squeeze %dma_wait3A_654 : memref<1x8x768xf32, #tpu.memory_space<hbm>> -> memref<8x768xf32, #tpu.memory_space<hbm>>
      %dma_wait3A_656 = arith.constant 0 : i32
      %dma_wait3A_657 = arith.constant 0 : i32
      %dma_wait3A_658 = tpu.memref_slice %arg2[%dma_wait3A_651, %dma_wait3A_656, %dma_wait3A_657] : memref<4x8192x768xf32, #tpu.memory_space<hbm>> -> memref<1x8x768xf32, #tpu.memory_space<hbm>>
      %dma_wait3A_659 = tpu.memref_squeeze %dma_wait3A_658 : memref<1x8x768xf32, #tpu.memory_space<hbm>> -> memref<8x768xf32, #tpu.memory_space<hbm>>
      tpu.wait_dma2 semaphore(%arg25 : memref<!tpu.dma_semaphore, #tpu.memory_space<semaphore_mem>>) src(%dma_wait3A_659 : memref<8x768xf32, #tpu.memory_space<hbm>>) dst(%arg17 : memref<8x768xf32, #tpu.memory_space<vmem>>)
      %dma_wait3A_660 = arith.constant 3 : i32
      %dma_wait3A_661 = arith.constant 0 : i32
      %dma_wait3A_662 = arith.constant 0 : i32
      %dma_wait3A_663 = tpu.memref_slice %arg2[%dma_wait3A_660, %dma_wait3A_661, %dma_wait3A_662] : memref<4x8192x768xf32, #tpu.memory_space<hbm>> -> memref<1x8x768xf32, #tpu.memory_space<hbm>>
      %dma_wait3A_664 = tpu.memref_squeeze %dma_wait3A_663 : memref<1x8x768xf32, #tpu.memory_space<hbm>> -> memref<8x768xf32, #tpu.memory_space<hbm>>
      %dma_wait3A_665 = arith.constant 0 : i32
      %dma_wait3A_666 = arith.constant 0 : i32
      %dma_wait3A_667 = tpu.memref_slice %arg2[%dma_wait3A_660, %dma_wait3A_665, %dma_wait3A_666] : memref<4x8192x768xf32, #tpu.memory_space<hbm>> -> memref<1x8x768xf32, #tpu.memory_space<hbm>>
      %dma_wait3A_668 = tpu.memref_squeeze %dma_wait3A_667 : memref<1x8x768xf32, #tpu.memory_space<hbm>> -> memref<8x768xf32, #tpu.memory_space<hbm>>
      tpu.wait_dma2 semaphore(%arg25 : memref<!tpu.dma_semaphore, #tpu.memory_space<semaphore_mem>>) src(%dma_wait3A_668 : memref<8x768xf32, #tpu.memory_space<hbm>>) dst(%arg18 : memref<8x768xf32, #tpu.memory_space<vmem>>)
      %parallel_loop3A_669 = arith.constant 0 : i32
      %parallel_loop3A_670 = arith.constant 384 : i32
      %parallel_loop3A_671 = arith.constant 1 : i32
      scf.for %parallel_loop3A_879 = %parallel_loop3A_669 to %parallel_loop3A_670 step %parallel_loop3A_671  : i32 {
        %parallel_loop3A_880 = arith.constant 48 : i32
        %parallel_loop3A_881 = arith.divsi %parallel_loop3A_879, %parallel_loop3A_880 : i32
        %parallel_loop3A_882 = arith.constant 0 : i32
        %parallel_loop3A_883 = arith.cmpi sgt, %parallel_loop3A_879, %parallel_loop3A_882 : i32
        %parallel_loop3A_884 = arith.extui %parallel_loop3A_883 : i1 to i32
        %parallel_loop3A_885 = arith.constant 0 : i32
        %parallel_loop3A_886 = arith.cmpi slt, %parallel_loop3A_879, %parallel_loop3A_885 : i32
        %parallel_loop3A_887 = arith.extui %parallel_loop3A_886 : i1 to i32
        %parallel_loop3A_888 = arith.subi %parallel_loop3A_884, %parallel_loop3A_887 : i32
        %parallel_loop3A_889 = arith.constant 0 : i32
        %parallel_loop3A_890 = arith.cmpi sgt, %parallel_loop3A_880, %parallel_loop3A_889 : i32
        %parallel_loop3A_891 = arith.extui %parallel_loop3A_890 : i1 to i32
        %parallel_loop3A_892 = arith.constant 0 : i32
        %parallel_loop3A_893 = arith.cmpi slt, %parallel_loop3A_880, %parallel_loop3A_892 : i32
        %parallel_loop3A_894 = arith.extui %parallel_loop3A_893 : i1 to i32
        %parallel_loop3A_895 = arith.subi %parallel_loop3A_891, %parallel_loop3A_894 : i32
        %parallel_loop3A_896 = arith.cmpi ne, %parallel_loop3A_888, %parallel_loop3A_895 : i32
        %parallel_loop3A_897 = arith.remsi %parallel_loop3A_879, %parallel_loop3A_880 : i32
        %parallel_loop3A_898 = arith.constant 0 : i32
        %parallel_loop3A_899 = arith.cmpi ne, %parallel_loop3A_897, %parallel_loop3A_898 : i32
        %parallel_loop3A_900 = arith.andi %parallel_loop3A_896, %parallel_loop3A_899 : i1
        %parallel_loop3A_901 = arith.constant 1 : i32
        %parallel_loop3A_902 = arith.subi %parallel_loop3A_881, %parallel_loop3A_901 : i32
        %parallel_loop3A_903 = arith.select %parallel_loop3A_900, %parallel_loop3A_902, %parallel_loop3A_881 : i32
        %parallel_loop3A_904 = arith.constant 48 : i32
        %parallel_loop3A_905 = arith.constant 0 : i32
        %parallel_loop3A_906 = arith.cmpi eq, %parallel_loop3A_904, %parallel_loop3A_905 : i32
        %parallel_loop3A_907 = arith.constant 1 : i32
        %parallel_loop3A_908 = arith.select %parallel_loop3A_906, %parallel_loop3A_907, %parallel_loop3A_904 : i32
        %parallel_loop3A_909 = arith.remsi %parallel_loop3A_879, %parallel_loop3A_908 : i32
        %parallel_loop3A_910 = arith.constant 0 : i32
        %parallel_loop3A_911 = arith.cmpi ne, %parallel_loop3A_909, %parallel_loop3A_910 : i32
        %parallel_loop3A_912 = arith.constant 0 : i32
        %parallel_loop3A_913 = arith.cmpi slt, %parallel_loop3A_909, %parallel_loop3A_912 : i32
        %parallel_loop3A_914 = arith.constant 0 : i32
        %parallel_loop3A_915 = arith.cmpi slt, %parallel_loop3A_908, %parallel_loop3A_914 : i32
        %parallel_loop3A_916 = arith.xori %parallel_loop3A_913, %parallel_loop3A_915 : i1
        %parallel_loop3A_917 = arith.andi %parallel_loop3A_916, %parallel_loop3A_911 : i1
        %parallel_loop3A_918 = arith.addi %parallel_loop3A_909, %parallel_loop3A_908 : i32
        %parallel_loop3A_919 = arith.select %parallel_loop3A_917, %parallel_loop3A_918, %parallel_loop3A_909 : i32
        %parallel_loop3A_920 = arith.constant 16 : i32
        %parallel_loop3A_921 = arith.muli %parallel_loop3A_919, %parallel_loop3A_920 : i32
        %parallel_loop3A_922 = arith.index_cast %parallel_loop3A_903 : i32 to index
        %parallel_loop3A_923 = arith.index_cast %parallel_loop3A_921 : i32 to index
        %parallel_loop3A_924 = tpu.vector_load %arg5[%parallel_loop3A_922, %parallel_loop3A_923] {strides = array<i32>} : memref<8x768xf32, #tpu.memory_space<vmem>>, vector<1x16xf32>,
        %parallel_loop3A_925 = vector.shape_cast %parallel_loop3A_924 : vector<1x16xf32> to vector<16xf32>
        %parallel_loop3A_926 = arith.index_cast %parallel_loop3A_903 : i32 to index
        %parallel_loop3A_927 = arith.index_cast %parallel_loop3A_921 : i32 to index
        %parallel_loop3A_928 = tpu.vector_load %arg7[%parallel_loop3A_926, %parallel_loop3A_927] {strides = array<i32>} : memref<8x768xf32, #tpu.memory_space<vmem>>, vector<1x16xf32>,
        %parallel_loop3A_929 = vector.shape_cast %parallel_loop3A_928 : vector<1x16xf32> to vector<16xf32>
        %parallel_loop3A_930 = arith.addf %parallel_loop3A_929, %parallel_loop3A_925 : vector<16xf32>
        %parallel_loop3A_931 = arith.index_cast %parallel_loop3A_903 : i32 to index
        %parallel_loop3A_932 = arith.index_cast %parallel_loop3A_921 : i32 to index
        %parallel_loop3A_933 = tpu.vector_load %arg15[%parallel_loop3A_931, %parallel_loop3A_932] {strides = array<i32>} : memref<8x768xf32, #tpu.memory_space<vmem>>, vector<1x16xf32>,
        %parallel_loop3A_934 = vector.shape_cast %parallel_loop3A_933 : vector<1x16xf32> to vector<16xf32>
        %parallel_loop3A_935 = vector.shape_cast %parallel_loop3A_930 : vector<16xf32> to vector<1x16xf32>
        tpu.vector_store %arg15[%parallel_loop3A_931, %parallel_loop3A_932], %parallel_loop3A_935 {strides = array<i32>} : memref<8x768xf32, #tpu.memory_space<vmem>>, vector<1x16xf32>,
        %parallel_loop3A_936 = arith.index_cast %parallel_loop3A_903 : i32 to index
        %parallel_loop3A_937 = arith.index_cast %parallel_loop3A_921 : i32 to index
        %parallel_loop3A_938 = tpu.vector_load %arg8[%parallel_loop3A_936, %parallel_loop3A_937] {strides = array<i32>} : memref<8x768xf32, #tpu.memory_space<vmem>>, vector<1x16xf32>,
        %parallel_loop3A_939 = vector.shape_cast %parallel_loop3A_938 : vector<1x16xf32> to vector<16xf32>
        %parallel_loop3A_940 = arith.addf %parallel_loop3A_939, %parallel_loop3A_925 : vector<16xf32>
        %parallel_loop3A_941 = arith.index_cast %parallel_loop3A_903 : i32 to index
        %parallel_loop3A_942 = arith.index_cast %parallel_loop3A_921 : i32 to index
        %parallel_loop3A_943 = tpu.vector_load %arg16[%parallel_loop3A_941, %parallel_loop3A_942] {strides = array<i32>} : memref<8x768xf32, #tpu.memory_space<vmem>>, vector<1x16xf32>,
        %parallel_loop3A_944 = vector.shape_cast %parallel_loop3A_943 : vector<1x16xf32> to vector<16xf32>
        %parallel_loop3A_945 = vector.shape_cast %parallel_loop3A_940 : vector<16xf32> to vector<1x16xf32>
        tpu.vector_store %arg16[%parallel_loop3A_941, %parallel_loop3A_942], %parallel_loop3A_945 {strides = array<i32>} : memref<8x768xf32, #tpu.memory_space<vmem>>, vector<1x16xf32>,
        %parallel_loop3A_946 = arith.index_cast %parallel_loop3A_903 : i32 to index
        %parallel_loop3A_947 = arith.index_cast %parallel_loop3A_921 : i32 to index
        %parallel_loop3A_948 = tpu.vector_load %arg9[%parallel_loop3A_946, %parallel_loop3A_947] {strides = array<i32>} : memref<8x768xf32, #tpu.memory_space<vmem>>, vector<1x16xf32>,
        %parallel_loop3A_949 = vector.shape_cast %parallel_loop3A_948 : vector<1x16xf32> to vector<16xf32>
        %parallel_loop3A_950 = arith.addf %parallel_loop3A_949, %parallel_loop3A_925 : vector<16xf32>
        %parallel_loop3A_951 = arith.index_cast %parallel_loop3A_903 : i32 to index
        %parallel_loop3A_952 = arith.index_cast %parallel_loop3A_921 : i32 to index
        %parallel_loop3A_953 = tpu.vector_load %arg17[%parallel_loop3A_951, %parallel_loop3A_952] {strides = array<i32>} : memref<8x768xf32, #tpu.memory_space<vmem>>, vector<1x16xf32>,
        %parallel_loop3A_954 = vector.shape_cast %parallel_loop3A_953 : vector<1x16xf32> to vector<16xf32>
        %parallel_loop3A_955 = vector.shape_cast %parallel_loop3A_950 : vector<16xf32> to vector<1x16xf32>
        tpu.vector_store %arg17[%parallel_loop3A_951, %parallel_loop3A_952], %parallel_loop3A_955 {strides = array<i32>} : memref<8x768xf32, #tpu.memory_space<vmem>>, vector<1x16xf32>,
        %parallel_loop3A_956 = arith.index_cast %parallel_loop3A_903 : i32 to index
        %parallel_loop3A_957 = arith.index_cast %parallel_loop3A_921 : i32 to index
        %parallel_loop3A_958 = tpu.vector_load %arg10[%parallel_loop3A_956, %parallel_loop3A_957] {strides = array<i32>} : memref<8x768xf32, #tpu.memory_space<vmem>>, vector<1x16xf32>,
        %parallel_loop3A_959 = vector.shape_cast %parallel_loop3A_958 : vector<1x16xf32> to vector<16xf32>
        %parallel_loop3A_960 = arith.addf %parallel_loop3A_959, %parallel_loop3A_925 : vector<16xf32>
        %parallel_loop3A_961 = arith.index_cast %parallel_loop3A_903 : i32 to index
        %parallel_loop3A_962 = arith.index_cast %parallel_loop3A_921 : i32 to index
        %parallel_loop3A_963 = tpu.vector_load %arg18[%parallel_loop3A_961, %parallel_loop3A_962] {strides = array<i32>} : memref<8x768xf32, #tpu.memory_space<vmem>>, vector<1x16xf32>,
        %parallel_loop3A_964 = vector.shape_cast %parallel_loop3A_963 : vector<1x16xf32> to vector<16xf32>
        %parallel_loop3A_965 = vector.shape_cast %parallel_loop3A_960 : vector<16xf32> to vector<1x16xf32>
        tpu.vector_store %arg18[%parallel_loop3A_961, %parallel_loop3A_962], %parallel_loop3A_965 {strides = array<i32>} : memref<8x768xf32, #tpu.memory_space<vmem>>, vector<1x16xf32>,
      } {sc.loop_unroll_factor = 4 : i64, sc.parallel_access}
      %dma_start3A_672 = arith.constant 0 : i32
      %dma_start3A_673 = arith.constant 0 : i32
      %dma_start3A_674 = tpu.memref_slice %arg4[%dma_start3A_672, %add3A_590, %dma_start3A_673] : memref<4x8192x768xf32, #tpu.memory_space<hbm>> -> memref<1x8x768xf32, #tpu.memory_space<hbm>>
      %dma_start3A_675 = tpu.memref_squeeze %dma_start3A_674 : memref<1x8x768xf32, #tpu.memory_space<hbm>> -> memref<8x768xf32, #tpu.memory_space<hbm>>
      %dma_start3A_676 = arith.constant 0 : i32
      %dma_start3A_677 = tpu.memref_slice %arg4[%dma_start3A_672, %add3A_590, %dma_start3A_676] : memref<4x8192x768xf32, #tpu.memory_space<hbm>> -> memref<1x8x768xf32, #tpu.memory_space<hbm>>
      %dma_start3A_678 = tpu.memref_squeeze %dma_start3A_677 : memref<1x8x768xf32, #tpu.memory_space<hbm>> -> memref<8x768xf32, #tpu.memory_space<hbm>>
      tpu.enqueue_dma source(%arg15 : memref<8x768xf32, #tpu.memory_space<vmem>>) target(%dma_start3A_678 : memref<8x768xf32, #tpu.memory_space<hbm>>) target_semaphore(%arg25 : memref<!tpu.dma_semaphore, #tpu.memory_space<semaphore_mem>>)
      %dma_start3A_679 = arith.constant 1 : i32
      %dma_start3A_680 = arith.constant 0 : i32
      %dma_start3A_681 = tpu.memref_slice %arg4[%dma_start3A_679, %add3A_590, %dma_start3A_680] : memref<4x8192x768xf32, #tpu.memory_space<hbm>> -> memref<1x8x768xf32, #tpu.memory_space<hbm>>
      %dma_start3A_682 = tpu.memref_squeeze %dma_start3A_681 : memref<1x8x768xf32, #tpu.memory_space<hbm>> -> memref<8x768xf32, #tpu.memory_space<hbm>>
      %dma_start3A_683 = arith.constant 0 : i32
      %dma_start3A_684 = tpu.memref_slice %arg4[%dma_start3A_679, %add3A_590, %dma_start3A_683] : memref<4x8192x768xf32, #tpu.memory_space<hbm>> -> memref<1x8x768xf32, #tpu.memory_space<hbm>>
      %dma_start3A_685 = tpu.memref_squeeze %dma_start3A_684 : memref<1x8x768xf32, #tpu.memory_space<hbm>> -> memref<8x768xf32, #tpu.memory_space<hbm>>
      tpu.enqueue_dma source(%arg16 : memref<8x768xf32, #tpu.memory_space<vmem>>) target(%dma_start3A_685 : memref<8x768xf32, #tpu.memory_space<hbm>>) target_semaphore(%arg25 : memref<!tpu.dma_semaphore, #tpu.memory_space<semaphore_mem>>)
      %dma_start3A_686 = arith.constant 2 : i32
      %dma_start3A_687 = arith.constant 0 : i32
      %dma_start3A_688 = tpu.memref_slice %arg4[%dma_start3A_686, %add3A_590, %dma_start3A_687] : memref<4x8192x768xf32, #tpu.memory_space<hbm>> -> memref<1x8x768xf32, #tpu.memory_space<hbm>>
      %dma_start3A_689 = tpu.memref_squeeze %dma_start3A_688 : memref<1x8x768xf32, #tpu.memory_space<hbm>> -> memref<8x768xf32, #tpu.memory_space<hbm>>
      %dma_start3A_690 = arith.constant 0 : i32
      %dma_start3A_691 = tpu.memref_slice %arg4[%dma_start3A_686, %add3A_590, %dma_start3A_690] : memref<4x8192x768xf32, #tpu.memory_space<hbm>> -> memref<1x8x768xf32, #tpu.memory_space<hbm>>
      %dma_start3A_692 = tpu.memref_squeeze %dma_start3A_691 : memref<1x8x768xf32, #tpu.memory_space<hbm>> -> memref<8x768xf32, #tpu.memory_space<hbm>>
      tpu.enqueue_dma source(%arg17 : memref<8x768xf32, #tpu.memory_space<vmem>>) target(%dma_start3A_692 : memref<8x768xf32, #tpu.memory_space<hbm>>) target_semaphore(%arg25 : memref<!tpu.dma_semaphore, #tpu.memory_space<semaphore_mem>>)
      %dma_start3A_693 = arith.constant 3 : i32
      %dma_start3A_694 = arith.constant 0 : i32
      %dma_start3A_695 = tpu.memref_slice %arg4[%dma_start3A_693, %add3A_590, %dma_start3A_694] : memref<4x8192x768xf32, #tpu.memory_space<hbm>> -> memref<1x8x768xf32, #tpu.memory_space<hbm>>
      %dma_start3A_696 = tpu.memref_squeeze %dma_start3A_695 : memref<1x8x768xf32, #tpu.memory_space<hbm>> -> memref<8x768xf32, #tpu.memory_space<hbm>>
      %dma_start3A_697 = arith.constant 0 : i32
      %dma_start3A_698 = tpu.memref_slice %arg4[%dma_start3A_693, %add3A_590, %dma_start3A_697] : memref<4x8192x768xf32, #tpu.memory_space<hbm>> -> memref<1x8x768xf32, #tpu.memory_space<hbm>>
      %dma_start3A_699 = tpu.memref_squeeze %dma_start3A_698 : memref<1x8x768xf32, #tpu.memory_space<hbm>> -> memref<8x768xf32, #tpu.memory_space<hbm>>
      tpu.enqueue_dma source(%arg18 : memref<8x768xf32, #tpu.memory_space<vmem>>) target(%dma_start3A_699 : memref<8x768xf32, #tpu.memory_space<hbm>>) target_semaphore(%arg25 : memref<!tpu.dma_semaphore, #tpu.memory_space<semaphore_mem>>)
      %add3A_700 = arith.constant 16 : i32
      %add3A_701 = arith.addi %add3A_590, %add3A_700 : i32
      %dma_start3A_702 = arith.constant 0 : i32
      %dma_start3A_703 = tpu.memref_slice %arg3[%add3A_701, %dma_start3A_702] : memref<8192x768xf32, #tpu.memory_space<hbm>> -> memref<8x768xf32, #tpu.memory_space<hbm>>
      %dma_start3A_704 = arith.constant 0 : i32
      %dma_start3A_705 = tpu.memref_slice %arg3[%add3A_701, %dma_start3A_704] : memref<8192x768xf32, #tpu.memory_space<hbm>> -> memref<8x768xf32, #tpu.memory_space<hbm>>
      tpu.enqueue_dma source(%dma_start3A_705 : memref<8x768xf32, #tpu.memory_space<hbm>>) target(%arg5 : memref<8x768xf32, #tpu.memory_space<vmem>>) target_semaphore(%arg23 : memref<!tpu.dma_semaphore, #tpu.memory_space<semaphore_mem>>)
      %dma_start3A_706 = arith.constant 0 : i32
      %dma_start3A_707 = arith.constant 0 : i32
      %dma_start3A_708 = tpu.memref_slice %arg2[%dma_start3A_706, %add3A_701, %dma_start3A_707] : memref<4x8192x768xf32, #tpu.memory_space<hbm>> -> memref<1x8x768xf32, #tpu.memory_space<hbm>>
      %dma_start3A_709 = tpu.memref_squeeze %dma_start3A_708 : memref<1x8x768xf32, #tpu.memory_space<hbm>> -> memref<8x768xf32, #tpu.memory_space<hbm>>
      %dma_start3A_710 = arith.constant 0 : i32
      %dma_start3A_711 = tpu.memref_slice %arg2[%dma_start3A_706, %add3A_701, %dma_start3A_710] : memref<4x8192x768xf32, #tpu.memory_space<hbm>> -> memref<1x8x768xf32, #tpu.memory_space<hbm>>
      %dma_start3A_712 = tpu.memref_squeeze %dma_start3A_711 : memref<1x8x768xf32, #tpu.memory_space<hbm>> -> memref<8x768xf32, #tpu.memory_space<hbm>>
      tpu.enqueue_dma source(%dma_start3A_712 : memref<8x768xf32, #tpu.memory_space<hbm>>) target(%arg7 : memref<8x768xf32, #tpu.memory_space<vmem>>) target_semaphore(%arg23 : memref<!tpu.dma_semaphore, #tpu.memory_space<semaphore_mem>>)
      %dma_start3A_713 = arith.constant 1 : i32
      %dma_start3A_714 = arith.constant 0 : i32
      %dma_start3A_715 = tpu.memref_slice %arg2[%dma_start3A_713, %add3A_701, %dma_start3A_714] : memref<4x8192x768xf32, #tpu.memory_space<hbm>> -> memref<1x8x768xf32, #tpu.memory_space<hbm>>
      %dma_start3A_716 = tpu.memref_squeeze %dma_start3A_715 : memref<1x8x768xf32, #tpu.memory_space<hbm>> -> memref<8x768xf32, #tpu.memory_space<hbm>>
      %dma_start3A_717 = arith.constant 0 : i32
      %dma_start3A_718 = tpu.memref_slice %arg2[%dma_start3A_713, %add3A_701, %dma_start3A_717] : memref<4x8192x768xf32, #tpu.memory_space<hbm>> -> memref<1x8x768xf32, #tpu.memory_space<hbm>>
      %dma_start3A_719 = tpu.memref_squeeze %dma_start3A_718 : memref<1x8x768xf32, #tpu.memory_space<hbm>> -> memref<8x768xf32, #tpu.memory_space<hbm>>
      tpu.enqueue_dma source(%dma_start3A_719 : memref<8x768xf32, #tpu.memory_space<hbm>>) target(%arg8 : memref<8x768xf32, #tpu.memory_space<vmem>>) target_semaphore(%arg23 : memref<!tpu.dma_semaphore, #tpu.memory_space<semaphore_mem>>)
      %dma_start3A_720 = arith.constant 2 : i32
      %dma_start3A_721 = arith.constant 0 : i32
      %dma_start3A_722 = tpu.memref_slice %arg2[%dma_start3A_720, %add3A_701, %dma_start3A_721] : memref<4x8192x768xf32, #tpu.memory_space<hbm>> -> memref<1x8x768xf32, #tpu.memory_space<hbm>>
      %dma_start3A_723 = tpu.memref_squeeze %dma_start3A_722 : memref<1x8x768xf32, #tpu.memory_space<hbm>> -> memref<8x768xf32, #tpu.memory_space<hbm>>
      %dma_start3A_724 = arith.constant 0 : i32
      %dma_start3A_725 = tpu.memref_slice %arg2[%dma_start3A_720, %add3A_701, %dma_start3A_724] : memref<4x8192x768xf32, #tpu.memory_space<hbm>> -> memref<1x8x768xf32, #tpu.memory_space<hbm>>
      %dma_start3A_726 = tpu.memref_squeeze %dma_start3A_725 : memref<1x8x768xf32, #tpu.memory_space<hbm>> -> memref<8x768xf32, #tpu.memory_space<hbm>>
      tpu.enqueue_dma source(%dma_start3A_726 : memref<8x768xf32, #tpu.memory_space<hbm>>) target(%arg9 : memref<8x768xf32, #tpu.memory_space<vmem>>) target_semaphore(%arg23 : memref<!tpu.dma_semaphore, #tpu.memory_space<semaphore_mem>>)
      %dma_start3A_727 = arith.constant 3 : i32
      %dma_start3A_728 = arith.constant 0 : i32
      %dma_start3A_729 = tpu.memref_slice %arg2[%dma_start3A_727, %add3A_701, %dma_start3A_728] : memref<4x8192x768xf32, #tpu.memory_space<hbm>> -> memref<1x8x768xf32, #tpu.memory_space<hbm>>
      %dma_start3A_730 = tpu.memref_squeeze %dma_start3A_729 : memref<1x8x768xf32, #tpu.memory_space<hbm>> -> memref<8x768xf32, #tpu.memory_space<hbm>>
      %dma_start3A_731 = arith.constant 0 : i32
      %dma_start3A_732 = tpu.memref_slice %arg2[%dma_start3A_727, %add3A_701, %dma_start3A_731] : memref<4x8192x768xf32, #tpu.memory_space<hbm>> -> memref<1x8x768xf32, #tpu.memory_space<hbm>>
      %dma_start3A_733 = tpu.memref_squeeze %dma_start3A_732 : memref<1x8x768xf32, #tpu.memory_space<hbm>> -> memref<8x768xf32, #tpu.memory_space<hbm>>
      tpu.enqueue_dma source(%dma_start3A_733 : memref<8x768xf32, #tpu.memory_space<hbm>>) target(%arg10 : memref<8x768xf32, #tpu.memory_space<vmem>>) target_semaphore(%arg23 : memref<!tpu.dma_semaphore, #tpu.memory_space<semaphore_mem>>)
      %add3A_734 = arith.constant 8 : i32
      %add3A_735 = arith.addi %add3A_588, %add3A_734 : i32
      %dma_wait3A_736 = arith.constant 0 : i32
      %dma_wait3A_737 = arith.constant 0 : i32
      %dma_wait3A_738 = tpu.memref_slice %arg3[%dma_wait3A_736, %dma_wait3A_737] : memref<8192x768xf32, #tpu.memory_space<hbm>> -> memref<8x768xf32, #tpu.memory_space<hbm>>
      %dma_wait3A_739 = arith.constant 0 : i32
      %dma_wait3A_740 = arith.constant 0 : i32
      %dma_wait3A_741 = tpu.memref_slice %arg3[%dma_wait3A_739, %dma_wait3A_740] : memref<8192x768xf32, #tpu.memory_space<hbm>> -> memref<8x768xf32, #tpu.memory_space<hbm>>
      tpu.wait_dma2 semaphore(%arg24 : memref<!tpu.dma_semaphore, #tpu.memory_space<semaphore_mem>>) src(%dma_wait3A_741 : memref<8x768xf32, #tpu.memory_space<hbm>>) dst(%arg6 : memref<8x768xf32, #tpu.memory_space<vmem>>)
      %dma_wait3A_742 = arith.constant 0 : i32
      %dma_wait3A_743 = arith.constant 0 : i32
      %dma_wait3A_744 = arith.constant 0 : i32
      %dma_wait3A_745 = tpu.memref_slice %arg2[%dma_wait3A_742, %dma_wait3A_743, %dma_wait3A_744] : memref<4x8192x768xf32, #tpu.memory_space<hbm>> -> memref<1x8x768xf32, #tpu.memory_space<hbm>>
      %dma_wait3A_746 = tpu.memref_squeeze %dma_wait3A_745 : memref<1x8x768xf32, #tpu.memory_space<hbm>> -> memref<8x768xf32, #tpu.memory_space<hbm>>
      %dma_wait3A_747 = arith.constant 0 : i32
      %dma_wait3A_748 = arith.constant 0 : i32
      %dma_wait3A_749 = tpu.memref_slice %arg2[%dma_wait3A_742, %dma_wait3A_747, %dma_wait3A_748] : memref<4x8192x768xf32, #tpu.memory_space<hbm>> -> memref<1x8x768xf32, #tpu.memory_space<hbm>>
      %dma_wait3A_750 = tpu.memref_squeeze %dma_wait3A_749 : memref<1x8x768xf32, #tpu.memory_space<hbm>> -> memref<8x768xf32, #tpu.memory_space<hbm>>
      tpu.wait_dma2 semaphore(%arg24 : memref<!tpu.dma_semaphore, #tpu.memory_space<semaphore_mem>>) src(%dma_wait3A_750 : memref<8x768xf32, #tpu.memory_space<hbm>>) dst(%arg11 : memref<8x768xf32, #tpu.memory_space<vmem>>)
      %dma_wait3A_751 = arith.constant 1 : i32
      %dma_wait3A_752 = arith.constant 0 : i32
      %dma_wait3A_753 = arith.constant 0 : i32
      %dma_wait3A_754 = tpu.memref_slice %arg2[%dma_wait3A_751, %dma_wait3A_752, %dma_wait3A_753] : memref<4x8192x768xf32, #tpu.memory_space<hbm>> -> memref<1x8x768xf32, #tpu.memory_space<hbm>>
      %dma_wait3A_755 = tpu.memref_squeeze %dma_wait3A_754 : memref<1x8x768xf32, #tpu.memory_space<hbm>> -> memref<8x768xf32, #tpu.memory_space<hbm>>
      %dma_wait3A_756 = arith.constant 0 : i32
      %dma_wait3A_757 = arith.constant 0 : i32
      %dma_wait3A_758 = tpu.memref_slice %arg2[%dma_wait3A_751, %dma_wait3A_756, %dma_wait3A_757] : memref<4x8192x768xf32, #tpu.memory_space<hbm>> -> memref<1x8x768xf32, #tpu.memory_space<hbm>>
      %dma_wait3A_759 = tpu.memref_squeeze %dma_wait3A_758 : memref<1x8x768xf32, #tpu.memory_space<hbm>> -> memref<8x768xf32, #tpu.memory_space<hbm>>
      tpu.wait_dma2 semaphore(%arg24 : memref<!tpu.dma_semaphore, #tpu.memory_space<semaphore_mem>>) src(%dma_wait3A_759 : memref<8x768xf32, #tpu.memory_space<hbm>>) dst(%arg12 : memref<8x768xf32, #tpu.memory_space<vmem>>)
      %dma_wait3A_760 = arith.constant 2 : i32
      %dma_wait3A_761 = arith.constant 0 : i32
      %dma_wait3A_762 = arith.constant 0 : i32
      %dma_wait3A_763 = tpu.memref_slice %arg2[%dma_wait3A_760, %dma_wait3A_761, %dma_wait3A_762] : memref<4x8192x768xf32, #tpu.memory_space<hbm>> -> memref<1x8x768xf32, #tpu.memory_space<hbm>>
      %dma_wait3A_764 = tpu.memref_squeeze %dma_wait3A_763 : memref<1x8x768xf32, #tpu.memory_space<hbm>> -> memref<8x768xf32, #tpu.memory_space<hbm>>
      %dma_wait3A_765 = arith.constant 0 : i32
      %dma_wait3A_766 = arith.constant 0 : i32
      %dma_wait3A_767 = tpu.memref_slice %arg2[%dma_wait3A_760, %dma_wait3A_765, %dma_wait3A_766] : memref<4x8192x768xf32, #tpu.memory_space<hbm>> -> memref<1x8x768xf32, #tpu.memory_space<hbm>>
      %dma_wait3A_768 = tpu.memref_squeeze %dma_wait3A_767 : memref<1x8x768xf32, #tpu.memory_space<hbm>> -> memref<8x768xf32, #tpu.memory_space<hbm>>
      tpu.wait_dma2 semaphore(%arg24 : memref<!tpu.dma_semaphore, #tpu.memory_space<semaphore_mem>>) src(%dma_wait3A_768 : memref<8x768xf32, #tpu.memory_space<hbm>>) dst(%arg13 : memref<8x768xf32, #tpu.memory_space<vmem>>)
      %dma_wait3A_769 = arith.constant 3 : i32
      %dma_wait3A_770 = arith.constant 0 : i32
      %dma_wait3A_771 = arith.constant 0 : i32
      %dma_wait3A_772 = tpu.memref_slice %arg2[%dma_wait3A_769, %dma_wait3A_770, %dma_wait3A_771] : memref<4x8192x768xf32, #tpu.memory_space<hbm>> -> memref<1x8x768xf32, #tpu.memory_space<hbm>>
      %dma_wait3A_773 = tpu.memref_squeeze %dma_wait3A_772 : memref<1x8x768xf32, #tpu.memory_space<hbm>> -> memref<8x768xf32, #tpu.memory_space<hbm>>
      %dma_wait3A_774 = arith.constant 0 : i32
      %dma_wait3A_775 = arith.constant 0 : i32
      %dma_wait3A_776 = tpu.memref_slice %arg2[%dma_wait3A_769, %dma_wait3A_774, %dma_wait3A_775] : memref<4x8192x768xf32, #tpu.memory_space<hbm>> -> memref<1x8x768xf32, #tpu.memory_space<hbm>>
      %dma_wait3A_777 = tpu.memref_squeeze %dma_wait3A_776 : memref<1x8x768xf32, #tpu.memory_space<hbm>> -> memref<8x768xf32, #tpu.memory_space<hbm>>
      tpu.wait_dma2 semaphore(%arg24 : memref<!tpu.dma_semaphore, #tpu.memory_space<semaphore_mem>>) src(%dma_wait3A_777 : memref<8x768xf32, #tpu.memory_space<hbm>>) dst(%arg14 : memref<8x768xf32, #tpu.memory_space<vmem>>)
      %dma_wait3A_778 = arith.constant 0 : i32
      %dma_wait3A_779 = arith.constant 0 : i32
      %dma_wait3A_780 = arith.constant 0 : i32
      %dma_wait3A_781 = tpu.memref_slice %arg2[%dma_wait3A_778, %dma_wait3A_779, %dma_wait3A_780] : memref<4x8192x768xf32, #tpu.memory_space<hbm>> -> memref<1x8x768xf32, #tpu.memory_space<hbm>>
      %dma_wait3A_782 = tpu.memref_squeeze %dma_wait3A_781 : memref<1x8x768xf32, #tpu.memory_space<hbm>> -> memref<8x768xf32, #tpu.memory_space<hbm>>
      %dma_wait3A_783 = arith.constant 0 : i32
      %dma_wait3A_784 = arith.constant 0 : i32
      %dma_wait3A_785 = tpu.memref_slice %arg2[%dma_wait3A_778, %dma_wait3A_783, %dma_wait3A_784] : memref<4x8192x768xf32, #tpu.memory_space<hbm>> -> memref<1x8x768xf32, #tpu.memory_space<hbm>>
      %dma_wait3A_786 = tpu.memref_squeeze %dma_wait3A_785 : memref<1x8x768xf32, #tpu.memory_space<hbm>> -> memref<8x768xf32, #tpu.memory_space<hbm>>
      tpu.wait_dma2 semaphore(%arg26 : memref<!tpu.dma_semaphore, #tpu.memory_space<semaphore_mem>>) src(%dma_wait3A_786 : memref<8x768xf32, #tpu.memory_space<hbm>>) dst(%arg19 : memref<8x768xf32, #tpu.memory_space<vmem>>)
      %dma_wait3A_787 = arith.constant 1 : i32
      %dma_wait3A_788 = arith.constant 0 : i32
      %dma_wait3A_789 = arith.constant 0 : i32
      %dma_wait3A_790 = tpu.memref_slice %arg2[%dma_wait3A_787, %dma_wait3A_788, %dma_wait3A_789] : memref<4x8192x768xf32, #tpu.memory_space<hbm>> -> memref<1x8x768xf32, #tpu.memory_space<hbm>>
      %dma_wait3A_791 = tpu.memref_squeeze %dma_wait3A_790 : memref<1x8x768xf32, #tpu.memory_space<hbm>> -> memref<8x768xf32, #tpu.memory_space<hbm>>
      %dma_wait3A_792 = arith.constant 0 : i32
      %dma_wait3A_793 = arith.constant 0 : i32
      %dma_wait3A_794 = tpu.memref_slice %arg2[%dma_wait3A_787, %dma_wait3A_792, %dma_wait3A_793] : memref<4x8192x768xf32, #tpu.memory_space<hbm>> -> memref<1x8x768xf32, #tpu.memory_space<hbm>>
      %dma_wait3A_795 = tpu.memref_squeeze %dma_wait3A_794 : memref<1x8x768xf32, #tpu.memory_space<hbm>> -> memref<8x768xf32, #tpu.memory_space<hbm>>
      tpu.wait_dma2 semaphore(%arg26 : memref<!tpu.dma_semaphore, #tpu.memory_space<semaphore_mem>>) src(%dma_wait3A_795 : memref<8x768xf32, #tpu.memory_space<hbm>>) dst(%arg20 : memref<8x768xf32, #tpu.memory_space<vmem>>)
      %dma_wait3A_796 = arith.constant 2 : i32
      %dma_wait3A_797 = arith.constant 0 : i32
      %dma_wait3A_798 = arith.constant 0 : i32
      %dma_wait3A_799 = tpu.memref_slice %arg2[%dma_wait3A_796, %dma_wait3A_797, %dma_wait3A_798] : memref<4x8192x768xf32, #tpu.memory_space<hbm>> -> memref<1x8x768xf32, #tpu.memory_space<hbm>>
      %dma_wait3A_800 = tpu.memref_squeeze %dma_wait3A_799 : memref<1x8x768xf32, #tpu.memory_space<hbm>> -> memref<8x768xf32, #tpu.memory_space<hbm>>
      %dma_wait3A_801 = arith.constant 0 : i32
      %dma_wait3A_802 = arith.constant 0 : i32
      %dma_wait3A_803 = tpu.memref_slice %arg2[%dma_wait3A_796, %dma_wait3A_801, %dma_wait3A_802] : memref<4x8192x768xf32, #tpu.memory_space<hbm>> -> memref<1x8x768xf32, #tpu.memory_space<hbm>>
      %dma_wait3A_804 = tpu.memref_squeeze %dma_wait3A_803 : memref<1x8x768xf32, #tpu.memory_space<hbm>> -> memref<8x768xf32, #tpu.memory_space<hbm>>
      tpu.wait_dma2 semaphore(%arg26 : memref<!tpu.dma_semaphore, #tpu.memory_space<semaphore_mem>>) src(%dma_wait3A_804 : memref<8x768xf32, #tpu.memory_space<hbm>>) dst(%arg21 : memref<8x768xf32, #tpu.memory_space<vmem>>)
      %dma_wait3A_805 = arith.constant 3 : i32
      %dma_wait3A_806 = arith.constant 0 : i32
      %dma_wait3A_807 = arith.constant 0 : i32
      %dma_wait3A_808 = tpu.memref_slice %arg2[%dma_wait3A_805, %dma_wait3A_806, %dma_wait3A_807] : memref<4x8192x768xf32, #tpu.memory_space<hbm>> -> memref<1x8x768xf32, #tpu.memory_space<hbm>>
      %dma_wait3A_809 = tpu.memref_squeeze %dma_wait3A_808 : memref<1x8x768xf32, #tpu.memory_space<hbm>> -> memref<8x768xf32, #tpu.memory_space<hbm>>
      %dma_wait3A_810 = arith.constant 0 : i32
      %dma_wait3A_811 = arith.constant 0 : i32
      %dma_wait3A_812 = tpu.memref_slice %arg2[%dma_wait3A_805, %dma_wait3A_810, %dma_wait3A_811] : memref<4x8192x768xf32, #tpu.memory_space<hbm>> -> memref<1x8x768xf32, #tpu.memory_space<hbm>>
      %dma_wait3A_813 = tpu.memref_squeeze %dma_wait3A_812 : memref<1x8x768xf32, #tpu.memory_space<hbm>> -> memref<8x768xf32, #tpu.memory_space<hbm>>
      tpu.wait_dma2 semaphore(%arg26 : memref<!tpu.dma_semaphore, #tpu.memory_space<semaphore_mem>>) src(%dma_wait3A_813 : memref<8x768xf32, #tpu.memory_space<hbm>>) dst(%arg22 : memref<8x768xf32, #tpu.memory_space<vmem>>)
      %parallel_loop3A_814 = arith.constant 0 : i32
      %parallel_loop3A_815 = arith.constant 384 : i32
      %parallel_loop3A_816 = arith.constant 1 : i32
      scf.for %parallel_loop3A_879 = %parallel_loop3A_814 to %parallel_loop3A_815 step %parallel_loop3A_816  : i32 {
        %parallel_loop3A_880 = arith.constant 48 : i32
        %parallel_loop3A_881 = arith.divsi %parallel_loop3A_879, %parallel_loop3A_880 : i32
        %parallel_loop3A_882 = arith.constant 0 : i32
        %parallel_loop3A_883 = arith.cmpi sgt, %parallel_loop3A_879, %parallel_loop3A_882 : i32
        %parallel_loop3A_884 = arith.extui %parallel_loop3A_883 : i1 to i32
        %parallel_loop3A_885 = arith.constant 0 : i32
        %parallel_loop3A_886 = arith.cmpi slt, %parallel_loop3A_879, %parallel_loop3A_885 : i32
        %parallel_loop3A_887 = arith.extui %parallel_loop3A_886 : i1 to i32
        %parallel_loop3A_888 = arith.subi %parallel_loop3A_884, %parallel_loop3A_887 : i32
        %parallel_loop3A_889 = arith.constant 0 : i32
        %parallel_loop3A_890 = arith.cmpi sgt, %parallel_loop3A_880, %parallel_loop3A_889 : i32
        %parallel_loop3A_891 = arith.extui %parallel_loop3A_890 : i1 to i32
        %parallel_loop3A_892 = arith.constant 0 : i32
        %parallel_loop3A_893 = arith.cmpi slt, %parallel_loop3A_880, %parallel_loop3A_892 : i32
        %parallel_loop3A_894 = arith.extui %parallel_loop3A_893 : i1 to i32
        %parallel_loop3A_895 = arith.subi %parallel_loop3A_891, %parallel_loop3A_894 : i32
        %parallel_loop3A_896 = arith.cmpi ne, %parallel_loop3A_888, %parallel_loop3A_895 : i32
        %parallel_loop3A_897 = arith.remsi %parallel_loop3A_879, %parallel_loop3A_880 : i32
        %parallel_loop3A_898 = arith.constant 0 : i32
        %parallel_loop3A_899 = arith.cmpi ne, %parallel_loop3A_897, %parallel_loop3A_898 : i32
        %parallel_loop3A_900 = arith.andi %parallel_loop3A_896, %parallel_loop3A_899 : i1
        %parallel_loop3A_901 = arith.constant 1 : i32
        %parallel_loop3A_902 = arith.subi %parallel_loop3A_881, %parallel_loop3A_901 : i32
        %parallel_loop3A_903 = arith.select %parallel_loop3A_900, %parallel_loop3A_902, %parallel_loop3A_881 : i32
        %parallel_loop3A_904 = arith.constant 48 : i32
        %parallel_loop3A_905 = arith.constant 0 : i32
        %parallel_loop3A_906 = arith.cmpi eq, %parallel_loop3A_904, %parallel_loop3A_905 : i32
        %parallel_loop3A_907 = arith.constant 1 : i32
        %parallel_loop3A_908 = arith.select %parallel_loop3A_906, %parallel_loop3A_907, %parallel_loop3A_904 : i32
        %parallel_loop3A_909 = arith.remsi %parallel_loop3A_879, %parallel_loop3A_908 : i32
        %parallel_loop3A_910 = arith.constant 0 : i32
        %parallel_loop3A_911 = arith.cmpi ne, %parallel_loop3A_909, %parallel_loop3A_910 : i32
        %parallel_loop3A_912 = arith.constant 0 : i32
        %parallel_loop3A_913 = arith.cmpi slt, %parallel_loop3A_909, %parallel_loop3A_912 : i32
        %parallel_loop3A_914 = arith.constant 0 : i32
        %parallel_loop3A_915 = arith.cmpi slt, %parallel_loop3A_908, %parallel_loop3A_914 : i32
        %parallel_loop3A_916 = arith.xori %parallel_loop3A_913, %parallel_loop3A_915 : i1
        %parallel_loop3A_917 = arith.andi %parallel_loop3A_916, %parallel_loop3A_911 : i1
        %parallel_loop3A_918 = arith.addi %parallel_loop3A_909, %parallel_loop3A_908 : i32
        %parallel_loop3A_919 = arith.select %parallel_loop3A_917, %parallel_loop3A_918, %parallel_loop3A_909 : i32
        %parallel_loop3A_920 = arith.constant 16 : i32
        %parallel_loop3A_921 = arith.muli %parallel_loop3A_919, %parallel_loop3A_920 : i32
        %parallel_loop3A_922 = arith.index_cast %parallel_loop3A_903 : i32 to index
        %parallel_loop3A_923 = arith.index_cast %parallel_loop3A_921 : i32 to index
        %parallel_loop3A_924 = tpu.vector_load %arg6[%parallel_loop3A_922, %parallel_loop3A_923] {strides = array<i32>} : memref<8x768xf32, #tpu.memory_space<vmem>>, vector<1x16xf32>,
        %parallel_loop3A_925 = vector.shape_cast %parallel_loop3A_924 : vector<1x16xf32> to vector<16xf32>
        %parallel_loop3A_926 = arith.index_cast %parallel_loop3A_903 : i32 to index
        %parallel_loop3A_927 = arith.index_cast %parallel_loop3A_921 : i32 to index
        %parallel_loop3A_928 = tpu.vector_load %arg11[%parallel_loop3A_926, %parallel_loop3A_927] {strides = array<i32>} : memref<8x768xf32, #tpu.memory_space<vmem>>, vector<1x16xf32>,
        %parallel_loop3A_929 = vector.shape_cast %parallel_loop3A_928 : vector<1x16xf32> to vector<16xf32>
        %parallel_loop3A_930 = arith.addf %parallel_loop3A_929, %parallel_loop3A_925 : vector<16xf32>
        %parallel_loop3A_931 = arith.index_cast %parallel_loop3A_903 : i32 to index
        %parallel_loop3A_932 = arith.index_cast %parallel_loop3A_921 : i32 to index
        %parallel_loop3A_933 = tpu.vector_load %arg19[%parallel_loop3A_931, %parallel_loop3A_932] {strides = array<i32>} : memref<8x768xf32, #tpu.memory_space<vmem>>, vector<1x16xf32>,
        %parallel_loop3A_934 = vector.shape_cast %parallel_loop3A_933 : vector<1x16xf32> to vector<16xf32>
        %parallel_loop3A_935 = vector.shape_cast %parallel_loop3A_930 : vector<16xf32> to vector<1x16xf32>
        tpu.vector_store %arg19[%parallel_loop3A_931, %parallel_loop3A_932], %parallel_loop3A_935 {strides = array<i32>} : memref<8x768xf32, #tpu.memory_space<vmem>>, vector<1x16xf32>,
        %parallel_loop3A_936 = arith.index_cast %parallel_loop3A_903 : i32 to index
        %parallel_loop3A_937 = arith.index_cast %parallel_loop3A_921 : i32 to index
        %parallel_loop3A_938 = tpu.vector_load %arg12[%parallel_loop3A_936, %parallel_loop3A_937] {strides = array<i32>} : memref<8x768xf32, #tpu.memory_space<vmem>>, vector<1x16xf32>,
        %parallel_loop3A_939 = vector.shape_cast %parallel_loop3A_938 : vector<1x16xf32> to vector<16xf32>
        %parallel_loop3A_940 = arith.addf %parallel_loop3A_939, %parallel_loop3A_925 : vector<16xf32>
        %parallel_loop3A_941 = arith.index_cast %parallel_loop3A_903 : i32 to index
        %parallel_loop3A_942 = arith.index_cast %parallel_loop3A_921 : i32 to index
        %parallel_loop3A_943 = tpu.vector_load %arg20[%parallel_loop3A_941, %parallel_loop3A_942] {strides = array<i32>} : memref<8x768xf32, #tpu.memory_space<vmem>>, vector<1x16xf32>,
        %parallel_loop3A_944 = vector.shape_cast %parallel_loop3A_943 : vector<1x16xf32> to vector<16xf32>
        %parallel_loop3A_945 = vector.shape_cast %parallel_loop3A_940 : vector<16xf32> to vector<1x16xf32>
        tpu.vector_store %arg20[%parallel_loop3A_941, %parallel_loop3A_942], %parallel_loop3A_945 {strides = array<i32>} : memref<8x768xf32, #tpu.memory_space<vmem>>, vector<1x16xf32>,
        %parallel_loop3A_946 = arith.index_cast %parallel_loop3A_903 : i32 to index
        %parallel_loop3A_947 = arith.index_cast %parallel_loop3A_921 : i32 to index
        %parallel_loop3A_948 = tpu.vector_load %arg13[%parallel_loop3A_946, %parallel_loop3A_947] {strides = array<i32>} : memref<8x768xf32, #tpu.memory_space<vmem>>, vector<1x16xf32>,
        %parallel_loop3A_949 = vector.shape_cast %parallel_loop3A_948 : vector<1x16xf32> to vector<16xf32>
        %parallel_loop3A_950 = arith.addf %parallel_loop3A_949, %parallel_loop3A_925 : vector<16xf32>
        %parallel_loop3A_951 = arith.index_cast %parallel_loop3A_903 : i32 to index
        %parallel_loop3A_952 = arith.index_cast %parallel_loop3A_921 : i32 to index
        %parallel_loop3A_953 = tpu.vector_load %arg21[%parallel_loop3A_951, %parallel_loop3A_952] {strides = array<i32>} : memref<8x768xf32, #tpu.memory_space<vmem>>, vector<1x16xf32>,
        %parallel_loop3A_954 = vector.shape_cast %parallel_loop3A_953 : vector<1x16xf32> to vector<16xf32>
        %parallel_loop3A_955 = vector.shape_cast %parallel_loop3A_950 : vector<16xf32> to vector<1x16xf32>
        tpu.vector_store %arg21[%parallel_loop3A_951, %parallel_loop3A_952], %parallel_loop3A_955 {strides = array<i32>} : memref<8x768xf32, #tpu.memory_space<vmem>>, vector<1x16xf32>,
        %parallel_loop3A_956 = arith.index_cast %parallel_loop3A_903 : i32 to index
        %parallel_loop3A_957 = arith.index_cast %parallel_loop3A_921 : i32 to index
        %parallel_loop3A_958 = tpu.vector_load %arg14[%parallel_loop3A_956, %parallel_loop3A_957] {strides = array<i32>} : memref<8x768xf32, #tpu.memory_space<vmem>>, vector<1x16xf32>,
        %parallel_loop3A_959 = vector.shape_cast %parallel_loop3A_958 : vector<1x16xf32> to vector<16xf32>
        %parallel_loop3A_960 = arith.addf %parallel_loop3A_959, %parallel_loop3A_925 : vector<16xf32>
        %parallel_loop3A_961 = arith.index_cast %parallel_loop3A_903 : i32 to index
        %parallel_loop3A_962 = arith.index_cast %parallel_loop3A_921 : i32 to index
        %parallel_loop3A_963 = tpu.vector_load %arg22[%parallel_loop3A_961, %parallel_loop3A_962] {strides = array<i32>} : memref<8x768xf32, #tpu.memory_space<vmem>>, vector<1x16xf32>,
        %parallel_loop3A_964 = vector.shape_cast %parallel_loop3A_963 : vector<1x16xf32> to vector<16xf32>
        %parallel_loop3A_965 = vector.shape_cast %parallel_loop3A_960 : vector<16xf32> to vector<1x16xf32>
        tpu.vector_store %arg22[%parallel_loop3A_961, %parallel_loop3A_962], %parallel_loop3A_965 {strides = array<i32>} : memref<8x768xf32, #tpu.memory_space<vmem>>, vector<1x16xf32>,
      } {sc.loop_unroll_factor = 4 : i64, sc.parallel_access}
      %dma_start3A_817 = arith.constant 0 : i32
      %dma_start3A_818 = arith.constant 0 : i32
      %dma_start3A_819 = tpu.memref_slice %arg4[%dma_start3A_817, %add3A_735, %dma_start3A_818] : memref<4x8192x768xf32, #tpu.memory_space<hbm>> -> memref<1x8x768xf32, #tpu.memory_space<hbm>>
      %dma_start3A_820 = tpu.memref_squeeze %dma_start3A_819 : memref<1x8x768xf32, #tpu.memory_space<hbm>> -> memref<8x768xf32, #tpu.memory_space<hbm>>
      %dma_start3A_821 = arith.constant 0 : i32
      %dma_start3A_822 = tpu.memref_slice %arg4[%dma_start3A_817, %add3A_735, %dma_start3A_821] : memref<4x8192x768xf32, #tpu.memory_space<hbm>> -> memref<1x8x768xf32, #tpu.memory_space<hbm>>
      %dma_start3A_823 = tpu.memref_squeeze %dma_start3A_822 : memref<1x8x768xf32, #tpu.memory_space<hbm>> -> memref<8x768xf32, #tpu.memory_space<hbm>>
      tpu.enqueue_dma source(%arg19 : memref<8x768xf32, #tpu.memory_space<vmem>>) target(%dma_start3A_823 : memref<8x768xf32, #tpu.memory_space<hbm>>) target_semaphore(%arg26 : memref<!tpu.dma_semaphore, #tpu.memory_space<semaphore_mem>>)
      %dma_start3A_824 = arith.constant 1 : i32
      %dma_start3A_825 = arith.constant 0 : i32
      %dma_start3A_826 = tpu.memref_slice %arg4[%dma_start3A_824, %add3A_735, %dma_start3A_825] : memref<4x8192x768xf32, #tpu.memory_space<hbm>> -> memref<1x8x768xf32, #tpu.memory_space<hbm>>
      %dma_start3A_827 = tpu.memref_squeeze %dma_start3A_826 : memref<1x8x768xf32, #tpu.memory_space<hbm>> -> memref<8x768xf32, #tpu.memory_space<hbm>>
      %dma_start3A_828 = arith.constant 0 : i32
      %dma_start3A_829 = tpu.memref_slice %arg4[%dma_start3A_824, %add3A_735, %dma_start3A_828] : memref<4x8192x768xf32, #tpu.memory_space<hbm>> -> memref<1x8x768xf32, #tpu.memory_space<hbm>>
      %dma_start3A_830 = tpu.memref_squeeze %dma_start3A_829 : memref<1x8x768xf32, #tpu.memory_space<hbm>> -> memref<8x768xf32, #tpu.memory_space<hbm>>
      tpu.enqueue_dma source(%arg20 : memref<8x768xf32, #tpu.memory_space<vmem>>) target(%dma_start3A_830 : memref<8x768xf32, #tpu.memory_space<hbm>>) target_semaphore(%arg26 : memref<!tpu.dma_semaphore, #tpu.memory_space<semaphore_mem>>)
      %dma_start3A_831 = arith.constant 2 : i32
      %dma_start3A_832 = arith.constant 0 : i32
      %dma_start3A_833 = tpu.memref_slice %arg4[%dma_start3A_831, %add3A_735, %dma_start3A_832] : memref<4x8192x768xf32, #tpu.memory_space<hbm>> -> memref<1x8x768xf32, #tpu.memory_space<hbm>>
      %dma_start3A_834 = tpu.memref_squeeze %dma_start3A_833 : memref<1x8x768xf32, #tpu.memory_space<hbm>> -> memref<8x768xf32, #tpu.memory_space<hbm>>
      %dma_start3A_835 = arith.constant 0 : i32
      %dma_start3A_836 = tpu.memref_slice %arg4[%dma_start3A_831, %add3A_735, %dma_start3A_835] : memref<4x8192x768xf32, #tpu.memory_space<hbm>> -> memref<1x8x768xf32, #tpu.memory_space<hbm>>
      %dma_start3A_837 = tpu.memref_squeeze %dma_start3A_836 : memref<1x8x768xf32, #tpu.memory_space<hbm>> -> memref<8x768xf32, #tpu.memory_space<hbm>>
      tpu.enqueue_dma source(%arg21 : memref<8x768xf32, #tpu.memory_space<vmem>>) target(%dma_start3A_837 : memref<8x768xf32, #tpu.memory_space<hbm>>) target_semaphore(%arg26 : memref<!tpu.dma_semaphore, #tpu.memory_space<semaphore_mem>>)
      %dma_start3A_838 = arith.constant 3 : i32
      %dma_start3A_839 = arith.constant 0 : i32
      %dma_start3A_840 = tpu.memref_slice %arg4[%dma_start3A_838, %add3A_735, %dma_start3A_839] : memref<4x8192x768xf32, #tpu.memory_space<hbm>> -> memref<1x8x768xf32, #tpu.memory_space<hbm>>
      %dma_start3A_841 = tpu.memref_squeeze %dma_start3A_840 : memref<1x8x768xf32, #tpu.memory_space<hbm>> -> memref<8x768xf32, #tpu.memory_space<hbm>>
      %dma_start3A_842 = arith.constant 0 : i32
      %dma_start3A_843 = tpu.memref_slice %arg4[%dma_start3A_838, %add3A_735, %dma_start3A_842] : memref<4x8192x768xf32, #tpu.memory_space<hbm>> -> memref<1x8x768xf32, #tpu.memory_space<hbm>>
      %dma_start3A_844 = tpu.memref_squeeze %dma_start3A_843 : memref<1x8x768xf32, #tpu.memory_space<hbm>> -> memref<8x768xf32, #tpu.memory_space<hbm>>
      tpu.enqueue_dma source(%arg22 : memref<8x768xf32, #tpu.memory_space<vmem>>) target(%dma_start3A_844 : memref<8x768xf32, #tpu.memory_space<hbm>>) target_semaphore(%arg26 : memref<!tpu.dma_semaphore, #tpu.memory_space<semaphore_mem>>)
      %add3A_845 = arith.constant 16 : i32
      %add3A_846 = arith.addi %add3A_735, %add3A_845 : i32
      %dma_start3A_847 = arith.constant 0 : i32
      %dma_start3A_848 = tpu.memref_slice %arg3[%add3A_846, %dma_start3A_847] : memref<8192x768xf32, #tpu.memory_space<hbm>> -> memref<8x768xf32, #tpu.memory_space<hbm>>
      %dma_start3A_849 = arith.constant 0 : i32
      %dma_start3A_850 = tpu.memref_slice %arg3[%add3A_846, %dma_start3A_849] : memref<8192x768xf32, #tpu.memory_space<hbm>> -> memref<8x768xf32, #tpu.memory_space<hbm>>
      tpu.enqueue_dma source(%dma_start3A_850 : memref<8x768xf32, #tpu.memory_space<hbm>>) target(%arg6 : memref<8x768xf32, #tpu.memory_space<vmem>>) target_semaphore(%arg24 : memref<!tpu.dma_semaphore, #tpu.memory_space<semaphore_mem>>)
      %dma_start3A_851 = arith.constant 0 : i32
      %dma_start3A_852 = arith.constant 0 : i32
      %dma_start3A_853 = tpu.memref_slice %arg2[%dma_start3A_851, %add3A_846, %dma_start3A_852] : memref<4x8192x768xf32, #tpu.memory_space<hbm>> -> memref<1x8x768xf32, #tpu.memory_space<hbm>>
      %dma_start3A_854 = tpu.memref_squeeze %dma_start3A_853 : memref<1x8x768xf32, #tpu.memory_space<hbm>> -> memref<8x768xf32, #tpu.memory_space<hbm>>
      %dma_start3A_855 = arith.constant 0 : i32
      %dma_start3A_856 = tpu.memref_slice %arg2[%dma_start3A_851, %add3A_846, %dma_start3A_855] : memref<4x8192x768xf32, #tpu.memory_space<hbm>> -> memref<1x8x768xf32, #tpu.memory_space<hbm>>
      %dma_start3A_857 = tpu.memref_squeeze %dma_start3A_856 : memref<1x8x768xf32, #tpu.memory_space<hbm>> -> memref<8x768xf32, #tpu.memory_space<hbm>>
      tpu.enqueue_dma source(%dma_start3A_857 : memref<8x768xf32, #tpu.memory_space<hbm>>) target(%arg11 : memref<8x768xf32, #tpu.memory_space<vmem>>) target_semaphore(%arg24 : memref<!tpu.dma_semaphore, #tpu.memory_space<semaphore_mem>>)
      %dma_start3A_858 = arith.constant 1 : i32
      %dma_start3A_859 = arith.constant 0 : i32
      %dma_start3A_860 = tpu.memref_slice %arg2[%dma_start3A_858, %add3A_846, %dma_start3A_859] : memref<4x8192x768xf32, #tpu.memory_space<hbm>> -> memref<1x8x768xf32, #tpu.memory_space<hbm>>
      %dma_start3A_861 = tpu.memref_squeeze %dma_start3A_860 : memref<1x8x768xf32, #tpu.memory_space<hbm>> -> memref<8x768xf32, #tpu.memory_space<hbm>>
      %dma_start3A_862 = arith.constant 0 : i32
      %dma_start3A_863 = tpu.memref_slice %arg2[%dma_start3A_858, %add3A_846, %dma_start3A_862] : memref<4x8192x768xf32, #tpu.memory_space<hbm>> -> memref<1x8x768xf32, #tpu.memory_space<hbm>>
      %dma_start3A_864 = tpu.memref_squeeze %dma_start3A_863 : memref<1x8x768xf32, #tpu.memory_space<hbm>> -> memref<8x768xf32, #tpu.memory_space<hbm>>
      tpu.enqueue_dma source(%dma_start3A_864 : memref<8x768xf32, #tpu.memory_space<hbm>>) target(%arg12 : memref<8x768xf32, #tpu.memory_space<vmem>>) target_semaphore(%arg24 : memref<!tpu.dma_semaphore, #tpu.memory_space<semaphore_mem>>)
      %dma_start3A_865 = arith.constant 2 : i32
      %dma_start3A_866 = arith.constant 0 : i32
      %dma_start3A_867 = tpu.memref_slice %arg2[%dma_start3A_865, %add3A_846, %dma_start3A_866] : memref<4x8192x768xf32, #tpu.memory_space<hbm>> -> memref<1x8x768xf32, #tpu.memory_space<hbm>>
      %dma_start3A_868 = tpu.memref_squeeze %dma_start3A_867 : memref<1x8x768xf32, #tpu.memory_space<hbm>> -> memref<8x768xf32, #tpu.memory_space<hbm>>
      %dma_start3A_869 = arith.constant 0 : i32
      %dma_start3A_870 = tpu.memref_slice %arg2[%dma_start3A_865, %add3A_846, %dma_start3A_869] : memref<4x8192x768xf32, #tpu.memory_space<hbm>> -> memref<1x8x768xf32, #tpu.memory_space<hbm>>
      %dma_start3A_871 = tpu.memref_squeeze %dma_start3A_870 : memref<1x8x768xf32, #tpu.memory_space<hbm>> -> memref<8x768xf32, #tpu.memory_space<hbm>>
      tpu.enqueue_dma source(%dma_start3A_871 : memref<8x768xf32, #tpu.memory_space<hbm>>) target(%arg13 : memref<8x768xf32, #tpu.memory_space<vmem>>) target_semaphore(%arg24 : memref<!tpu.dma_semaphore, #tpu.memory_space<semaphore_mem>>)
      %dma_start3A_872 = arith.constant 3 : i32
      %dma_start3A_873 = arith.constant 0 : i32
      %dma_start3A_874 = tpu.memref_slice %arg2[%dma_start3A_872, %add3A_846, %dma_start3A_873] : memref<4x8192x768xf32, #tpu.memory_space<hbm>> -> memref<1x8x768xf32, #tpu.memory_space<hbm>>
      %dma_start3A_875 = tpu.memref_squeeze %dma_start3A_874 : memref<1x8x768xf32, #tpu.memory_space<hbm>> -> memref<8x768xf32, #tpu.memory_space<hbm>>
      %dma_start3A_876 = arith.constant 0 : i32
      %dma_start3A_877 = tpu.memref_slice %arg2[%dma_start3A_872, %add3A_846, %dma_start3A_876] : memref<4x8192x768xf32, #tpu.memory_space<hbm>> -> memref<1x8x768xf32, #tpu.memory_space<hbm>>
      %dma_start3A_878 = tpu.memref_squeeze %dma_start3A_877 : memref<1x8x768xf32, #tpu.memory_space<hbm>> -> memref<8x768xf32, #tpu.memory_space<hbm>>
      tpu.enqueue_dma source(%dma_start3A_878 : memref<8x768xf32, #tpu.memory_space<hbm>>) target(%arg14 : memref<8x768xf32, #tpu.memory_space<vmem>>) target_semaphore(%arg24 : memref<!tpu.dma_semaphore, #tpu.memory_space<semaphore_mem>>)
    }
    %scan3A_286 = arith.constant 14 : i32
    %add3A_287 = arith.constant 240 : i32
    %add3A_288 = arith.addi %mul3A_2, %add3A_287 : i32
    %dma_wait3A_289 = arith.constant 0 : i32
    %dma_wait3A_290 = arith.constant 0 : i32
    %dma_wait3A_291 = tpu.memref_slice %arg3[%dma_wait3A_289, %dma_wait3A_290] : memref<8192x768xf32, #tpu.memory_space<hbm>> -> memref<8x768xf32, #tpu.memory_space<hbm>>
    %dma_wait3A_292 = arith.constant 0 : i32
    %dma_wait3A_293 = arith.constant 0 : i32
    %dma_wait3A_294 = tpu.memref_slice %arg3[%dma_wait3A_292, %dma_wait3A_293] : memref<8192x768xf32, #tpu.memory_space<hbm>> -> memref<8x768xf32, #tpu.memory_space<hbm>>
    tpu.wait_dma2 semaphore(%arg23 : memref<!tpu.dma_semaphore, #tpu.memory_space<semaphore_mem>>) src(%dma_wait3A_294 : memref<8x768xf32, #tpu.memory_space<hbm>>) dst(%arg5 : memref<8x768xf32, #tpu.memory_space<vmem>>)
    %dma_wait3A_295 = arith.constant 0 : i32
    %dma_wait3A_296 = arith.constant 0 : i32
    %dma_wait3A_297 = arith.constant 0 : i32
    %dma_wait3A_298 = tpu.memref_slice %arg2[%dma_wait3A_295, %dma_wait3A_296, %dma_wait3A_297] : memref<4x8192x768xf32, #tpu.memory_space<hbm>> -> memref<1x8x768xf32, #tpu.memory_space<hbm>>
    %dma_wait3A_299 = tpu.memref_squeeze %dma_wait3A_298 : memref<1x8x768xf32, #tpu.memory_space<hbm>> -> memref<8x768xf32, #tpu.memory_space<hbm>>
    %dma_wait3A_300 = arith.constant 0 : i32
    %dma_wait3A_301 = arith.constant 0 : i32
    %dma_wait3A_302 = tpu.memref_slice %arg2[%dma_wait3A_295, %dma_wait3A_300, %dma_wait3A_301] : memref<4x8192x768xf32, #tpu.memory_space<hbm>> -> memref<1x8x768xf32, #tpu.memory_space<hbm>>
    %dma_wait3A_303 = tpu.memref_squeeze %dma_wait3A_302 : memref<1x8x768xf32, #tpu.memory_space<hbm>> -> memref<8x768xf32, #tpu.memory_space<hbm>>
    tpu.wait_dma2 semaphore(%arg23 : memref<!tpu.dma_semaphore, #tpu.memory_space<semaphore_mem>>) src(%dma_wait3A_303 : memref<8x768xf32, #tpu.memory_space<hbm>>) dst(%arg7 : memref<8x768xf32, #tpu.memory_space<vmem>>)
    %dma_wait3A_304 = arith.constant 1 : i32
    %dma_wait3A_305 = arith.constant 0 : i32
    %dma_wait3A_306 = arith.constant 0 : i32
    %dma_wait3A_307 = tpu.memref_slice %arg2[%dma_wait3A_304, %dma_wait3A_305, %dma_wait3A_306] : memref<4x8192x768xf32, #tpu.memory_space<hbm>> -> memref<1x8x768xf32, #tpu.memory_space<hbm>>
    %dma_wait3A_308 = tpu.memref_squeeze %dma_wait3A_307 : memref<1x8x768xf32, #tpu.memory_space<hbm>> -> memref<8x768xf32, #tpu.memory_space<hbm>>
    %dma_wait3A_309 = arith.constant 0 : i32
    %dma_wait3A_310 = arith.constant 0 : i32
    %dma_wait3A_311 = tpu.memref_slice %arg2[%dma_wait3A_304, %dma_wait3A_309, %dma_wait3A_310] : memref<4x8192x768xf32, #tpu.memory_space<hbm>> -> memref<1x8x768xf32, #tpu.memory_space<hbm>>
    %dma_wait3A_312 = tpu.memref_squeeze %dma_wait3A_311 : memref<1x8x768xf32, #tpu.memory_space<hbm>> -> memref<8x768xf32, #tpu.memory_space<hbm>>
    tpu.wait_dma2 semaphore(%arg23 : memref<!tpu.dma_semaphore, #tpu.memory_space<semaphore_mem>>) src(%dma_wait3A_312 : memref<8x768xf32, #tpu.memory_space<hbm>>) dst(%arg8 : memref<8x768xf32, #tpu.memory_space<vmem>>)
    %dma_wait3A_313 = arith.constant 2 : i32
    %dma_wait3A_314 = arith.constant 0 : i32
    %dma_wait3A_315 = arith.constant 0 : i32
    %dma_wait3A_316 = tpu.memref_slice %arg2[%dma_wait3A_313, %dma_wait3A_314, %dma_wait3A_315] : memref<4x8192x768xf32, #tpu.memory_space<hbm>> -> memref<1x8x768xf32, #tpu.memory_space<hbm>>
    %dma_wait3A_317 = tpu.memref_squeeze %dma_wait3A_316 : memref<1x8x768xf32, #tpu.memory_space<hbm>> -> memref<8x768xf32, #tpu.memory_space<hbm>>
    %dma_wait3A_318 = arith.constant 0 : i32
    %dma_wait3A_319 = arith.constant 0 : i32
    %dma_wait3A_320 = tpu.memref_slice %arg2[%dma_wait3A_313, %dma_wait3A_318, %dma_wait3A_319] : memref<4x8192x768xf32, #tpu.memory_space<hbm>> -> memref<1x8x768xf32, #tpu.memory_space<hbm>>
    %dma_wait3A_321 = tpu.memref_squeeze %dma_wait3A_320 : memref<1x8x768xf32, #tpu.memory_space<hbm>> -> memref<8x768xf32, #tpu.memory_space<hbm>>
    tpu.wait_dma2 semaphore(%arg23 : memref<!tpu.dma_semaphore, #tpu.memory_space<semaphore_mem>>) src(%dma_wait3A_321 : memref<8x768xf32, #tpu.memory_space<hbm>>) dst(%arg9 : memref<8x768xf32, #tpu.memory_space<vmem>>)
    %dma_wait3A_322 = arith.constant 3 : i32
    %dma_wait3A_323 = arith.constant 0 : i32
    %dma_wait3A_324 = arith.constant 0 : i32
    %dma_wait3A_325 = tpu.memref_slice %arg2[%dma_wait3A_322, %dma_wait3A_323, %dma_wait3A_324] : memref<4x8192x768xf32, #tpu.memory_space<hbm>> -> memref<1x8x768xf32, #tpu.memory_space<hbm>>
    %dma_wait3A_326 = tpu.memref_squeeze %dma_wait3A_325 : memref<1x8x768xf32, #tpu.memory_space<hbm>> -> memref<8x768xf32, #tpu.memory_space<hbm>>
    %dma_wait3A_327 = arith.constant 0 : i32
    %dma_wait3A_328 = arith.constant 0 : i32
    %dma_wait3A_329 = tpu.memref_slice %arg2[%dma_wait3A_322, %dma_wait3A_327, %dma_wait3A_328] : memref<4x8192x768xf32, #tpu.memory_space<hbm>> -> memref<1x8x768xf32, #tpu.memory_space<hbm>>
    %dma_wait3A_330 = tpu.memref_squeeze %dma_wait3A_329 : memref<1x8x768xf32, #tpu.memory_space<hbm>> -> memref<8x768xf32, #tpu.memory_space<hbm>>
    tpu.wait_dma2 semaphore(%arg23 : memref<!tpu.dma_semaphore, #tpu.memory_space<semaphore_mem>>) src(%dma_wait3A_330 : memref<8x768xf32, #tpu.memory_space<hbm>>) dst(%arg10 : memref<8x768xf32, #tpu.memory_space<vmem>>)
    %dma_wait3A_331 = arith.constant 0 : i32
    %dma_wait3A_332 = arith.constant 0 : i32
    %dma_wait3A_333 = arith.constant 0 : i32
    %dma_wait3A_334 = tpu.memref_slice %arg2[%dma_wait3A_331, %dma_wait3A_332, %dma_wait3A_333] : memref<4x8192x768xf32, #tpu.memory_space<hbm>> -> memref<1x8x768xf32, #tpu.memory_space<hbm>>
    %dma_wait3A_335 = tpu.memref_squeeze %dma_wait3A_334 : memref<1x8x768xf32, #tpu.memory_space<hbm>> -> memref<8x768xf32, #tpu.memory_space<hbm>>
    %dma_wait3A_336 = arith.constant 0 : i32
    %dma_wait3A_337 = arith.constant 0 : i32
    %dma_wait3A_338 = tpu.memref_slice %arg2[%dma_wait3A_331, %dma_wait3A_336, %dma_wait3A_337] : memref<4x8192x768xf32, #tpu.memory_space<hbm>> -> memref<1x8x768xf32, #tpu.memory_space<hbm>>
    %dma_wait3A_339 = tpu.memref_squeeze %dma_wait3A_338 : memref<1x8x768xf32, #tpu.memory_space<hbm>> -> memref<8x768xf32, #tpu.memory_space<hbm>>
    tpu.wait_dma2 semaphore(%arg25 : memref<!tpu.dma_semaphore, #tpu.memory_space<semaphore_mem>>) src(%dma_wait3A_339 : memref<8x768xf32, #tpu.memory_space<hbm>>) dst(%arg15 : memref<8x768xf32, #tpu.memory_space<vmem>>)
    %dma_wait3A_340 = arith.constant 1 : i32
    %dma_wait3A_341 = arith.constant 0 : i32
    %dma_wait3A_342 = arith.constant 0 : i32
    %dma_wait3A_343 = tpu.memref_slice %arg2[%dma_wait3A_340, %dma_wait3A_341, %dma_wait3A_342] : memref<4x8192x768xf32, #tpu.memory_space<hbm>> -> memref<1x8x768xf32, #tpu.memory_space<hbm>>
    %dma_wait3A_344 = tpu.memref_squeeze %dma_wait3A_343 : memref<1x8x768xf32, #tpu.memory_space<hbm>> -> memref<8x768xf32, #tpu.memory_space<hbm>>
    %dma_wait3A_345 = arith.constant 0 : i32
    %dma_wait3A_346 = arith.constant 0 : i32
    %dma_wait3A_347 = tpu.memref_slice %arg2[%dma_wait3A_340, %dma_wait3A_345, %dma_wait3A_346] : memref<4x8192x768xf32, #tpu.memory_space<hbm>> -> memref<1x8x768xf32, #tpu.memory_space<hbm>>
    %dma_wait3A_348 = tpu.memref_squeeze %dma_wait3A_347 : memref<1x8x768xf32, #tpu.memory_space<hbm>> -> memref<8x768xf32, #tpu.memory_space<hbm>>
    tpu.wait_dma2 semaphore(%arg25 : memref<!tpu.dma_semaphore, #tpu.memory_space<semaphore_mem>>) src(%dma_wait3A_348 : memref<8x768xf32, #tpu.memory_space<hbm>>) dst(%arg16 : memref<8x768xf32, #tpu.memory_space<vmem>>)
    %dma_wait3A_349 = arith.constant 2 : i32
    %dma_wait3A_350 = arith.constant 0 : i32
    %dma_wait3A_351 = arith.constant 0 : i32
    %dma_wait3A_352 = tpu.memref_slice %arg2[%dma_wait3A_349, %dma_wait3A_350, %dma_wait3A_351] : memref<4x8192x768xf32, #tpu.memory_space<hbm>> -> memref<1x8x768xf32, #tpu.memory_space<hbm>>
    %dma_wait3A_353 = tpu.memref_squeeze %dma_wait3A_352 : memref<1x8x768xf32, #tpu.memory_space<hbm>> -> memref<8x768xf32, #tpu.memory_space<hbm>>
    %dma_wait3A_354 = arith.constant 0 : i32
    %dma_wait3A_355 = arith.constant 0 : i32
    %dma_wait3A_356 = tpu.memref_slice %arg2[%dma_wait3A_349, %dma_wait3A_354, %dma_wait3A_355] : memref<4x8192x768xf32, #tpu.memory_space<hbm>> -> memref<1x8x768xf32, #tpu.memory_space<hbm>>
    %dma_wait3A_357 = tpu.memref_squeeze %dma_wait3A_356 : memref<1x8x768xf32, #tpu.memory_space<hbm>> -> memref<8x768xf32, #tpu.memory_space<hbm>>
    tpu.wait_dma2 semaphore(%arg25 : memref<!tpu.dma_semaphore, #tpu.memory_space<semaphore_mem>>) src(%dma_wait3A_357 : memref<8x768xf32, #tpu.memory_space<hbm>>) dst(%arg17 : memref<8x768xf32, #tpu.memory_space<vmem>>)
    %dma_wait3A_358 = arith.constant 3 : i32
    %dma_wait3A_359 = arith.constant 0 : i32
    %dma_wait3A_360 = arith.constant 0 : i32
    %dma_wait3A_361 = tpu.memref_slice %arg2[%dma_wait3A_358, %dma_wait3A_359, %dma_wait3A_360] : memref<4x8192x768xf32, #tpu.memory_space<hbm>> -> memref<1x8x768xf32, #tpu.memory_space<hbm>>
    %dma_wait3A_362 = tpu.memref_squeeze %dma_wait3A_361 : memref<1x8x768xf32, #tpu.memory_space<hbm>> -> memref<8x768xf32, #tpu.memory_space<hbm>>
    %dma_wait3A_363 = arith.constant 0 : i32
    %dma_wait3A_364 = arith.constant 0 : i32
    %dma_wait3A_365 = tpu.memref_slice %arg2[%dma_wait3A_358, %dma_wait3A_363, %dma_wait3A_364] : memref<4x8192x768xf32, #tpu.memory_space<hbm>> -> memref<1x8x768xf32, #tpu.memory_space<hbm>>
    %dma_wait3A_366 = tpu.memref_squeeze %dma_wait3A_365 : memref<1x8x768xf32, #tpu.memory_space<hbm>> -> memref<8x768xf32, #tpu.memory_space<hbm>>
    tpu.wait_dma2 semaphore(%arg25 : memref<!tpu.dma_semaphore, #tpu.memory_space<semaphore_mem>>) src(%dma_wait3A_366 : memref<8x768xf32, #tpu.memory_space<hbm>>) dst(%arg18 : memref<8x768xf32, #tpu.memory_space<vmem>>)
    %parallel_loop3A_367 = arith.constant 0 : i32
    %parallel_loop3A_368 = arith.constant 384 : i32
    %parallel_loop3A_369 = arith.constant 1 : i32
    scf.for %parallel_loop3A_583 = %parallel_loop3A_367 to %parallel_loop3A_368 step %parallel_loop3A_369  : i32 {
      %parallel_loop3A_584 = arith.constant 48 : i32
      %parallel_loop3A_585 = arith.divsi %parallel_loop3A_583, %parallel_loop3A_584 : i32
      %parallel_loop3A_586 = arith.constant 0 : i32
      %parallel_loop3A_587 = arith.cmpi sgt, %parallel_loop3A_583, %parallel_loop3A_586 : i32
      %parallel_loop3A_588 = arith.extui %parallel_loop3A_587 : i1 to i32
      %parallel_loop3A_589 = arith.constant 0 : i32
      %parallel_loop3A_590 = arith.cmpi slt, %parallel_loop3A_583, %parallel_loop3A_589 : i32
      %parallel_loop3A_591 = arith.extui %parallel_loop3A_590 : i1 to i32
      %parallel_loop3A_592 = arith.subi %parallel_loop3A_588, %parallel_loop3A_591 : i32
      %parallel_loop3A_593 = arith.constant 0 : i32
      %parallel_loop3A_594 = arith.cmpi sgt, %parallel_loop3A_584, %parallel_loop3A_593 : i32
      %parallel_loop3A_595 = arith.extui %parallel_loop3A_594 : i1 to i32
      %parallel_loop3A_596 = arith.constant 0 : i32
      %parallel_loop3A_597 = arith.cmpi slt, %parallel_loop3A_584, %parallel_loop3A_596 : i32
      %parallel_loop3A_598 = arith.extui %parallel_loop3A_597 : i1 to i32
      %parallel_loop3A_599 = arith.subi %parallel_loop3A_595, %parallel_loop3A_598 : i32
      %parallel_loop3A_600 = arith.cmpi ne, %parallel_loop3A_592, %parallel_loop3A_599 : i32
      %parallel_loop3A_601 = arith.remsi %parallel_loop3A_583, %parallel_loop3A_584 : i32
      %parallel_loop3A_602 = arith.constant 0 : i32
      %parallel_loop3A_603 = arith.cmpi ne, %parallel_loop3A_601, %parallel_loop3A_602 : i32
      %parallel_loop3A_604 = arith.andi %parallel_loop3A_600, %parallel_loop3A_603 : i1
      %parallel_loop3A_605 = arith.constant 1 : i32
      %parallel_loop3A_606 = arith.subi %parallel_loop3A_585, %parallel_loop3A_605 : i32
      %parallel_loop3A_607 = arith.select %parallel_loop3A_604, %parallel_loop3A_606, %parallel_loop3A_585 : i32
      %parallel_loop3A_608 = arith.constant 48 : i32
      %parallel_loop3A_609 = arith.constant 0 : i32
      %parallel_loop3A_610 = arith.cmpi eq, %parallel_loop3A_608, %parallel_loop3A_609 : i32
      %parallel_loop3A_611 = arith.constant 1 : i32
      %parallel_loop3A_612 = arith.select %parallel_loop3A_610, %parallel_loop3A_611, %parallel_loop3A_608 : i32
      %parallel_loop3A_613 = arith.remsi %parallel_loop3A_583, %parallel_loop3A_612 : i32
      %parallel_loop3A_614 = arith.constant 0 : i32
      %parallel_loop3A_615 = arith.cmpi ne, %parallel_loop3A_613, %parallel_loop3A_614 : i32
      %parallel_loop3A_616 = arith.constant 0 : i32
      %parallel_loop3A_617 = arith.cmpi slt, %parallel_loop3A_613, %parallel_loop3A_616 : i32
      %parallel_loop3A_618 = arith.constant 0 : i32
      %parallel_loop3A_619 = arith.cmpi slt, %parallel_loop3A_612, %parallel_loop3A_618 : i32
      %parallel_loop3A_620 = arith.xori %parallel_loop3A_617, %parallel_loop3A_619 : i1
      %parallel_loop3A_621 = arith.andi %parallel_loop3A_620, %parallel_loop3A_615 : i1
      %parallel_loop3A_622 = arith.addi %parallel_loop3A_613, %parallel_loop3A_612 : i32
      %parallel_loop3A_623 = arith.select %parallel_loop3A_621, %parallel_loop3A_622, %parallel_loop3A_613 : i32
      %parallel_loop3A_624 = arith.constant 16 : i32
      %parallel_loop3A_625 = arith.muli %parallel_loop3A_623, %parallel_loop3A_624 : i32
      %parallel_loop3A_626 = arith.index_cast %parallel_loop3A_607 : i32 to index
      %parallel_loop3A_627 = arith.index_cast %parallel_loop3A_625 : i32 to index
      %parallel_loop3A_628 = tpu.vector_load %arg5[%parallel_loop3A_626, %parallel_loop3A_627] {strides = array<i32>} : memref<8x768xf32, #tpu.memory_space<vmem>>, vector<1x16xf32>,
      %parallel_loop3A_629 = vector.shape_cast %parallel_loop3A_628 : vector<1x16xf32> to vector<16xf32>
      %parallel_loop3A_630 = arith.index_cast %parallel_loop3A_607 : i32 to index
      %parallel_loop3A_631 = arith.index_cast %parallel_loop3A_625 : i32 to index
      %parallel_loop3A_632 = tpu.vector_load %arg7[%parallel_loop3A_630, %parallel_loop3A_631] {strides = array<i32>} : memref<8x768xf32, #tpu.memory_space<vmem>>, vector<1x16xf32>,
      %parallel_loop3A_633 = vector.shape_cast %parallel_loop3A_632 : vector<1x16xf32> to vector<16xf32>
      %parallel_loop3A_634 = arith.addf %parallel_loop3A_633, %parallel_loop3A_629 : vector<16xf32>
      %parallel_loop3A_635 = arith.index_cast %parallel_loop3A_607 : i32 to index
      %parallel_loop3A_636 = arith.index_cast %parallel_loop3A_625 : i32 to index
      %parallel_loop3A_637 = tpu.vector_load %arg15[%parallel_loop3A_635, %parallel_loop3A_636] {strides = array<i32>} : memref<8x768xf32, #tpu.memory_space<vmem>>, vector<1x16xf32>,
      %parallel_loop3A_638 = vector.shape_cast %parallel_loop3A_637 : vector<1x16xf32> to vector<16xf32>
      %parallel_loop3A_639 = vector.shape_cast %parallel_loop3A_634 : vector<16xf32> to vector<1x16xf32>
      tpu.vector_store %arg15[%parallel_loop3A_635, %parallel_loop3A_636], %parallel_loop3A_639 {strides = array<i32>} : memref<8x768xf32, #tpu.memory_space<vmem>>, vector<1x16xf32>,
      %parallel_loop3A_640 = arith.index_cast %parallel_loop3A_607 : i32 to index
      %parallel_loop3A_641 = arith.index_cast %parallel_loop3A_625 : i32 to index
      %parallel_loop3A_642 = tpu.vector_load %arg8[%parallel_loop3A_640, %parallel_loop3A_641] {strides = array<i32>} : memref<8x768xf32, #tpu.memory_space<vmem>>, vector<1x16xf32>,
      %parallel_loop3A_643 = vector.shape_cast %parallel_loop3A_642 : vector<1x16xf32> to vector<16xf32>
      %parallel_loop3A_644 = arith.addf %parallel_loop3A_643, %parallel_loop3A_629 : vector<16xf32>
      %parallel_loop3A_645 = arith.index_cast %parallel_loop3A_607 : i32 to index
      %parallel_loop3A_646 = arith.index_cast %parallel_loop3A_625 : i32 to index
      %parallel_loop3A_647 = tpu.vector_load %arg16[%parallel_loop3A_645, %parallel_loop3A_646] {strides = array<i32>} : memref<8x768xf32, #tpu.memory_space<vmem>>, vector<1x16xf32>,
      %parallel_loop3A_648 = vector.shape_cast %parallel_loop3A_647 : vector<1x16xf32> to vector<16xf32>
      %parallel_loop3A_649 = vector.shape_cast %parallel_loop3A_644 : vector<16xf32> to vector<1x16xf32>
      tpu.vector_store %arg16[%parallel_loop3A_645, %parallel_loop3A_646], %parallel_loop3A_649 {strides = array<i32>} : memref<8x768xf32, #tpu.memory_space<vmem>>, vector<1x16xf32>,
      %parallel_loop3A_650 = arith.index_cast %parallel_loop3A_607 : i32 to index
      %parallel_loop3A_651 = arith.index_cast %parallel_loop3A_625 : i32 to index
      %parallel_loop3A_652 = tpu.vector_load %arg9[%parallel_loop3A_650, %parallel_loop3A_651] {strides = array<i32>} : memref<8x768xf32, #tpu.memory_space<vmem>>, vector<1x16xf32>,
      %parallel_loop3A_653 = vector.shape_cast %parallel_loop3A_652 : vector<1x16xf32> to vector<16xf32>
      %parallel_loop3A_654 = arith.addf %parallel_loop3A_653, %parallel_loop3A_629 : vector<16xf32>
      %parallel_loop3A_655 = arith.index_cast %parallel_loop3A_607 : i32 to index
      %parallel_loop3A_656 = arith.index_cast %parallel_loop3A_625 : i32 to index
      %parallel_loop3A_657 = tpu.vector_load %arg17[%parallel_loop3A_655, %parallel_loop3A_656] {strides = array<i32>} : memref<8x768xf32, #tpu.memory_space<vmem>>, vector<1x16xf32>,
      %parallel_loop3A_658 = vector.shape_cast %parallel_loop3A_657 : vector<1x16xf32> to vector<16xf32>
      %parallel_loop3A_659 = vector.shape_cast %parallel_loop3A_654 : vector<16xf32> to vector<1x16xf32>
      tpu.vector_store %arg17[%parallel_loop3A_655, %parallel_loop3A_656], %parallel_loop3A_659 {strides = array<i32>} : memref<8x768xf32, #tpu.memory_space<vmem>>, vector<1x16xf32>,
      %parallel_loop3A_660 = arith.index_cast %parallel_loop3A_607 : i32 to index
      %parallel_loop3A_661 = arith.index_cast %parallel_loop3A_625 : i32 to index
      %parallel_loop3A_662 = tpu.vector_load %arg10[%parallel_loop3A_660, %parallel_loop3A_661] {strides = array<i32>} : memref<8x768xf32, #tpu.memory_space<vmem>>, vector<1x16xf32>,
      %parallel_loop3A_663 = vector.shape_cast %parallel_loop3A_662 : vector<1x16xf32> to vector<16xf32>
      %parallel_loop3A_664 = arith.addf %parallel_loop3A_663, %parallel_loop3A_629 : vector<16xf32>
      %parallel_loop3A_665 = arith.index_cast %parallel_loop3A_607 : i32 to index
      %parallel_loop3A_666 = arith.index_cast %parallel_loop3A_625 : i32 to index
      %parallel_loop3A_667 = tpu.vector_load %arg18[%parallel_loop3A_665, %parallel_loop3A_666] {strides = array<i32>} : memref<8x768xf32, #tpu.memory_space<vmem>>, vector<1x16xf32>,
      %parallel_loop3A_668 = vector.shape_cast %parallel_loop3A_667 : vector<1x16xf32> to vector<16xf32>
      %parallel_loop3A_669 = vector.shape_cast %parallel_loop3A_664 : vector<16xf32> to vector<1x16xf32>
      tpu.vector_store %arg18[%parallel_loop3A_665, %parallel_loop3A_666], %parallel_loop3A_669 {strides = array<i32>} : memref<8x768xf32, #tpu.memory_space<vmem>>, vector<1x16xf32>,
    } {sc.loop_unroll_factor = 4 : i64, sc.parallel_access}
    %add3A_370 = arith.constant 0 : i32
    %add3A_371 = arith.addi %add3A_288, %add3A_370 : i32
    %dma_start3A_372 = arith.constant 0 : i32
    %dma_start3A_373 = arith.constant 0 : i32
    %dma_start3A_374 = tpu.memref_slice %arg4[%dma_start3A_372, %add3A_371, %dma_start3A_373] : memref<4x8192x768xf32, #tpu.memory_space<hbm>> -> memref<1x8x768xf32, #tpu.memory_space<hbm>>
    %dma_start3A_375 = tpu.memref_squeeze %dma_start3A_374 : memref<1x8x768xf32, #tpu.memory_space<hbm>> -> memref<8x768xf32, #tpu.memory_space<hbm>>
    %dma_start3A_376 = arith.constant 0 : i32
    %dma_start3A_377 = tpu.memref_slice %arg4[%dma_start3A_372, %add3A_371, %dma_start3A_376] : memref<4x8192x768xf32, #tpu.memory_space<hbm>> -> memref<1x8x768xf32, #tpu.memory_space<hbm>>
    %dma_start3A_378 = tpu.memref_squeeze %dma_start3A_377 : memref<1x8x768xf32, #tpu.memory_space<hbm>> -> memref<8x768xf32, #tpu.memory_space<hbm>>
    tpu.enqueue_dma source(%arg15 : memref<8x768xf32, #tpu.memory_space<vmem>>) target(%dma_start3A_378 : memref<8x768xf32, #tpu.memory_space<hbm>>) target_semaphore(%arg25 : memref<!tpu.dma_semaphore, #tpu.memory_space<semaphore_mem>>)
    %dma_start3A_379 = arith.constant 1 : i32
    %dma_start3A_380 = arith.constant 0 : i32
    %dma_start3A_381 = tpu.memref_slice %arg4[%dma_start3A_379, %add3A_371, %dma_start3A_380] : memref<4x8192x768xf32, #tpu.memory_space<hbm>> -> memref<1x8x768xf32, #tpu.memory_space<hbm>>
    %dma_start3A_382 = tpu.memref_squeeze %dma_start3A_381 : memref<1x8x768xf32, #tpu.memory_space<hbm>> -> memref<8x768xf32, #tpu.memory_space<hbm>>
    %dma_start3A_383 = arith.constant 0 : i32
    %dma_start3A_384 = tpu.memref_slice %arg4[%dma_start3A_379, %add3A_371, %dma_start3A_383] : memref<4x8192x768xf32, #tpu.memory_space<hbm>> -> memref<1x8x768xf32, #tpu.memory_space<hbm>>
    %dma_start3A_385 = tpu.memref_squeeze %dma_start3A_384 : memref<1x8x768xf32, #tpu.memory_space<hbm>> -> memref<8x768xf32, #tpu.memory_space<hbm>>
    tpu.enqueue_dma source(%arg16 : memref<8x768xf32, #tpu.memory_space<vmem>>) target(%dma_start3A_385 : memref<8x768xf32, #tpu.memory_space<hbm>>) target_semaphore(%arg25 : memref<!tpu.dma_semaphore, #tpu.memory_space<semaphore_mem>>)
    %dma_start3A_386 = arith.constant 2 : i32
    %dma_start3A_387 = arith.constant 0 : i32
    %dma_start3A_388 = tpu.memref_slice %arg4[%dma_start3A_386, %add3A_371, %dma_start3A_387] : memref<4x8192x768xf32, #tpu.memory_space<hbm>> -> memref<1x8x768xf32, #tpu.memory_space<hbm>>
    %dma_start3A_389 = tpu.memref_squeeze %dma_start3A_388 : memref<1x8x768xf32, #tpu.memory_space<hbm>> -> memref<8x768xf32, #tpu.memory_space<hbm>>
    %dma_start3A_390 = arith.constant 0 : i32
    %dma_start3A_391 = tpu.memref_slice %arg4[%dma_start3A_386, %add3A_371, %dma_start3A_390] : memref<4x8192x768xf32, #tpu.memory_space<hbm>> -> memref<1x8x768xf32, #tpu.memory_space<hbm>>
    %dma_start3A_392 = tpu.memref_squeeze %dma_start3A_391 : memref<1x8x768xf32, #tpu.memory_space<hbm>> -> memref<8x768xf32, #tpu.memory_space<hbm>>
    tpu.enqueue_dma source(%arg17 : memref<8x768xf32, #tpu.memory_space<vmem>>) target(%dma_start3A_392 : memref<8x768xf32, #tpu.memory_space<hbm>>) target_semaphore(%arg25 : memref<!tpu.dma_semaphore, #tpu.memory_space<semaphore_mem>>)
    %dma_start3A_393 = arith.constant 3 : i32
    %dma_start3A_394 = arith.constant 0 : i32
    %dma_start3A_395 = tpu.memref_slice %arg4[%dma_start3A_393, %add3A_371, %dma_start3A_394] : memref<4x8192x768xf32, #tpu.memory_space<hbm>> -> memref<1x8x768xf32, #tpu.memory_space<hbm>>
    %dma_start3A_396 = tpu.memref_squeeze %dma_start3A_395 : memref<1x8x768xf32, #tpu.memory_space<hbm>> -> memref<8x768xf32, #tpu.memory_space<hbm>>
    %dma_start3A_397 = arith.constant 0 : i32
    %dma_start3A_398 = tpu.memref_slice %arg4[%dma_start3A_393, %add3A_371, %dma_start3A_397] : memref<4x8192x768xf32, #tpu.memory_space<hbm>> -> memref<1x8x768xf32, #tpu.memory_space<hbm>>
    %dma_start3A_399 = tpu.memref_squeeze %dma_start3A_398 : memref<1x8x768xf32, #tpu.memory_space<hbm>> -> memref<8x768xf32, #tpu.memory_space<hbm>>
    tpu.enqueue_dma source(%arg18 : memref<8x768xf32, #tpu.memory_space<vmem>>) target(%dma_start3A_399 : memref<8x768xf32, #tpu.memory_space<hbm>>) target_semaphore(%arg25 : memref<!tpu.dma_semaphore, #tpu.memory_space<semaphore_mem>>)
    %dma_wait3A_400 = arith.constant 0 : i32
    %dma_wait3A_401 = arith.constant 0 : i32
    %dma_wait3A_402 = tpu.memref_slice %arg3[%dma_wait3A_400, %dma_wait3A_401] : memref<8192x768xf32, #tpu.memory_space<hbm>> -> memref<8x768xf32, #tpu.memory_space<hbm>>
    %dma_wait3A_403 = arith.constant 0 : i32
    %dma_wait3A_404 = arith.constant 0 : i32
    %dma_wait3A_405 = tpu.memref_slice %arg3[%dma_wait3A_403, %dma_wait3A_404] : memref<8192x768xf32, #tpu.memory_space<hbm>> -> memref<8x768xf32, #tpu.memory_space<hbm>>
    tpu.wait_dma2 semaphore(%arg24 : memref<!tpu.dma_semaphore, #tpu.memory_space<semaphore_mem>>) src(%dma_wait3A_405 : memref<8x768xf32, #tpu.memory_space<hbm>>) dst(%arg6 : memref<8x768xf32, #tpu.memory_space<vmem>>)
    %dma_wait3A_406 = arith.constant 0 : i32
    %dma_wait3A_407 = arith.constant 0 : i32
    %dma_wait3A_408 = arith.constant 0 : i32
    %dma_wait3A_409 = tpu.memref_slice %arg2[%dma_wait3A_406, %dma_wait3A_407, %dma_wait3A_408] : memref<4x8192x768xf32, #tpu.memory_space<hbm>> -> memref<1x8x768xf32, #tpu.memory_space<hbm>>
    %dma_wait3A_410 = tpu.memref_squeeze %dma_wait3A_409 : memref<1x8x768xf32, #tpu.memory_space<hbm>> -> memref<8x768xf32, #tpu.memory_space<hbm>>
    %dma_wait3A_411 = arith.constant 0 : i32
    %dma_wait3A_412 = arith.constant 0 : i32
    %dma_wait3A_413 = tpu.memref_slice %arg2[%dma_wait3A_406, %dma_wait3A_411, %dma_wait3A_412] : memref<4x8192x768xf32, #tpu.memory_space<hbm>> -> memref<1x8x768xf32, #tpu.memory_space<hbm>>
    %dma_wait3A_414 = tpu.memref_squeeze %dma_wait3A_413 : memref<1x8x768xf32, #tpu.memory_space<hbm>> -> memref<8x768xf32, #tpu.memory_space<hbm>>
    tpu.wait_dma2 semaphore(%arg24 : memref<!tpu.dma_semaphore, #tpu.memory_space<semaphore_mem>>) src(%dma_wait3A_414 : memref<8x768xf32, #tpu.memory_space<hbm>>) dst(%arg11 : memref<8x768xf32, #tpu.memory_space<vmem>>)
    %dma_wait3A_415 = arith.constant 1 : i32
    %dma_wait3A_416 = arith.constant 0 : i32
    %dma_wait3A_417 = arith.constant 0 : i32
    %dma_wait3A_418 = tpu.memref_slice %arg2[%dma_wait3A_415, %dma_wait3A_416, %dma_wait3A_417] : memref<4x8192x768xf32, #tpu.memory_space<hbm>> -> memref<1x8x768xf32, #tpu.memory_space<hbm>>
    %dma_wait3A_419 = tpu.memref_squeeze %dma_wait3A_418 : memref<1x8x768xf32, #tpu.memory_space<hbm>> -> memref<8x768xf32, #tpu.memory_space<hbm>>
    %dma_wait3A_420 = arith.constant 0 : i32
    %dma_wait3A_421 = arith.constant 0 : i32
    %dma_wait3A_422 = tpu.memref_slice %arg2[%dma_wait3A_415, %dma_wait3A_420, %dma_wait3A_421] : memref<4x8192x768xf32, #tpu.memory_space<hbm>> -> memref<1x8x768xf32, #tpu.memory_space<hbm>>
    %dma_wait3A_423 = tpu.memref_squeeze %dma_wait3A_422 : memref<1x8x768xf32, #tpu.memory_space<hbm>> -> memref<8x768xf32, #tpu.memory_space<hbm>>
    tpu.wait_dma2 semaphore(%arg24 : memref<!tpu.dma_semaphore, #tpu.memory_space<semaphore_mem>>) src(%dma_wait3A_423 : memref<8x768xf32, #tpu.memory_space<hbm>>) dst(%arg12 : memref<8x768xf32, #tpu.memory_space<vmem>>)
    %dma_wait3A_424 = arith.constant 2 : i32
    %dma_wait3A_425 = arith.constant 0 : i32
    %dma_wait3A_426 = arith.constant 0 : i32
    %dma_wait3A_427 = tpu.memref_slice %arg2[%dma_wait3A_424, %dma_wait3A_425, %dma_wait3A_426] : memref<4x8192x768xf32, #tpu.memory_space<hbm>> -> memref<1x8x768xf32, #tpu.memory_space<hbm>>
    %dma_wait3A_428 = tpu.memref_squeeze %dma_wait3A_427 : memref<1x8x768xf32, #tpu.memory_space<hbm>> -> memref<8x768xf32, #tpu.memory_space<hbm>>
    %dma_wait3A_429 = arith.constant 0 : i32
    %dma_wait3A_430 = arith.constant 0 : i32
    %dma_wait3A_431 = tpu.memref_slice %arg2[%dma_wait3A_424, %dma_wait3A_429, %dma_wait3A_430] : memref<4x8192x768xf32, #tpu.memory_space<hbm>> -> memref<1x8x768xf32, #tpu.memory_space<hbm>>
    %dma_wait3A_432 = tpu.memref_squeeze %dma_wait3A_431 : memref<1x8x768xf32, #tpu.memory_space<hbm>> -> memref<8x768xf32, #tpu.memory_space<hbm>>
    tpu.wait_dma2 semaphore(%arg24 : memref<!tpu.dma_semaphore, #tpu.memory_space<semaphore_mem>>) src(%dma_wait3A_432 : memref<8x768xf32, #tpu.memory_space<hbm>>) dst(%arg13 : memref<8x768xf32, #tpu.memory_space<vmem>>)
    %dma_wait3A_433 = arith.constant 3 : i32
    %dma_wait3A_434 = arith.constant 0 : i32
    %dma_wait3A_435 = arith.constant 0 : i32
    %dma_wait3A_436 = tpu.memref_slice %arg2[%dma_wait3A_433, %dma_wait3A_434, %dma_wait3A_435] : memref<4x8192x768xf32, #tpu.memory_space<hbm>> -> memref<1x8x768xf32, #tpu.memory_space<hbm>>
    %dma_wait3A_437 = tpu.memref_squeeze %dma_wait3A_436 : memref<1x8x768xf32, #tpu.memory_space<hbm>> -> memref<8x768xf32, #tpu.memory_space<hbm>>
    %dma_wait3A_438 = arith.constant 0 : i32
    %dma_wait3A_439 = arith.constant 0 : i32
    %dma_wait3A_440 = tpu.memref_slice %arg2[%dma_wait3A_433, %dma_wait3A_438, %dma_wait3A_439] : memref<4x8192x768xf32, #tpu.memory_space<hbm>> -> memref<1x8x768xf32, #tpu.memory_space<hbm>>
    %dma_wait3A_441 = tpu.memref_squeeze %dma_wait3A_440 : memref<1x8x768xf32, #tpu.memory_space<hbm>> -> memref<8x768xf32, #tpu.memory_space<hbm>>
    tpu.wait_dma2 semaphore(%arg24 : memref<!tpu.dma_semaphore, #tpu.memory_space<semaphore_mem>>) src(%dma_wait3A_441 : memref<8x768xf32, #tpu.memory_space<hbm>>) dst(%arg14 : memref<8x768xf32, #tpu.memory_space<vmem>>)
    %dma_wait3A_442 = arith.constant 0 : i32
    %dma_wait3A_443 = arith.constant 0 : i32
    %dma_wait3A_444 = arith.constant 0 : i32
    %dma_wait3A_445 = tpu.memref_slice %arg2[%dma_wait3A_442, %dma_wait3A_443, %dma_wait3A_444] : memref<4x8192x768xf32, #tpu.memory_space<hbm>> -> memref<1x8x768xf32, #tpu.memory_space<hbm>>
    %dma_wait3A_446 = tpu.memref_squeeze %dma_wait3A_445 : memref<1x8x768xf32, #tpu.memory_space<hbm>> -> memref<8x768xf32, #tpu.memory_space<hbm>>
    %dma_wait3A_447 = arith.constant 0 : i32
    %dma_wait3A_448 = arith.constant 0 : i32
    %dma_wait3A_449 = tpu.memref_slice %arg2[%dma_wait3A_442, %dma_wait3A_447, %dma_wait3A_448] : memref<4x8192x768xf32, #tpu.memory_space<hbm>> -> memref<1x8x768xf32, #tpu.memory_space<hbm>>
    %dma_wait3A_450 = tpu.memref_squeeze %dma_wait3A_449 : memref<1x8x768xf32, #tpu.memory_space<hbm>> -> memref<8x768xf32, #tpu.memory_space<hbm>>
    tpu.wait_dma2 semaphore(%arg26 : memref<!tpu.dma_semaphore, #tpu.memory_space<semaphore_mem>>) src(%dma_wait3A_450 : memref<8x768xf32, #tpu.memory_space<hbm>>) dst(%arg19 : memref<8x768xf32, #tpu.memory_space<vmem>>)
    %dma_wait3A_451 = arith.constant 1 : i32
    %dma_wait3A_452 = arith.constant 0 : i32
    %dma_wait3A_453 = arith.constant 0 : i32
    %dma_wait3A_454 = tpu.memref_slice %arg2[%dma_wait3A_451, %dma_wait3A_452, %dma_wait3A_453] : memref<4x8192x768xf32, #tpu.memory_space<hbm>> -> memref<1x8x768xf32, #tpu.memory_space<hbm>>
    %dma_wait3A_455 = tpu.memref_squeeze %dma_wait3A_454 : memref<1x8x768xf32, #tpu.memory_space<hbm>> -> memref<8x768xf32, #tpu.memory_space<hbm>>
    %dma_wait3A_456 = arith.constant 0 : i32
    %dma_wait3A_457 = arith.constant 0 : i32
    %dma_wait3A_458 = tpu.memref_slice %arg2[%dma_wait3A_451, %dma_wait3A_456, %dma_wait3A_457] : memref<4x8192x768xf32, #tpu.memory_space<hbm>> -> memref<1x8x768xf32, #tpu.memory_space<hbm>>
    %dma_wait3A_459 = tpu.memref_squeeze %dma_wait3A_458 : memref<1x8x768xf32, #tpu.memory_space<hbm>> -> memref<8x768xf32, #tpu.memory_space<hbm>>
    tpu.wait_dma2 semaphore(%arg26 : memref<!tpu.dma_semaphore, #tpu.memory_space<semaphore_mem>>) src(%dma_wait3A_459 : memref<8x768xf32, #tpu.memory_space<hbm>>) dst(%arg20 : memref<8x768xf32, #tpu.memory_space<vmem>>)
    %dma_wait3A_460 = arith.constant 2 : i32
    %dma_wait3A_461 = arith.constant 0 : i32
    %dma_wait3A_462 = arith.constant 0 : i32
    %dma_wait3A_463 = tpu.memref_slice %arg2[%dma_wait3A_460, %dma_wait3A_461, %dma_wait3A_462] : memref<4x8192x768xf32, #tpu.memory_space<hbm>> -> memref<1x8x768xf32, #tpu.memory_space<hbm>>
    %dma_wait3A_464 = tpu.memref_squeeze %dma_wait3A_463 : memref<1x8x768xf32, #tpu.memory_space<hbm>> -> memref<8x768xf32, #tpu.memory_space<hbm>>
    %dma_wait3A_465 = arith.constant 0 : i32
    %dma_wait3A_466 = arith.constant 0 : i32
    %dma_wait3A_467 = tpu.memref_slice %arg2[%dma_wait3A_460, %dma_wait3A_465, %dma_wait3A_466] : memref<4x8192x768xf32, #tpu.memory_space<hbm>> -> memref<1x8x768xf32, #tpu.memory_space<hbm>>
    %dma_wait3A_468 = tpu.memref_squeeze %dma_wait3A_467 : memref<1x8x768xf32, #tpu.memory_space<hbm>> -> memref<8x768xf32, #tpu.memory_space<hbm>>
    tpu.wait_dma2 semaphore(%arg26 : memref<!tpu.dma_semaphore, #tpu.memory_space<semaphore_mem>>) src(%dma_wait3A_468 : memref<8x768xf32, #tpu.memory_space<hbm>>) dst(%arg21 : memref<8x768xf32, #tpu.memory_space<vmem>>)
    %dma_wait3A_469 = arith.constant 3 : i32
    %dma_wait3A_470 = arith.constant 0 : i32
    %dma_wait3A_471 = arith.constant 0 : i32
    %dma_wait3A_472 = tpu.memref_slice %arg2[%dma_wait3A_469, %dma_wait3A_470, %dma_wait3A_471] : memref<4x8192x768xf32, #tpu.memory_space<hbm>> -> memref<1x8x768xf32, #tpu.memory_space<hbm>>
    %dma_wait3A_473 = tpu.memref_squeeze %dma_wait3A_472 : memref<1x8x768xf32, #tpu.memory_space<hbm>> -> memref<8x768xf32, #tpu.memory_space<hbm>>
    %dma_wait3A_474 = arith.constant 0 : i32
    %dma_wait3A_475 = arith.constant 0 : i32
    %dma_wait3A_476 = tpu.memref_slice %arg2[%dma_wait3A_469, %dma_wait3A_474, %dma_wait3A_475] : memref<4x8192x768xf32, #tpu.memory_space<hbm>> -> memref<1x8x768xf32, #tpu.memory_space<hbm>>
    %dma_wait3A_477 = tpu.memref_squeeze %dma_wait3A_476 : memref<1x8x768xf32, #tpu.memory_space<hbm>> -> memref<8x768xf32, #tpu.memory_space<hbm>>
    tpu.wait_dma2 semaphore(%arg26 : memref<!tpu.dma_semaphore, #tpu.memory_space<semaphore_mem>>) src(%dma_wait3A_477 : memref<8x768xf32, #tpu.memory_space<hbm>>) dst(%arg22 : memref<8x768xf32, #tpu.memory_space<vmem>>)
    %parallel_loop3A_478 = arith.constant 0 : i32
    %parallel_loop3A_479 = arith.constant 384 : i32
    %parallel_loop3A_480 = arith.constant 1 : i32
    scf.for %parallel_loop3A_583 = %parallel_loop3A_478 to %parallel_loop3A_479 step %parallel_loop3A_480  : i32 {
      %parallel_loop3A_584 = arith.constant 48 : i32
      %parallel_loop3A_585 = arith.divsi %parallel_loop3A_583, %parallel_loop3A_584 : i32
      %parallel_loop3A_586 = arith.constant 0 : i32
      %parallel_loop3A_587 = arith.cmpi sgt, %parallel_loop3A_583, %parallel_loop3A_586 : i32
      %parallel_loop3A_588 = arith.extui %parallel_loop3A_587 : i1 to i32
      %parallel_loop3A_589 = arith.constant 0 : i32
      %parallel_loop3A_590 = arith.cmpi slt, %parallel_loop3A_583, %parallel_loop3A_589 : i32
      %parallel_loop3A_591 = arith.extui %parallel_loop3A_590 : i1 to i32
      %parallel_loop3A_592 = arith.subi %parallel_loop3A_588, %parallel_loop3A_591 : i32
      %parallel_loop3A_593 = arith.constant 0 : i32
      %parallel_loop3A_594 = arith.cmpi sgt, %parallel_loop3A_584, %parallel_loop3A_593 : i32
      %parallel_loop3A_595 = arith.extui %parallel_loop3A_594 : i1 to i32
      %parallel_loop3A_596 = arith.constant 0 : i32
      %parallel_loop3A_597 = arith.cmpi slt, %parallel_loop3A_584, %parallel_loop3A_596 : i32
      %parallel_loop3A_598 = arith.extui %parallel_loop3A_597 : i1 to i32
      %parallel_loop3A_599 = arith.subi %parallel_loop3A_595, %parallel_loop3A_598 : i32
      %parallel_loop3A_600 = arith.cmpi ne, %parallel_loop3A_592, %parallel_loop3A_599 : i32
      %parallel_loop3A_601 = arith.remsi %parallel_loop3A_583, %parallel_loop3A_584 : i32
      %parallel_loop3A_602 = arith.constant 0 : i32
      %parallel_loop3A_603 = arith.cmpi ne, %parallel_loop3A_601, %parallel_loop3A_602 : i32
      %parallel_loop3A_604 = arith.andi %parallel_loop3A_600, %parallel_loop3A_603 : i1
      %parallel_loop3A_605 = arith.constant 1 : i32
      %parallel_loop3A_606 = arith.subi %parallel_loop3A_585, %parallel_loop3A_605 : i32
      %parallel_loop3A_607 = arith.select %parallel_loop3A_604, %parallel_loop3A_606, %parallel_loop3A_585 : i32
      %parallel_loop3A_608 = arith.constant 48 : i32
      %parallel_loop3A_609 = arith.constant 0 : i32
      %parallel_loop3A_610 = arith.cmpi eq, %parallel_loop3A_608, %parallel_loop3A_609 : i32
      %parallel_loop3A_611 = arith.constant 1 : i32
      %parallel_loop3A_612 = arith.select %parallel_loop3A_610, %parallel_loop3A_611, %parallel_loop3A_608 : i32
      %parallel_loop3A_613 = arith.remsi %parallel_loop3A_583, %parallel_loop3A_612 : i32
      %parallel_loop3A_614 = arith.constant 0 : i32
      %parallel_loop3A_615 = arith.cmpi ne, %parallel_loop3A_613, %parallel_loop3A_614 : i32
      %parallel_loop3A_616 = arith.constant 0 : i32
      %parallel_loop3A_617 = arith.cmpi slt, %parallel_loop3A_613, %parallel_loop3A_616 : i32
      %parallel_loop3A_618 = arith.constant 0 : i32
      %parallel_loop3A_619 = arith.cmpi slt, %parallel_loop3A_612, %parallel_loop3A_618 : i32
      %parallel_loop3A_620 = arith.xori %parallel_loop3A_617, %parallel_loop3A_619 : i1
      %parallel_loop3A_621 = arith.andi %parallel_loop3A_620, %parallel_loop3A_615 : i1
      %parallel_loop3A_622 = arith.addi %parallel_loop3A_613, %parallel_loop3A_612 : i32
      %parallel_loop3A_623 = arith.select %parallel_loop3A_621, %parallel_loop3A_622, %parallel_loop3A_613 : i32
      %parallel_loop3A_624 = arith.constant 16 : i32
      %parallel_loop3A_625 = arith.muli %parallel_loop3A_623, %parallel_loop3A_624 : i32
      %parallel_loop3A_626 = arith.index_cast %parallel_loop3A_607 : i32 to index
      %parallel_loop3A_627 = arith.index_cast %parallel_loop3A_625 : i32 to index
      %parallel_loop3A_628 = tpu.vector_load %arg6[%parallel_loop3A_626, %parallel_loop3A_627] {strides = array<i32>} : memref<8x768xf32, #tpu.memory_space<vmem>>, vector<1x16xf32>,
      %parallel_loop3A_629 = vector.shape_cast %parallel_loop3A_628 : vector<1x16xf32> to vector<16xf32>
      %parallel_loop3A_630 = arith.index_cast %parallel_loop3A_607 : i32 to index
      %parallel_loop3A_631 = arith.index_cast %parallel_loop3A_625 : i32 to index
      %parallel_loop3A_632 = tpu.vector_load %arg11[%parallel_loop3A_630, %parallel_loop3A_631] {strides = array<i32>} : memref<8x768xf32, #tpu.memory_space<vmem>>, vector<1x16xf32>,
      %parallel_loop3A_633 = vector.shape_cast %parallel_loop3A_632 : vector<1x16xf32> to vector<16xf32>
      %parallel_loop3A_634 = arith.addf %parallel_loop3A_633, %parallel_loop3A_629 : vector<16xf32>
      %parallel_loop3A_635 = arith.index_cast %parallel_loop3A_607 : i32 to index
      %parallel_loop3A_636 = arith.index_cast %parallel_loop3A_625 : i32 to index
      %parallel_loop3A_637 = tpu.vector_load %arg19[%parallel_loop3A_635, %parallel_loop3A_636] {strides = array<i32>} : memref<8x768xf32, #tpu.memory_space<vmem>>, vector<1x16xf32>,
      %parallel_loop3A_638 = vector.shape_cast %parallel_loop3A_637 : vector<1x16xf32> to vector<16xf32>
      %parallel_loop3A_639 = vector.shape_cast %parallel_loop3A_634 : vector<16xf32> to vector<1x16xf32>
      tpu.vector_store %arg19[%parallel_loop3A_635, %parallel_loop3A_636], %parallel_loop3A_639 {strides = array<i32>} : memref<8x768xf32, #tpu.memory_space<vmem>>, vector<1x16xf32>,
      %parallel_loop3A_640 = arith.index_cast %parallel_loop3A_607 : i32 to index
      %parallel_loop3A_641 = arith.index_cast %parallel_loop3A_625 : i32 to index
      %parallel_loop3A_642 = tpu.vector_load %arg12[%parallel_loop3A_640, %parallel_loop3A_641] {strides = array<i32>} : memref<8x768xf32, #tpu.memory_space<vmem>>, vector<1x16xf32>,
      %parallel_loop3A_643 = vector.shape_cast %parallel_loop3A_642 : vector<1x16xf32> to vector<16xf32>
      %parallel_loop3A_644 = arith.addf %parallel_loop3A_643, %parallel_loop3A_629 : vector<16xf32>
      %parallel_loop3A_645 = arith.index_cast %parallel_loop3A_607 : i32 to index
      %parallel_loop3A_646 = arith.index_cast %parallel_loop3A_625 : i32 to index
      %parallel_loop3A_647 = tpu.vector_load %arg20[%parallel_loop3A_645, %parallel_loop3A_646] {strides = array<i32>} : memref<8x768xf32, #tpu.memory_space<vmem>>, vector<1x16xf32>,
      %parallel_loop3A_648 = vector.shape_cast %parallel_loop3A_647 : vector<1x16xf32> to vector<16xf32>
      %parallel_loop3A_649 = vector.shape_cast %parallel_loop3A_644 : vector<16xf32> to vector<1x16xf32>
      tpu.vector_store %arg20[%parallel_loop3A_645, %parallel_loop3A_646], %parallel_loop3A_649 {strides = array<i32>} : memref<8x768xf32, #tpu.memory_space<vmem>>, vector<1x16xf32>,
      %parallel_loop3A_650 = arith.index_cast %parallel_loop3A_607 : i32 to index
      %parallel_loop3A_651 = arith.index_cast %parallel_loop3A_625 : i32 to index
      %parallel_loop3A_652 = tpu.vector_load %arg13[%parallel_loop3A_650, %parallel_loop3A_651] {strides = array<i32>} : memref<8x768xf32, #tpu.memory_space<vmem>>, vector<1x16xf32>,
      %parallel_loop3A_653 = vector.shape_cast %parallel_loop3A_652 : vector<1x16xf32> to vector<16xf32>
      %parallel_loop3A_654 = arith.addf %parallel_loop3A_653, %parallel_loop3A_629 : vector<16xf32>
      %parallel_loop3A_655 = arith.index_cast %parallel_loop3A_607 : i32 to index
      %parallel_loop3A_656 = arith.index_cast %parallel_loop3A_625 : i32 to index
      %parallel_loop3A_657 = tpu.vector_load %arg21[%parallel_loop3A_655, %parallel_loop3A_656] {strides = array<i32>} : memref<8x768xf32, #tpu.memory_space<vmem>>, vector<1x16xf32>,
      %parallel_loop3A_658 = vector.shape_cast %parallel_loop3A_657 : vector<1x16xf32> to vector<16xf32>
      %parallel_loop3A_659 = vector.shape_cast %parallel_loop3A_654 : vector<16xf32> to vector<1x16xf32>
      tpu.vector_store %arg21[%parallel_loop3A_655, %parallel_loop3A_656], %parallel_loop3A_659 {strides = array<i32>} : memref<8x768xf32, #tpu.memory_space<vmem>>, vector<1x16xf32>,
      %parallel_loop3A_660 = arith.index_cast %parallel_loop3A_607 : i32 to index
      %parallel_loop3A_661 = arith.index_cast %parallel_loop3A_625 : i32 to index
      %parallel_loop3A_662 = tpu.vector_load %arg14[%parallel_loop3A_660, %parallel_loop3A_661] {strides = array<i32>} : memref<8x768xf32, #tpu.memory_space<vmem>>, vector<1x16xf32>,
      %parallel_loop3A_663 = vector.shape_cast %parallel_loop3A_662 : vector<1x16xf32> to vector<16xf32>
      %parallel_loop3A_664 = arith.addf %parallel_loop3A_663, %parallel_loop3A_629 : vector<16xf32>
      %parallel_loop3A_665 = arith.index_cast %parallel_loop3A_607 : i32 to index
      %parallel_loop3A_666 = arith.index_cast %parallel_loop3A_625 : i32 to index
      %parallel_loop3A_667 = tpu.vector_load %arg22[%parallel_loop3A_665, %parallel_loop3A_666] {strides = array<i32>} : memref<8x768xf32, #tpu.memory_space<vmem>>, vector<1x16xf32>,
      %parallel_loop3A_668 = vector.shape_cast %parallel_loop3A_667 : vector<1x16xf32> to vector<16xf32>
      %parallel_loop3A_669 = vector.shape_cast %parallel_loop3A_664 : vector<16xf32> to vector<1x16xf32>
      tpu.vector_store %arg22[%parallel_loop3A_665, %parallel_loop3A_666], %parallel_loop3A_669 {strides = array<i32>} : memref<8x768xf32, #tpu.memory_space<vmem>>, vector<1x16xf32>,
    } {sc.loop_unroll_factor = 4 : i64, sc.parallel_access}
    %add3A_481 = arith.constant 8 : i32
    %add3A_482 = arith.addi %add3A_288, %add3A_481 : i32
    %dma_start3A_483 = arith.constant 0 : i32
    %dma_start3A_484 = arith.constant 0 : i32
    %dma_start3A_485 = tpu.memref_slice %arg4[%dma_start3A_483, %add3A_482, %dma_start3A_484] : memref<4x8192x768xf32, #tpu.memory_space<hbm>> -> memref<1x8x768xf32, #tpu.memory_space<hbm>>
    %dma_start3A_486 = tpu.memref_squeeze %dma_start3A_485 : memref<1x8x768xf32, #tpu.memory_space<hbm>> -> memref<8x768xf32, #tpu.memory_space<hbm>>
    %dma_start3A_487 = arith.constant 0 : i32
    %dma_start3A_488 = tpu.memref_slice %arg4[%dma_start3A_483, %add3A_482, %dma_start3A_487] : memref<4x8192x768xf32, #tpu.memory_space<hbm>> -> memref<1x8x768xf32, #tpu.memory_space<hbm>>
    %dma_start3A_489 = tpu.memref_squeeze %dma_start3A_488 : memref<1x8x768xf32, #tpu.memory_space<hbm>> -> memref<8x768xf32, #tpu.memory_space<hbm>>
    tpu.enqueue_dma source(%arg19 : memref<8x768xf32, #tpu.memory_space<vmem>>) target(%dma_start3A_489 : memref<8x768xf32, #tpu.memory_space<hbm>>) target_semaphore(%arg26 : memref<!tpu.dma_semaphore, #tpu.memory_space<semaphore_mem>>)
    %dma_start3A_490 = arith.constant 1 : i32
    %dma_start3A_491 = arith.constant 0 : i32
    %dma_start3A_492 = tpu.memref_slice %arg4[%dma_start3A_490, %add3A_482, %dma_start3A_491] : memref<4x8192x768xf32, #tpu.memory_space<hbm>> -> memref<1x8x768xf32, #tpu.memory_space<hbm>>
    %dma_start3A_493 = tpu.memref_squeeze %dma_start3A_492 : memref<1x8x768xf32, #tpu.memory_space<hbm>> -> memref<8x768xf32, #tpu.memory_space<hbm>>
    %dma_start3A_494 = arith.constant 0 : i32
    %dma_start3A_495 = tpu.memref_slice %arg4[%dma_start3A_490, %add3A_482, %dma_start3A_494] : memref<4x8192x768xf32, #tpu.memory_space<hbm>> -> memref<1x8x768xf32, #tpu.memory_space<hbm>>
    %dma_start3A_496 = tpu.memref_squeeze %dma_start3A_495 : memref<1x8x768xf32, #tpu.memory_space<hbm>> -> memref<8x768xf32, #tpu.memory_space<hbm>>
    tpu.enqueue_dma source(%arg20 : memref<8x768xf32, #tpu.memory_space<vmem>>) target(%dma_start3A_496 : memref<8x768xf32, #tpu.memory_space<hbm>>) target_semaphore(%arg26 : memref<!tpu.dma_semaphore, #tpu.memory_space<semaphore_mem>>)
    %dma_start3A_497 = arith.constant 2 : i32
    %dma_start3A_498 = arith.constant 0 : i32
    %dma_start3A_499 = tpu.memref_slice %arg4[%dma_start3A_497, %add3A_482, %dma_start3A_498] : memref<4x8192x768xf32, #tpu.memory_space<hbm>> -> memref<1x8x768xf32, #tpu.memory_space<hbm>>
    %dma_start3A_500 = tpu.memref_squeeze %dma_start3A_499 : memref<1x8x768xf32, #tpu.memory_space<hbm>> -> memref<8x768xf32, #tpu.memory_space<hbm>>
    %dma_start3A_501 = arith.constant 0 : i32
    %dma_start3A_502 = tpu.memref_slice %arg4[%dma_start3A_497, %add3A_482, %dma_start3A_501] : memref<4x8192x768xf32, #tpu.memory_space<hbm>> -> memref<1x8x768xf32, #tpu.memory_space<hbm>>
    %dma_start3A_503 = tpu.memref_squeeze %dma_start3A_502 : memref<1x8x768xf32, #tpu.memory_space<hbm>> -> memref<8x768xf32, #tpu.memory_space<hbm>>
    tpu.enqueue_dma source(%arg21 : memref<8x768xf32, #tpu.memory_space<vmem>>) target(%dma_start3A_503 : memref<8x768xf32, #tpu.memory_space<hbm>>) target_semaphore(%arg26 : memref<!tpu.dma_semaphore, #tpu.memory_space<semaphore_mem>>)
    %dma_start3A_504 = arith.constant 3 : i32
    %dma_start3A_505 = arith.constant 0 : i32
    %dma_start3A_506 = tpu.memref_slice %arg4[%dma_start3A_504, %add3A_482, %dma_start3A_505] : memref<4x8192x768xf32, #tpu.memory_space<hbm>> -> memref<1x8x768xf32, #tpu.memory_space<hbm>>
    %dma_start3A_507 = tpu.memref_squeeze %dma_start3A_506 : memref<1x8x768xf32, #tpu.memory_space<hbm>> -> memref<8x768xf32, #tpu.memory_space<hbm>>
    %dma_start3A_508 = arith.constant 0 : i32
    %dma_start3A_509 = tpu.memref_slice %arg4[%dma_start3A_504, %add3A_482, %dma_start3A_508] : memref<4x8192x768xf32, #tpu.memory_space<hbm>> -> memref<1x8x768xf32, #tpu.memory_space<hbm>>
    %dma_start3A_510 = tpu.memref_squeeze %dma_start3A_509 : memref<1x8x768xf32, #tpu.memory_space<hbm>> -> memref<8x768xf32, #tpu.memory_space<hbm>>
    tpu.enqueue_dma source(%arg22 : memref<8x768xf32, #tpu.memory_space<vmem>>) target(%dma_start3A_510 : memref<8x768xf32, #tpu.memory_space<hbm>>) target_semaphore(%arg26 : memref<!tpu.dma_semaphore, #tpu.memory_space<semaphore_mem>>)
    %dma_wait3A_511 = arith.constant 0 : i32
    %dma_wait3A_512 = arith.constant 0 : i32
    %dma_wait3A_513 = arith.constant 0 : i32
    %dma_wait3A_514 = tpu.memref_slice %arg2[%dma_wait3A_511, %dma_wait3A_512, %dma_wait3A_513] : memref<4x8192x768xf32, #tpu.memory_space<hbm>> -> memref<1x8x768xf32, #tpu.memory_space<hbm>>
    %dma_wait3A_515 = tpu.memref_squeeze %dma_wait3A_514 : memref<1x8x768xf32, #tpu.memory_space<hbm>> -> memref<8x768xf32, #tpu.memory_space<hbm>>
    %dma_wait3A_516 = arith.constant 0 : i32
    %dma_wait3A_517 = arith.constant 0 : i32
    %dma_wait3A_518 = tpu.memref_slice %arg2[%dma_wait3A_511, %dma_wait3A_516, %dma_wait3A_517] : memref<4x8192x768xf32, #tpu.memory_space<hbm>> -> memref<1x8x768xf32, #tpu.memory_space<hbm>>
    %dma_wait3A_519 = tpu.memref_squeeze %dma_wait3A_518 : memref<1x8x768xf32, #tpu.memory_space<hbm>> -> memref<8x768xf32, #tpu.memory_space<hbm>>
    tpu.wait_dma2 semaphore(%arg25 : memref<!tpu.dma_semaphore, #tpu.memory_space<semaphore_mem>>) src(%dma_wait3A_519 : memref<8x768xf32, #tpu.memory_space<hbm>>) dst(%arg15 : memref<8x768xf32, #tpu.memory_space<vmem>>)
    %dma_wait3A_520 = arith.constant 1 : i32
    %dma_wait3A_521 = arith.constant 0 : i32
    %dma_wait3A_522 = arith.constant 0 : i32
    %dma_wait3A_523 = tpu.memref_slice %arg2[%dma_wait3A_520, %dma_wait3A_521, %dma_wait3A_522] : memref<4x8192x768xf32, #tpu.memory_space<hbm>> -> memref<1x8x768xf32, #tpu.memory_space<hbm>>
    %dma_wait3A_524 = tpu.memref_squeeze %dma_wait3A_523 : memref<1x8x768xf32, #tpu.memory_space<hbm>> -> memref<8x768xf32, #tpu.memory_space<hbm>>
    %dma_wait3A_525 = arith.constant 0 : i32
    %dma_wait3A_526 = arith.constant 0 : i32
    %dma_wait3A_527 = tpu.memref_slice %arg2[%dma_wait3A_520, %dma_wait3A_525, %dma_wait3A_526] : memref<4x8192x768xf32, #tpu.memory_space<hbm>> -> memref<1x8x768xf32, #tpu.memory_space<hbm>>
    %dma_wait3A_528 = tpu.memref_squeeze %dma_wait3A_527 : memref<1x8x768xf32, #tpu.memory_space<hbm>> -> memref<8x768xf32, #tpu.memory_space<hbm>>
    tpu.wait_dma2 semaphore(%arg25 : memref<!tpu.dma_semaphore, #tpu.memory_space<semaphore_mem>>) src(%dma_wait3A_528 : memref<8x768xf32, #tpu.memory_space<hbm>>) dst(%arg16 : memref<8x768xf32, #tpu.memory_space<vmem>>)
    %dma_wait3A_529 = arith.constant 2 : i32
    %dma_wait3A_530 = arith.constant 0 : i32
    %dma_wait3A_531 = arith.constant 0 : i32
    %dma_wait3A_532 = tpu.memref_slice %arg2[%dma_wait3A_529, %dma_wait3A_530, %dma_wait3A_531] : memref<4x8192x768xf32, #tpu.memory_space<hbm>> -> memref<1x8x768xf32, #tpu.memory_space<hbm>>
    %dma_wait3A_533 = tpu.memref_squeeze %dma_wait3A_532 : memref<1x8x768xf32, #tpu.memory_space<hbm>> -> memref<8x768xf32, #tpu.memory_space<hbm>>
    %dma_wait3A_534 = arith.constant 0 : i32
    %dma_wait3A_535 = arith.constant 0 : i32
    %dma_wait3A_536 = tpu.memref_slice %arg2[%dma_wait3A_529, %dma_wait3A_534, %dma_wait3A_535] : memref<4x8192x768xf32, #tpu.memory_space<hbm>> -> memref<1x8x768xf32, #tpu.memory_space<hbm>>
    %dma_wait3A_537 = tpu.memref_squeeze %dma_wait3A_536 : memref<1x8x768xf32, #tpu.memory_space<hbm>> -> memref<8x768xf32, #tpu.memory_space<hbm>>
    tpu.wait_dma2 semaphore(%arg25 : memref<!tpu.dma_semaphore, #tpu.memory_space<semaphore_mem>>) src(%dma_wait3A_537 : memref<8x768xf32, #tpu.memory_space<hbm>>) dst(%arg17 : memref<8x768xf32, #tpu.memory_space<vmem>>)
    %dma_wait3A_538 = arith.constant 3 : i32
    %dma_wait3A_539 = arith.constant 0 : i32
    %dma_wait3A_540 = arith.constant 0 : i32
    %dma_wait3A_541 = tpu.memref_slice %arg2[%dma_wait3A_538, %dma_wait3A_539, %dma_wait3A_540] : memref<4x8192x768xf32, #tpu.memory_space<hbm>> -> memref<1x8x768xf32, #tpu.memory_space<hbm>>
    %dma_wait3A_542 = tpu.memref_squeeze %dma_wait3A_541 : memref<1x8x768xf32, #tpu.memory_space<hbm>> -> memref<8x768xf32, #tpu.memory_space<hbm>>
    %dma_wait3A_543 = arith.constant 0 : i32
    %dma_wait3A_544 = arith.constant 0 : i32
    %dma_wait3A_545 = tpu.memref_slice %arg2[%dma_wait3A_538, %dma_wait3A_543, %dma_wait3A_544] : memref<4x8192x768xf32, #tpu.memory_space<hbm>> -> memref<1x8x768xf32, #tpu.memory_space<hbm>>
    %dma_wait3A_546 = tpu.memref_squeeze %dma_wait3A_545 : memref<1x8x768xf32, #tpu.memory_space<hbm>> -> memref<8x768xf32, #tpu.memory_space<hbm>>
    tpu.wait_dma2 semaphore(%arg25 : memref<!tpu.dma_semaphore, #tpu.memory_space<semaphore_mem>>) src(%dma_wait3A_546 : memref<8x768xf32, #tpu.memory_space<hbm>>) dst(%arg18 : memref<8x768xf32, #tpu.memory_space<vmem>>)
    %dma_wait3A_547 = arith.constant 0 : i32
    %dma_wait3A_548 = arith.constant 0 : i32
    %dma_wait3A_549 = arith.constant 0 : i32
    %dma_wait3A_550 = tpu.memref_slice %arg2[%dma_wait3A_547, %dma_wait3A_548, %dma_wait3A_549] : memref<4x8192x768xf32, #tpu.memory_space<hbm>> -> memref<1x8x768xf32, #tpu.memory_space<hbm>>
    %dma_wait3A_551 = tpu.memref_squeeze %dma_wait3A_550 : memref<1x8x768xf32, #tpu.memory_space<hbm>> -> memref<8x768xf32, #tpu.memory_space<hbm>>
    %dma_wait3A_552 = arith.constant 0 : i32
    %dma_wait3A_553 = arith.constant 0 : i32
    %dma_wait3A_554 = tpu.memref_slice %arg2[%dma_wait3A_547, %dma_wait3A_552, %dma_wait3A_553] : memref<4x8192x768xf32, #tpu.memory_space<hbm>> -> memref<1x8x768xf32, #tpu.memory_space<hbm>>
    %dma_wait3A_555 = tpu.memref_squeeze %dma_wait3A_554 : memref<1x8x768xf32, #tpu.memory_space<hbm>> -> memref<8x768xf32, #tpu.memory_space<hbm>>
    tpu.wait_dma2 semaphore(%arg26 : memref<!tpu.dma_semaphore, #tpu.memory_space<semaphore_mem>>) src(%dma_wait3A_555 : memref<8x768xf32, #tpu.memory_space<hbm>>) dst(%arg19 : memref<8x768xf32, #tpu.memory_space<vmem>>)
    %dma_wait3A_556 = arith.constant 1 : i32
    %dma_wait3A_557 = arith.constant 0 : i32
    %dma_wait3A_558 = arith.constant 0 : i32
    %dma_wait3A_559 = tpu.memref_slice %arg2[%dma_wait3A_556, %dma_wait3A_557, %dma_wait3A_558] : memref<4x8192x768xf32, #tpu.memory_space<hbm>> -> memref<1x8x768xf32, #tpu.memory_space<hbm>>
    %dma_wait3A_560 = tpu.memref_squeeze %dma_wait3A_559 : memref<1x8x768xf32, #tpu.memory_space<hbm>> -> memref<8x768xf32, #tpu.memory_space<hbm>>
    %dma_wait3A_561 = arith.constant 0 : i32
    %dma_wait3A_562 = arith.constant 0 : i32
    %dma_wait3A_563 = tpu.memref_slice %arg2[%dma_wait3A_556, %dma_wait3A_561, %dma_wait3A_562] : memref<4x8192x768xf32, #tpu.memory_space<hbm>> -> memref<1x8x768xf32, #tpu.memory_space<hbm>>
    %dma_wait3A_564 = tpu.memref_squeeze %dma_wait3A_563 : memref<1x8x768xf32, #tpu.memory_space<hbm>> -> memref<8x768xf32, #tpu.memory_space<hbm>>
    tpu.wait_dma2 semaphore(%arg26 : memref<!tpu.dma_semaphore, #tpu.memory_space<semaphore_mem>>) src(%dma_wait3A_564 : memref<8x768xf32, #tpu.memory_space<hbm>>) dst(%arg20 : memref<8x768xf32, #tpu.memory_space<vmem>>)
    %dma_wait3A_565 = arith.constant 2 : i32
    %dma_wait3A_566 = arith.constant 0 : i32
    %dma_wait3A_567 = arith.constant 0 : i32
    %dma_wait3A_568 = tpu.memref_slice %arg2[%dma_wait3A_565, %dma_wait3A_566, %dma_wait3A_567] : memref<4x8192x768xf32, #tpu.memory_space<hbm>> -> memref<1x8x768xf32, #tpu.memory_space<hbm>>
    %dma_wait3A_569 = tpu.memref_squeeze %dma_wait3A_568 : memref<1x8x768xf32, #tpu.memory_space<hbm>> -> memref<8x768xf32, #tpu.memory_space<hbm>>
    %dma_wait3A_570 = arith.constant 0 : i32
    %dma_wait3A_571 = arith.constant 0 : i32
    %dma_wait3A_572 = tpu.memref_slice %arg2[%dma_wait3A_565, %dma_wait3A_570, %dma_wait3A_571] : memref<4x8192x768xf32, #tpu.memory_space<hbm>> -> memref<1x8x768xf32, #tpu.memory_space<hbm>>
    %dma_wait3A_573 = tpu.memref_squeeze %dma_wait3A_572 : memref<1x8x768xf32, #tpu.memory_space<hbm>> -> memref<8x768xf32, #tpu.memory_space<hbm>>
    tpu.wait_dma2 semaphore(%arg26 : memref<!tpu.dma_semaphore, #tpu.memory_space<semaphore_mem>>) src(%dma_wait3A_573 : memref<8x768xf32, #tpu.memory_space<hbm>>) dst(%arg21 : memref<8x768xf32, #tpu.memory_space<vmem>>)
    %dma_wait3A_574 = arith.constant 3 : i32
    %dma_wait3A_575 = arith.constant 0 : i32
    %dma_wait3A_576 = arith.constant 0 : i32
    %dma_wait3A_577 = tpu.memref_slice %arg2[%dma_wait3A_574, %dma_wait3A_575, %dma_wait3A_576] : memref<4x8192x768xf32, #tpu.memory_space<hbm>> -> memref<1x8x768xf32, #tpu.memory_space<hbm>>
    %dma_wait3A_578 = tpu.memref_squeeze %dma_wait3A_577 : memref<1x8x768xf32, #tpu.memory_space<hbm>> -> memref<8x768xf32, #tpu.memory_space<hbm>>
    %dma_wait3A_579 = arith.constant 0 : i32
    %dma_wait3A_580 = arith.constant 0 : i32
    %dma_wait3A_581 = tpu.memref_slice %arg2[%dma_wait3A_574, %dma_wait3A_579, %dma_wait3A_580] : memref<4x8192x768xf32, #tpu.memory_space<hbm>> -> memref<1x8x768xf32, #tpu.memory_space<hbm>>
    %dma_wait3A_582 = tpu.memref_squeeze %dma_wait3A_581 : memref<1x8x768xf32, #tpu.memory_space<hbm>> -> memref<8x768xf32, #tpu.memory_space<hbm>>
    tpu.wait_dma2 semaphore(%arg26 : memref<!tpu.dma_semaphore, #tpu.memory_space<semaphore_mem>>) src(%dma_wait3A_582 : memref<8x768xf32, #tpu.memory_space<hbm>>) dst(%arg22 : memref<8x768xf32, #tpu.memory_space<vmem>>)
    return
  }
}

</mosaic_0001>

<sc_bundles>
// kernel: kernel.3.cloned.1.call-start
scs
__scs_entry_jumppad:
0x0: {  	(pc) =	sbr.rel $0x88, $3  }
0x1: {  	(tag) =	ssettag $0x0;
	lr =	simm.s32 $0x1  }
0x2: {  	[smem:$0x3F9F] =	sst lr;
	_ =	strace $0xD0000000  }
0x3: {  	_ = 	snop  }
0x4: {  	_ = 	snop  }
0x5: {  	_ = 	snop  }
0x6: {  	_ = 	snop  }
0x7: {  	_ = 	snop  }
__scs_overlays_trampoline_lowered:
0x8: {  	[smem:$0x3FAE] =	sst s0  }
0x9: {  	[smem:$0x3FAF] =	sst s1  }
0xa: {  	[smem:$0x3FB0] =	sst s2  }
0xb: {  	[smem:$0x3FB1] =	sst s3  }
0xc: {  	[smem:$0x3FB2] =	sst s4  }
0xd: {  	[smem:$0x3FB3] =	sst s5  }
0xe: {  	[smem:$0x3FB4] =	sst s6  }
0xf: {  	[smem:$0x3FB5] =	sst s7  }
0x10: {  	[smem:$0x3FB6] =	sst s8  }
0x11: {  	[smem:$0x3FB7] =	sst s9;
	s0 =	simm.s32 @!p0 $0x0  }
0x12: {  	s1 =	sld [smem:$0x3F9D];
	s0 =	simm.s32 @p0 $0x1  }
0x13: {  	[smem:$0x3FB8] =	sst s0;
	s0 =	simm.s32 @!p1 $0x0  }
0x14: {  	s2 =	sld [smem:$0x3F9C];
	s0 =	simm.s32 @p1 $0x1  }
0x15: {  	[smem:$0x3FB9] =	sst s0;
	s0 =	simm.s32 @!p2 $0x0  }
0x16: {  	s3 =	sld [smem:$0x3FDB];
	s0 =	simm.s32 @p2 $0x1  }
0x17: {  	s4 =	simm.s32 $0x1BF5;
	[smem:$0x3FBB] =	sst s0  }
0x18: {  	s0 =	sld [smem:$0x3F9E];
	_ =	swait.ge [sflag:s4], $0x0  }
0x19: {  	s7 =	sld [smem:$0x3F9F]  }
0x1a: {  	s8 =	sadd.s32 $0xFFFFE003, lr  }
0x1b: {  	s9 =	sadd.s32 $0xFFFFFEF7, lr;
	s5 =	simm.s32 $0xFFFFFFFF;
	p2 =	slt.u32 s8, $0xFFFFF086  }
0x1c: {  	p1 =	slt.u32 s9, $0xF7A;
	s5 =	simm.s32 @!p2 $0x0  }
0x1d: {  	s5 =	simm.s32 @p1 $0x1;
	p0 =	seq.s32 s7, s2  }
0x1e: {  	s7 =	smul.u32 @!p0 $0xF7A, s2;
	p2 =	seq.s32 @!p0 s5, $0x0  }
0x1f: {  	s9 =	smul.u32 $0xF7A, s1;
	s8 =	simm.s32 @!p0 $0x1BF5;
	p2 =	por !p2, p0  }
0x20: {  	[sflag:s8] =	ssyncset.s32 @!p0 $0xFFFFF086;
	s6 =	sadd.s32 @!p0 s3, s7;
	s7 =	simm.s32 @!p0 $0x108  }
0x21: {  	s3 =	sadd.s32 s3, s9;
	s6 =	sadd.s32 @!p0 $0x88, s6;
	s7 =	simm.s32 @p2 $0x1082  }
0x22: {  	[simem:s7], [sflag:s8] =	dma.local @!p0 [hbm:s6], $0xF7A  }
0x23: {  	s9 =	sor.u32 $0xD0000000, s2;
	s6 =	simm.s32 $0x108;
	_ =	swait.ge @!p0 [sflag:s8], $0x0  }
0x24: {  	s3 =	sadd.s32 $0x88, s3;
	s6 =	simm.s32 @!p1 $0x1082;
	[sflag:s4] =	ssyncset.s32 $0xFFFFF086  }
0x25: {  	[simem:s6], [sflag:s4] =	dma.local [hbm:s3], $0xF7A  }
0x26: {  	[smem:$0x3F9F] =	sst s1;
	(tag) =	ssettag s2;
	_ =	strace s9  }
0x27: {  	s1 =	sld [smem:$0x3FAF]  }
0x28: {  	s2 =	sld [smem:$0x3FB0]  }
0x29: {  	s4 =	sld [smem:$0x3FB2]  }
0x2a: {  	p0 =	seq.s32 s5, $0x0;
	s5 =	sld [smem:$0x3FB3]  }
0x2b: {  	s6 =	sld [smem:$0x3FB4]  }
0x2c: {  	s7 =	sld [smem:$0x3FB5]  }
0x2d: {  	s3 =	simm.s32 $0x108;
	s8 =	sld [smem:$0x3FB6]  }
0x2e: {  	s3 =	simm.s32 @!p0 $0x1082;
	s9 =	sld [smem:$0x3FB7]  }
0x2f: {  	lr =	sadd.s32 s0, s3;
	s0 =	sld [smem:$0x3FAE]  }
0x30: {  	s3 =	sld [smem:$0x3FB1]  }
0x31: {  	[smem:$0x3FBA] =	sst s10  }
0x32: {  	s10 =	sld [smem:$0x3FB8];
	_ =	sdelay $0x3  }
0x33: {  	p0 =	seq.s32 s10, $0x1;
	s10 =	sld [smem:$0x3FBA];
	_ =	sdelay $0x3  }
0x34: {  	[smem:$0x3FBA] =	sst s10  }
0x35: {  	s10 =	sld [smem:$0x3FB9];
	_ =	sdelay $0x3  }
0x36: {  	p1 =	seq.s32 s10, $0x1;
	s10 =	sld [smem:$0x3FBA];
	_ =	sdelay $0x3  }
0x37: {  	[smem:$0x3FBA] =	sst s10  }
0x38: {  	s10 =	sld [smem:$0x3FBB]  }
0x39: {  	_ = 	snop;
	(pc) =	sbr.ind lr, $3  }
0x3a: {  	_ = 	snop  }
0x3b: {  	_ = 	snop  }
0x3c: {  	p2 =	seq.s32 s10, $0x1;
	s10 =	sld [smem:$0x3FBA]  }
0x3d: {  	_ =	shalt  }
0x3e: {  	_ =	shalt  }
0x3f: {  	_ =	shalt  }
0x40: {  	_ =	shalt  }
0x41: {  	_ =	shalt  }
0x42: {  	_ =	shalt  }
0x43: {  	_ =	shalt  }
0x44: {  	_ =	shalt  }
0x45: {  	_ =	shalt  }
0x46: {  	_ =	shalt  }
0x47: {  	_ =	shalt  }
0x48: {  	_ =	shalt  }
0x49: {  	_ =	shalt  }
0x4a: {  	_ =	shalt  }
0x4b: {  	_ =	shalt  }
0x4c: {  	_ =	shalt  }
0x4d: {  	_ =	shalt  }
0x4e: {  	_ =	shalt  }
0x4f: {  	_ =	shalt  }
0x50: {  	_ =	shalt  }
0x51: {  	_ =	shalt  }
0x52: {  	_ =	shalt  }
0x53: {  	_ =	shalt  }
0x54: {  	_ =	shalt  }
0x55: {  	_ =	shalt  }
0x56: {  	_ =	shalt  }
0x57: {  	_ =	shalt  }
0x58: {  	_ =	shalt  }
0x59: {  	_ =	shalt  }
0x5a: {  	_ =	shalt  }
0x5b: {  	_ =	shalt  }
0x5c: {  	_ =	shalt  }
0x5d: {  	_ =	shalt  }
0x5e: {  	_ =	shalt  }
0x5f: {  	_ =	shalt  }
0x60: {  	_ =	shalt  }
0x61: {  	_ =	shalt  }
0x62: {  	_ =	shalt  }
0x63: {  	_ =	shalt  }
0x64: {  	_ =	shalt  }
0x65: {  	_ =	shalt  }
0x66: {  	_ =	shalt  }
0x67: {  	_ =	shalt  }
0x68: {  	_ =	shalt  }
0x69: {  	_ =	shalt  }
0x6a: {  	_ =	shalt  }
0x6b: {  	_ =	shalt  }
0x6c: {  	_ =	shalt  }
0x6d: {  	_ =	shalt  }
0x6e: {  	_ =	shalt  }
0x6f: {  	_ =	shalt  }
0x70: {  	_ =	shalt  }
0x71: {  	_ =	shalt  }
0x72: {  	_ =	shalt  }
0x73: {  	_ =	shalt  }
0x74: {  	_ =	shalt  }
0x75: {  	_ =	shalt  }
0x76: {  	_ =	shalt  }
0x77: {  	_ =	shalt  }
0x78: {  	_ =	shalt  }
0x79: {  	_ =	shalt  }
0x7a: {  	_ =	shalt  }
0x7b: {  	_ =	shalt  }
0x7c: {  	_ =	shalt  }
0x7d: {  	_ =	shalt  }
0x7e: {  	_ =	shalt  }
0x7f: {  	_ =	shalt  }
0x80: {  	_ =	shalt  }
0x81: {  	_ =	shalt  }
0x82: {  	_ =	shalt  }
0x83: {  	_ =	shalt  }
0x84: {  	_ =	shalt  }
0x85: {  	_ =	shalt  }
0x86: {  	_ =	shalt  }
0x87: {  	_ =	shalt  }
.Lfunc_end0:
.L_simem_size_0:
called_computation_lowered:
.L_overlay_start_0:
0x88: {  	s2 =	sld [smem:$0x3FD9]  }
0x89: {  	s3 =	sld [smem:$0x3FFE];
	_ =	sdelay $0x1  }
0x8a: {  	s1 =	srdreg.scid  }
0x8b: {  	s0 =	sand.u32 $0x1, s1  }
0x8c: {  	s18 =	sshll.u32 s0, $0xA;
	s2 =	sadd.s32 s3, s2  }
0x8d: {  	s2 =	sadd.s32 s2, s18  }
0x8e: {  	[smem:$0x3FC6] =	sst s2  }
0x8f: {  	_ = 	snop  }
0x90: {  	s2 =	sld [smem:$0x3FC9]  }
0x91: {  	s19 =	sld [smem:$0x3FC8]  }
0x92: {  	s4 =	sld [smem:$0x3FD0];
	(tm) =	ssettm $0x1  }
0x93: {  	s5 =	sld [smem:$0x3FFB];
	_ =	sdelay $0x3  }
0x94: {  	_ =	strace s5  }
0x95: {  	s5 =	sld [smem:$0x3FFC];
	_ =	sdelay $0x3  }
0x96: {  	_ =	strace s5  }
0x97: {  	s5 =	sld [smem:$0x3FFD];
	_ =	sdelay $0x3  }
0x98: {  	_ =	strace s5  }
0x99: {  	_ =	strace $0x8FFFFFFF  }
0x9a: {  	s20 =	sld [smem:$0x3FDB];
	_ =	sdelay $0x1  }
0x9b: {  	s6 =	simm.s32 $_scs_section_size  }
0x9c: {  	s7 =	simm.s32 $_size__tile_overlayer_lowered;
	s8 =	simm.s32 $_tile_overlayer_lowered  }
0x9d: {  	s23 =	simm.s32 $0x1BFF;
	s22 =	sshll.u32 s8, $0x1;
	s5 =	sadd.s32 s6, s20  }
0x9e: {  	s9 =	simm.s32 $0x0;
	s21 =	sshll.u32 s7, $0x1;
	s7 =	sadd.s32 s22, s5  }
0x9f: {  	[timem:s9], [sflag:s23] =	dma.local [hbm:s7], s21  }
0xa0: {  	_ =	swait.ge [sflag:s23], s21  }
0xa1: {  	s6 =	ssub.s32 $0x0, s21;
	[sflag:s23] =	ssyncset.done $0x0  }
0xa2: {  	[sflag:s23] =	ssyncadd.s32 s6;
	_ =	sdelay $0x1  }
0xa3: {  	s24 =	simm.s32 $0x1B8B  }
0xa4: {  	_ =	swait.ge [sflag:s24], $0x1  }
0xa5: {  	[sflag:s24] =	ssyncset.done $0x0  }
0xa6: {  	s25 =	simm.s32 $0x1B8E;
	[sflag:s24] =	ssyncadd.s32 $0xFFFFFFFF  }
0xa7: {  	s26 =	simm.s32 $execute0_lowered;
	[smem:$0x3FD2] =	sst s25  }
0xa8: {  	s6 =	sshll.u32 s26, $0x1;
	_ =	strace $0x80000046;
	[dreg:$0x1] =	wrdreg $0xFFFFFFFF  }
0xa9: {  	s28 =	simm.s32 $_size_execute0_lowered;
	s5 =	sadd.s32 s5, s6;
	[dreg:$0x0] =	wrdreg $0x0  }
0xaa: {  	s6 =	sshll.u32 s28, $0x1;
	[dreg:$0x2] =	wrdreg s5  }
0xab: {  	[dreg:$0x3] =	wrdreg s6  }
0xac: {  	[dreg:$0x4] =	wrdreg $0xC0  }
0xad: {  	_ =	task [dreg:s9], $0x5FFFF  }
0xae: {  	[dreg:$0x1] =	wrdreg $0xFFFFFFFF  }
0xaf: {  	[dreg:$0x0] =	wrdreg $0x60  }
0xb0: {  	[dreg:$0x2] =	wrdreg s2  }
0xb1: {  	[dreg:$0x3] =	wrdreg s19  }
0xb2: {  	[dreg:$0x4] =	wrdreg s4  }
0xb3: {  	[dreg:$0x5] =	wrdreg $0x9  }
0xb4: {  	_ =	task.clear_ibuf [dreg:s9], $0x6FFFF;
	_ =	strace $0x90000046  }
0xb5: {  	s29 =	simm.s32 $0x9;
	_ =	strace $0x80000048  }
0xb6: {  	_ =	swait.ge [sflag:s29], $0x1  }
0xb7: {  	[sflag:s29] =	ssyncadd.s32 $0xFFFFFFFF  }
0xb8: {  	_ =	strace $0x90000048  }
0xb9: {  	_ =	sfence  }
0xba: {  	s30 =	sld [smem:$0x0];
	_ =	sdelay $0x2  }
0xbb: {  	s31 =	sshll.u32 s1, $0xD;
	s1 =	sshrl.u32 s1, $0x2  }
0xbc: {  	s3 =	sand.u32 $0x4000, s31;
	s1 =	sadd.s32 s1, s30  }
0xbd: {  	s0 =	sor.u32 s3, s0;
	s1 =	sshll.u32 s1, $0x11  }
0xbe: {  	s0 =	sor.u32 s1, s0  }
0xbf: {  	s0 =	sadd.s32 $0x8F2B, s0  }
0xc0: {  	[sflag:s0] =	ssyncadd.remote.s32 $0x1  }
0xc1: {  	_ =	sfence.sel $0xFFFF  }
0xc2: {  	[dreg:$0x0] =	wrdreg $0xFFFFFFFF;
	(pc) =	sbr.abs _section_cstart, $3  }
0xc3: {  	[dreg:$0x1] =	wrdreg $0xFFFFFFFF  }
0xc4: {  	_ =	task.clear_ibuf [dreg:s9], $0x2FFFF;
	_ =	strace $0x9FFFFFFF  }
0xc5: {  	(tm) =	ssettm $0x7FFFFFFF  }
tec
execute0_lowered:
.L_overlay_start_1:
0x0: {  	(tag) =	ssettag $0x1  }
0x1: {  	s0 =	srdreg.scid  }
0x2: {  	s1 =	stileid.u32;
	s0 =	sand.u32 $0x1, s0  }
0x3: {  	s1 =	sshll.u32 s1, $0x9;
	s3 =	sshll.u32 s0, $0x8  }
0x4: {  	s3 =	sor.u32 s3, s1  }
0x5: {  	s2 =	rddreg [dreg:$0x0];
	s1 =	sshrl.u32 s3, $0x3  }
0x6: {  	s4 =	rddreg [dreg:$0x1];
	s0 =	ssub.s32 $0x2, s0;
	s1 =	smul.u32 $0x1800, s1  }
0x7: {  	s13 =	rddreg [dreg:$0x2];
	s6 =	simm.s32 $0x0;
	s5 =	sshrl.u32 s0, $0x1  }
0x8: {  	[smem:$0x7FF] =	sst s6;
	s0 =	ssub.s32 s0, s5;
	s1 =	sshrl.u32 s1, $0x3  }
0x9: {  	_ =	strace $0x80000047;
	s0 =	smax.u32 s0, $0x1;
	s7 =	sadd.s32 $0xC0000, s1  }
0xa: {  	[dreg:$0x1e] =	wrdreg s0;
	s19 =	sadd.s32 $0x180000, s1;
	s18 =	sadd.s32 s2, s7  }
0xb: {  	s8 =	sadd.s32 $0x240000, s1;
	s10 =	sadd.s32 s2, s19;
	[dreg:$0x4] =	wrdreg s18  }
0xc: {  	s9 =	sor.u32 $0x300, s1;
	s20 =	sadd.s32 s2, s8;
	[dreg:$0x5] =	wrdreg s10  }
0xd: {  	s21 =	sadd.s32 s4, s9;
	[dreg:$0x6] =	wrdreg s20  }
0xe: {  	s23 =	sadd.s32 $0xC0300, s1;
	s22 =	sadd.s32 s2, s9;
	[dreg:$0x7] =	wrdreg s21  }
0xf: {  	s11 =	sadd.s32 $0x180300, s1;
	s12 =	sadd.s32 s2, s23;
	[dreg:$0x8] =	wrdreg s22  }
0x10: {  	s25 =	sadd.s32 $0x240300, s1;
	s24 =	sadd.s32 s2, s11;
	[dreg:$0x9] =	wrdreg s12  }
0x11: {  	s14 =	sadd.s32 s2, s25;
	[dreg:$0xa] =	wrdreg s24  }
0x12: {  	s7 =	sadd.s32 s13, s7;
	[dreg:$0xb] =	wrdreg s14  }
0x13: {  	s5 =	sadd.s32 s13, s19;
	[dreg:$0xc] =	wrdreg s7  }
0x14: {  	s26 =	sor.u32 $0x600, s1;
	s28 =	sadd.s32 s13, s8;
	[dreg:$0xd] =	wrdreg s5  }
0x15: {  	s29 =	sadd.s32 s4, s26;
	[dreg:$0xe] =	wrdreg s28  }
0x16: {  	s31 =	sadd.s32 s2, s26;
	[dreg:$0xf] =	wrdreg s29  }
0x17: {  	s8 =	sadd.s32 s13, s23;
	[dreg:$0x10] =	wrdreg s31  }
0x18: {  	s7 =	sadd.s32 s13, s9;
	[dreg:$0x12] =	wrdreg s8  }
0x19: {  	s9 =	sadd.s32 s13, s11;
	[dreg:$0x11] =	wrdreg s7  }
0x1a: {  	s10 =	sadd.s32 s13, s25;
	[dreg:$0x13] =	wrdreg s9  }
0x1b: {  	s11 =	sadd.s32 s4, s1;
	[dreg:$0x14] =	wrdreg s10  }
0x1c: {  	s12 =	sadd.s32 s2, s1;
	[dreg:$0x15] =	wrdreg s11  }
0x1d: {  	s14 =	sadd.s32 s13, s1;
	s1 =	sor.u32 $0x900, s1;
	[dreg:$0x16] =	wrdreg s12  }
0x1e: {  	s15 =	sadd.s32 s4, s1;
	[dreg:$0x17] =	wrdreg s14  }
0x1f: {  	s1 =	sadd.s32 s2, s1;
	[dreg:$0x18] =	wrdreg s15  }
0x20: {  	s16 =	sadd.s32 $0x180600, s12;
	[dreg:$0x19] =	wrdreg s1  }
0x21: {  	s17 =	sadd.s32 $0xC0600, s12;
	[dreg:$0x1a] =	wrdreg s16  }
0x22: {  	s18 =	sadd.s32 $0x240600, s12;
	[dreg:$0x1b] =	wrdreg s17  }
0x23: {  	s19 =	sadd.s32 $0xC0900, s12;
	[dreg:$0x1c] =	wrdreg s18  }
0x24: {  	s20 =	sadd.s32 $0x180900, s12;
	[dreg:$0x1d] =	wrdreg s19  }
0x25: {  	s30 =	simm.s32 $0x1;
	s21 =	sadd.s32 $0x240900, s12;
	[dreg:$0x1f] =	wrdreg s20  }
0x26: {  	s0 =	simm.s32 $0x12000;
	s22 =	sadd.s32 $0x5A00, s14;
	[smem:$0x7F5] =	sst s21  }
0x27: {  	s8 =	simm.s32 $0x2;
	s23 =	sadd.s32 $0xC5A00, s14;
	[smem:$0x7F6] =	sst s22  }
0x28: {  	s13 =	simm.s32 $0x3;
	s24 =	sadd.s32 $0x185A00, s14;
	[smem:$0x7F7] =	sst s23  }
0x29: {  	s5 =	simm.s32 $0x0;
	s25 =	sadd.s32 $0x245A00, s14;
	[smem:$0x7F8] =	sst s24  }
0x2a: {  	s26 =	sadd.s32 $0x5D00, s14;
	s28 =	sadd.s32 $0x185D00, s14;
	[smem:$0x7F9] =	sst s25  }
0x2b: {  	s29 =	sadd.s32 $0xC5D00, s14;
	s31 =	sadd.s32 $0x245D00, s14;
	[smem:$0x7FA] =	sst s26  }
0x2c: {  	s7 =	simm.s32 $0x13800;
	s9 =	simm.s32 $0x15000;
	[smem:$0x7FB] =	sst s28  }
0x2d: {  	s10 =	simm.s32 $0x16800;
	s11 =	simm.s32 $0x18000;
	[smem:$0x7FC] =	sst s29  }
0x2e: {  	s12 =	simm.s32 $0x19800;
	s14 =	simm.s32 $0x4;
	[smem:$0x7FD] =	sst s31  }
.LBB2_1:
0x2f: {  	[smem:$0x7F4] =	sst s5  }
0x30: {  	s1 =	rddreg [dreg:$0x15]  }
0x31: {  	s29 =	rddreg [dreg:$0x16]  }
0x32: {  	[tilespmem:s6], [sflag:$0x1] =	stream.linear.gather [hbm4b:s1+s6], $0x1800, $0x38;
	[tilespmem:$0x1B000] =	vst v63  }
0x33: {  	s31 =	simm.s32 $0x3000;
	s5 =	rddreg [dreg:$0x4]  }
0x34: {  	[tilespmem:s31], [sflag:$0x1] =	stream.linear.gather [hbm4b:s29+s6], $0x1800, $0x38;
	[tilespmem:$0x1B000] =	vst v63  }
0x35: {  	s15 =	simm.s32 $0x4800;
	s16 =	rddreg [dreg:$0x5]  }
0x36: {  	[tilespmem:s15], [sflag:$0x1] =	stream.linear.gather [hbm4b:s5+s6], $0x1800, $0x38;
	[tilespmem:$0x1B000] =	vst v63  }
0x37: {  	s17 =	simm.s32 $0x6000;
	s18 =	rddreg [dreg:$0x6]  }
0x38: {  	[tilespmem:s17], [sflag:$0x1] =	stream.linear.gather [hbm4b:s16+s6], $0x1800, $0x38;
	[tilespmem:$0x1B000] =	vst v63  }
0x39: {  	s19 =	simm.s32 $0x7800;
	s20 =	rddreg [dreg:$0x7]  }
0x3a: {  	[tilespmem:s19], [sflag:$0x1] =	stream.linear.gather [hbm4b:s18+s6], $0x1800, $0x38;
	[tilespmem:$0x1B000] =	vst v63  }
0x3b: {  	s21 =	simm.s32 $0x1800;
	s22 =	rddreg [dreg:$0x8]  }
0x3c: {  	[tilespmem:s21], [sflag:$0x2] =	stream.linear.gather [hbm4b:s20+s6], $0x1800, $0x38;
	[tilespmem:$0x1B000] =	vst v63  }
0x3d: {  	s23 =	simm.s32 $0x9000;
	s24 =	rddreg [dreg:$0x9]  }
0x3e: {  	[tilespmem:s23], [sflag:$0x2] =	stream.linear.gather [hbm4b:s22+s6], $0x1800, $0x38;
	[tilespmem:$0x1B000] =	vst v63  }
0x3f: {  	s25 =	simm.s32 $0xA800;
	s26 =	rddreg [dreg:$0xa];
	s1 =	simm.s32 $0x0  }
0x40: {  	[tilespmem:s25], [sflag:$0x2] =	stream.linear.gather [hbm4b:s24+s6], $0x1800, $0x38;
	[tilespmem:$0x1B000] =	vst v63  }
0x41: {  	s28 =	simm.s32 $0xC000;
	s29 =	rddreg [dreg:$0xb];
	s15 =	sor.u32 $0x3, s1  }
0x42: {  	[tilespmem:s28], [sflag:$0x2] =	stream.linear.gather [hbm4b:s26+s6], $0x1800, $0x38;
	[tilespmem:$0x1B000] =	vst v63  }
0x43: {  	s31 =	simm.s32 $0xD800;
	s5 =	smul.u32 $0xAAAB, s1;
	s17 =	sand.u32 $0xFFFF, s15  }
0x44: {  	[tilespmem:s31], [sflag:$0x2] =	stream.linear.gather [hbm4b:s29+s6], $0x1800, $0x38;
	[tilespmem:$0x1B000] =	vst v63  }
0x45: {  	s16 =	sor.u32 $0x1, s1;
	s17 =	smul.u32 $0xAAAB, s17;
	_ =	swait.ge [sflag:s30], $0x1800  }
0x46: {  	s18 =	sand.u32 $0xFFFF, s16;
	s19 =	sor.u32 $0x2, s1;
	[sflag:s30] =	ssyncset.done $0x0  }
0x47: {  	s18 =	smul.u32 $0xAAAB, s18;
	s17 =	sshrl.u32 s17, $0x15;
	[sflag:s30] =	ssyncadd.s32 $0xFFFFE800  }
0x48: {  	s20 =	sand.u32 $0xFFFF, s19;
	s17 =	smul.u32 $0x30, s17;
	_ =	swait.ge [sflag:s30], $0x1800  }
0x49: {  	s21 =	sshrl.u32 s5, $0x18;
	s20 =	smul.u32 $0xAAAB, s20;
	[sflag:s30] =	ssyncset.done $0x0  }
0x4a: {  	s18 =	sshrl.u32 s18, $0x15;
	s21 =	smul.u32 $0x1800, s21;
	[sflag:s30] =	ssyncadd.s32 $0xFFFFE800  }
0x4b: {  	s18 =	smul.u32 $0x30, s18;
	s15 =	ssub.s32 s15, s17;
	_ =	swait.ge [sflag:s30], $0x1800  }
0x4c: {  	s23 =	sshrl.u32 s5, $0x15;
	s5 =	sshrl.u32 s5, $0xE;
	[sflag:s30] =	ssyncset.done $0x0  }
0x4d: {  	s20 =	sshrl.u32 s20, $0x15;
	s22 =	sshll.u32 s15, $0x7;
	[sflag:s30] =	ssyncadd.s32 $0xFFFFE800  }
0x4e: {  	s15 =	sshll.u32 s15, $0x4;
	s17 =	smul.u32 $0x30, s20;
	_ =	swait.ge [sflag:s30], $0x1800  }
0x4f: {  	s22 =	sand.u32 $0x1C00, s22;
	s15 =	sand.u32 $0x70, s15;
	[sflag:s30] =	ssyncset.done $0x0  }
0x50: {  	s20 =	smul.u32 $0x30, s23;
	s22 =	sadd.s32 s21, s22;
	[sflag:s30] =	ssyncadd.s32 $0xFFFFE800  }
0x51: {  	s25 =	sand.u32 $0x380, s5;
	s24 =	sor.u32 s15, s22;
	_ =	swait.ge [sflag:s30], $0x1800  }
0x52: {  	s26 =	ssub.s32 s16, s18;
	s28 =	ssub.s32 s19, s17;
	[sflag:s30] =	ssyncset.done $0x0  }
0x53: {  	s17 =	simm.s32 $0x4;
	s5 =	sor.u32 s25, s24;
	[sflag:s30] =	ssyncadd.s32 $0xFFFFE800  }
0x54: {  	s18 =	sshll.u32 s26, $0x7;
	s19 =	sshll.u32 s28, $0x7;
	s15 =	sshll.u32 s26, $0x4;
	v0 =	vld [tilespmem:s5+$0x0]  }
0x55: {  	s16 =	sshll.u32 s28, $0x4;
	s22 =	sor.u32 $0x1, s17;
	s18 =	sand.u32 $0x1C00, s18;
	v1 =	vld [tilespmem:s5+$0x7800]  }
0x56: {  	s29 =	ssub.s32 $0x0, s20;
	s15 =	sand.u32 $0x50, s15;
	s18 =	sadd.s32 s21, s18;
	v2 =	vld [tilespmem:s5+$0x3000]  }
0x57: {  	s19 =	sand.u32 $0x1C00, s19;
	s20 =	sshll.u32 s29, $0x7;
	s15 =	sor.u32 s15, s18;
	v3 =	vld [tilespmem:s5+$0x4800]  }
0x58: {  	s1 =	sadd.s32 s21, s19;
	s20 =	sand.u32 $0x1C00, s20;
	s19 =	sor.u32 s25, s15;
	v4 =	vld [tilespmem:s5+$0x6000]  }
0x59: {  	s16 =	sand.u32 $0x60, s16;
	s23 =	sadd.s32 s20, s21;
	s20 =	sor.u32 $0x3, s17;
	v5 =	vld [tilespmem:s19+$0x0]  }
0x5a: {  	s28 =	sand.u32 $0xFFFF, s22;
	s31 =	sshll.u32 s29, $0x4;
	s26 =	sand.u32 $0xFFFF, s20;
	v6 =	vld [tilespmem:s19+$0x3000]  }
0x5b: {  	s24 =	sand.u32 $0x40, s31;
	s16 =	sor.u32 s16, s1;
	s26 =	smul.u32 $0xAAAB, s26;
	v7 =	vld [tilespmem:s19+$0x4800]  }
0x5c: {  	s21 =	sor.u32 $0x2, s17;
	s15 =	sor.u32 s24, s23;
	s23 =	smul.u32 $0xAAAB, s28;
	v8 =	vld [tilespmem:s19+$0x6000]  }
0x5d: {  	s18 =	sor.u32 s25, s16;
	s24 =	smul.u32 $0xAAAB, s17;
	s26 =	sshrl.u32 s26, $0x15;
	v9 =	vld [tilespmem:s19+$0x7800];
	v1 =	vadd.f32 v1, v0  }
0x5e: {  	s28 =	sand.u32 $0xFFFF, s21;
	s16 =	sor.u32 s25, s15;
	s29 =	smul.u32 $0x30, s26;
	v10 =	vld [tilespmem:s18+$0x0];
	v2 =	vadd.f32 v2, v0  }
0x5f: {  	s31 =	smul.u32 $0xAAAB, s28;
	s23 =	sshrl.u32 s23, $0x15;
	s25 =	sshrl.u32 s24, $0x15;
	v3 =	vadd.f32 v3, v0;
	v0 =	vadd.f32 v4, v0;
	v4 =	vld [tilespmem:s18+$0x6000];
	[tilespmem:s5+$0x13800] =	vst v1  }
0x60: {  	s1 =	sshrl.u32 s24, $0x18;
	s23 =	smul.u32 $0x30, s23;
	s15 =	ssub.s32 s20, s29;
	v1 =	vld [tilespmem:s18+$0x3000];
	[tilespmem:s5+$0xF000] =	vst v2  }
0x61: {  	s24 =	sshrl.u32 s24, $0xE;
	s20 =	smul.u32 $0x1800, s1;
	s29 =	sshll.u32 s15, $0x7;
	v2 =	vld [tilespmem:s18+$0x4800];
	[tilespmem:s5+$0x10800] =	vst v3;
	v3 =	vadd.f32 v6, v5  }
0x62: {  	s26 =	sshrl.u32 s31, $0x15;
	s15 =	sshll.u32 s15, $0x4;
	s1 =	sand.u32 $0x1C00, s29;
	[tilespmem:s5+$0x12000] =	vst v0;
	v6 =	vadd.f32 v7, v5;
	v0 =	vld [tilespmem:s16+$0x0]  }
0x63: {  	s31 =	smul.u32 $0x30, s26;
	s15 =	sand.u32 $0x70, s15;
	s26 =	sadd.s32 s20, s1;
	v7 =	vld [tilespmem:s16+$0x3000];
	[tilespmem:s19+$0xF000] =	vst v3;
	v3 =	vadd.f32 v8, v5  }
0x64: {  	s25 =	smul.u32 $0x30, s25;
	s26 =	sor.u32 s15, s26;
	s15 =	sand.u32 $0x380, s24;
	[tilespmem:s19+$0x10800] =	vst v6;
	v5 =	vadd.f32 v9, v5;
	v6 =	vld [tilespmem:s18+$0x7800]  }
0x65: {  	s22 =	ssub.s32 s22, s23;
	s21 =	ssub.s32 s21, s31;
	s5 =	sor.u32 s15, s26;
	v8 =	vld [tilespmem:s16+$0x4800];
	v4 =	vadd.f32 v4, v10;
	[tilespmem:s19+$0x12000] =	vst v3  }
0x66: {  	s28 =	sshll.u32 s22, $0x4;
	s29 =	sshll.u32 s22, $0x7;
	s31 =	sshll.u32 s21, $0x7;
	[tilespmem:s19+$0x13800] =	vst v5;
	v3 =	vadd.f32 v1, v10;
	v1 =	vld [tilespmem:s5+$0x0]  }
0x67: {  	s21 =	sshll.u32 s21, $0x4;
	s24 =	sand.u32 $0x1C00, s31;
	s26 =	ssub.s32 $0x4, s25;
	v5 =	vadd.f32 v2, v10;
	v2 =	vld [tilespmem:s5+$0x7800];
	[tilespmem:s18+$0x12000] =	vst v4  }
0x68: {  	s31 =	sand.u32 $0x60, s21;
	s24 =	sadd.s32 s20, s24;
	s25 =	sshll.u32 s26, $0x7;
	v7 =	vadd.f32 v7, v0;
	v4 =	vld [tilespmem:s5+$0x6000];
	[tilespmem:s18+$0xF000] =	vst v3  }
0x69: {  	s25 =	sand.u32 $0x1C00, s25;
	s19 =	sand.u32 $0x1C00, s29;
	s29 =	sshll.u32 s26, $0x4;
	[tilespmem:s18+$0x10800] =	vst v5;
	v3 =	vld [tilespmem:s5+$0x3000];
	v6 =	vadd.f32 v6, v10  }
0x6a: {  	s1 =	sadd.s32 s20, s19;
	s19 =	sadd.s32 s25, s20;
	s20 =	sand.u32 $0x50, s28;
	v5 =	vld [tilespmem:s5+$0x4800];
	[tilespmem:s16+$0xF000] =	vst v7  }
0x6b: {  	s21 =	sor.u32 s20, s1;
	s20 =	sand.u32 $0x40, s29;
	v7 =	vadd.f32 v8, v0;
	[tilespmem:s18+$0x13800] =	vst v6;
	s18 =	sor.u32 s31, s24;
	v6 =	vld [tilespmem:s16+$0x6000]  }
.LBB2_2:
0x6c: {  	s17 =	sadd.s32 $0x4, s17  }
0x6d: {  	s22 =	sor.u32 s20, s19;
	s19 =	sor.u32 s15, s21;
	v2 =	vadd.f32 v2, v1;
	[tilespmem:s16+$0x10800] =	vst v7;
	v7 =	vld [tilespmem:s16+$0x7800];
	s21 =	sor.u32 $0x3, s17  }
0x6e: {  	s20 =	sor.u32 $0x1, s17;
	s25 =	sor.u32 $0x2, s17;
	v8 =	vld [tilespmem:s19+$0x0];
	v3 =	vadd.f32 v3, v1;
	s26 =	sand.u32 $0xFFFF, s21  }
0x6f: {  	s23 =	sand.u32 $0xFFFF, s20;
	s24 =	sand.u32 $0xFFFF, s25;
	v9 =	vld [tilespmem:s19+$0x3000];
	v5 =	vadd.f32 v5, v1;
	[tilespmem:s5+$0x13800] =	vst v2;
	s26 =	smul.u32 $0xAAAB, s26  }
0x70: {  	s18 =	sor.u32 s15, s18;
	s22 =	sor.u32 s15, s22;
	v2 =	vld [tilespmem:s19+$0x4800];
	[tilespmem:s5+$0xF000] =	vst v3;
	v1 =	vadd.f32 v4, v1;
	s15 =	smul.u32 $0xAAAB, s23  }
0x71: {  	p0 =	slt.u32 s17, $0x17C;
	s23 =	smul.u32 $0xAAAB, s17;
	v3 =	vld [tilespmem:s19+$0x6000];
	[tilespmem:s5+$0x10800] =	vst v5;
	v4 =	vadd.f32 v6, v0  }
0x72: {  	s24 =	smul.u32 $0xAAAB, s24;
	s26 =	sshrl.u32 s26, $0x15;
	v5 =	vld [tilespmem:s19+$0x7800];
	[tilespmem:s5+$0x12000] =	vst v1;
	v0 =	vadd.f32 v7, v0  }
0x73: {  	s5 =	sshrl.u32 s15, $0x15;
	s15 =	smul.u32 $0x30, s26;
	v6 =	vld [tilespmem:s18+$0x0];
	[tilespmem:s16+$0x12000] =	vst v4  }
0x74: {  	s26 =	sshrl.u32 s23, $0x15;
	s5 =	smul.u32 $0x30, s5;
	v1 =	vadd.f32 v9, v8;
	v4 =	vld [tilespmem:s18+$0x3000];
	[tilespmem:s16+$0x13800] =	vst v0;
	s16 =	smov.u32 s22  }
0x75: {  	s22 =	sshrl.u32 s23, $0x18;
	s23 =	sshrl.u32 s23, $0xE;
	s15 =	ssub.s32 s21, s15;
	v0 =	vadd.f32 v2, v8;
	v2 =	vld [tilespmem:s18+$0x4800]  }
0x76: {  	s21 =	smul.u32 $0x1800, s22;
	s22 =	sshrl.u32 s24, $0x15;
	s24 =	sshll.u32 s15, $0x7;
	[tilespmem:s19+$0xF000] =	vst v1;
	v1 =	vadd.f32 v3, v8;
	v3 =	vld [tilespmem:s18+$0x6000]  }
0x77: {  	s22 =	smul.u32 $0x30, s22;
	s15 =	sshll.u32 s15, $0x4;
	s24 =	sand.u32 $0x1C00, s24;
	[tilespmem:s19+$0x10800] =	vst v0;
	v5 =	vadd.f32 v5, v8;
	v7 =	vld [tilespmem:s18+$0x7800]  }
0x78: {  	s26 =	smul.u32 $0x30, s26;
	s28 =	sand.u32 $0x70, s15;
	s24 =	sadd.s32 s21, s24;
	v0 =	vld [tilespmem:s16+$0x0];
	[tilespmem:s19+$0x12000] =	vst v1  }
0x79: {  	s15 =	sand.u32 $0x380, s23;
	s23 =	sor.u32 s28, s24;
	v8 =	vld [tilespmem:s16+$0x3000];
	[tilespmem:s19+$0x13800] =	vst v5;
	v4 =	vadd.f32 v4, v6;
	s19 =	ssub.s32 s20, s5  }
0x7a: {  	s20 =	ssub.s32 s25, s22;
	s22 =	ssub.s32 s17, s26;
	s5 =	sor.u32 s15, s23;
	v9 =	vld [tilespmem:s16+$0x4800];
	v5 =	vadd.f32 v2, v6  }
0x7b: {  	s23 =	sshll.u32 s19, $0x7;
	s24 =	sshll.u32 s20, $0x7;
	s25 =	sshll.u32 s22, $0x7;
	v1 =	vld [tilespmem:s5+$0x0];
	[tilespmem:s18+$0xF000] =	vst v4;
	v4 =	vadd.f32 v3, v6  }
.Ltmp0:
0x7c: {  	s23 =	sand.u32 $0x1C00, s23;
	s24 =	sand.u32 $0x1C00, s24;
	v2 =	vld [tilespmem:s5+$0x7800];
	[tilespmem:s18+$0x10800] =	vst v5;
	v6 =	vadd.f32 v7, v6;
	(pc) =	sbr.rel @p0 .LBB2_2-.Ltmp0, $4  }
0x7d: {  	s26 =	sshll.u32 s19, $0x4;
	s20 =	sshll.u32 s20, $0x4;
	s25 =	sand.u32 $0x1C00, s25;
	v3 =	vld [tilespmem:s5+$0x3000];
	[tilespmem:s18+$0x12000] =	vst v4  }
0x7e: {  	s22 =	sshll.u32 s22, $0x4;
	s23 =	sadd.s32 s21, s23;
	s24 =	sadd.s32 s21, s24;
	v5 =	vld [tilespmem:s5+$0x4800];
	v8 =	vadd.f32 v8, v0;
	[tilespmem:s18+$0x13800] =	vst v6  }
0x7f: {  	s19 =	sadd.s32 s25, s21;
	s25 =	sand.u32 $0x60, s20;
	s18 =	sand.u32 $0x50, s26;
	v4 =	vld [tilespmem:s5+$0x6000];
	v7 =	vadd.f32 v9, v0  }
0x80: {  	s20 =	sand.u32 $0x40, s22;
	s21 =	sor.u32 s18, s23;
	s18 =	sor.u32 s25, s24;
	[tilespmem:s16+$0xF000] =	vst v8;
	v6 =	vld [tilespmem:s16+$0x6000]  }
0x81: {  	[tilespmem:s16+$0x10800] =	vst v7;
	s17 =	sor.u32 s15, s21;
	v7 =	vld [tilespmem:s16+$0x7800]  }
0x82: {  	v8 =	vld [tilespmem:s17+$0x0]  }
0x83: {  	v9 =	vld [tilespmem:s17+$0x3000]  }
0x84: {  	v2 =	vadd.f32 v2, v1;
	v10 =	vld [tilespmem:s17+$0x4800]  }
0x85: {  	v3 =	vadd.f32 v3, v1;
	v11 =	vld [tilespmem:s17+$0x6000]  }
0x86: {  	s18 =	sor.u32 s15, s18;
	v5 =	vadd.f32 v5, v1;
	[tilespmem:s5+$0x13800] =	vst v2;
	v2 =	vld [tilespmem:s17+$0x7800]  }
0x87: {  	[tilespmem:s5+$0xF000] =	vst v3;
	v1 =	vadd.f32 v4, v1;
	v3 =	vld [tilespmem:s18+$0x0]  }
0x88: {  	[tilespmem:s5+$0x10800] =	vst v5;
	v4 =	vadd.f32 v6, v0;
	v5 =	vld [tilespmem:s18+$0x3000]  }
0x89: {  	v6 =	vld [tilespmem:s18+$0x6000];
	[tilespmem:s5+$0x12000] =	vst v1;
	v0 =	vadd.f32 v7, v0  }
0x8a: {  	s26 =	sor.u32 s20, s19;
	v1 =	vld [tilespmem:s18+$0x4800];
	[tilespmem:s16+$0x12000] =	vst v4;
	v4 =	vadd.f32 v9, v8  }
0x8b: {  	s5 =	sor.u32 s15, s26;
	v7 =	vld [tilespmem:s18+$0x7800];
	[tilespmem:s16+$0x13800] =	vst v0;
	v0 =	vadd.f32 v10, v8  }
0x8c: {  	v61 =	vld [tilespmem:s5+$0x0];
	[tilespmem:s17+$0xF000] =	vst v4;
	v4 =	vadd.f32 v11, v8  }
0x8d: {  	[tilespmem:s17+$0x10800] =	vst v0;
	v0 =	vadd.f32 v2, v8;
	v2 =	vld [tilespmem:s5+$0x3000]  }
0x8e: {  	[tilespmem:s17+$0x12000] =	vst v4;
	v4 =	vadd.f32 v5, v3;
	v5 =	vld [tilespmem:s5+$0x4800]  }
0x8f: {  	[tilespmem:s17+$0x13800] =	vst v0;
	v0 =	vadd.f32 v1, v3;
	v1 =	vld [tilespmem:s5+$0x6000]  }
0x90: {  	[tilespmem:s18+$0xF000] =	vst v4;
	v4 =	vadd.f32 v6, v3;
	v6 =	vld [tilespmem:s5+$0x7800]  }
0x91: {  	[tilespmem:s18+$0x10800] =	vst v0;
	v0 =	vadd.f32 v7, v3  }
0x92: {  	[tilespmem:s18+$0x12000] =	vst v4;
	v2 =	vadd.f32 v2, v61  }
0x93: {  	[tilespmem:s18+$0x13800] =	vst v0;
	v0 =	vadd.f32 v5, v61  }
0x94: {  	[tilespmem:s5+$0xF000] =	vst v2;
	v1 =	vadd.f32 v1, v61  }
0x95: {  	[tilespmem:s5+$0x10800] =	vst v0;
	v0 =	vadd.f32 v6, v61  }
0x96: {  	[tilespmem:s5+$0x12000] =	vst v1  }
0x97: {  	[tilespmem:s5+$0x13800] =	vst v0  }
0x98: {  	s28 =	simm.s32 $0xF000;
	s1 =	rddreg [dreg:$0x17]  }
0x99: {  	[hbm4b:s1+s6] =	stream.linear.scatter [tilespmem:s28], [sflag:$0x3], $0x1800, $0x38;
	[tilespmem:$0x1B000] =	vst v63  }
0x9a: {  	s31 =	simm.s32 $0x10800;
	s29 =	rddreg [dreg:$0xc]  }
0x9b: {  	[hbm4b:s29+s6] =	stream.linear.scatter [tilespmem:s31], [sflag:$0x3], $0x1800, $0x38;
	[tilespmem:$0x1B000] =	vst v63  }
0x9c: {  	s5 =	rddreg [dreg:$0xd]  }
0x9d: {  	[hbm4b:s5+s6] =	stream.linear.scatter [tilespmem:s0], [sflag:$0x3], $0x1800, $0x38;
	[tilespmem:$0x1B000] =	vst v63  }
0x9e: {  	s15 =	rddreg [dreg:$0xe]  }
0x9f: {  	[hbm4b:s15+s6] =	stream.linear.scatter [tilespmem:s7], [sflag:$0x3], $0x1800, $0x38;
	[tilespmem:$0x1B000] =	vst v63  }
0xa0: {  	s16 =	rddreg [dreg:$0xf]  }
0xa1: {  	[tilespmem:s6], [sflag:$0x1] =	stream.linear.gather [hbm4b:s16+s6], $0x1800, $0x38;
	[tilespmem:$0x1B000] =	vst v63  }
0xa2: {  	s20 =	simm.s32 $0x4800;
	s18 =	simm.s32 $0x3000;
	s17 =	rddreg [dreg:$0x10]  }
0xa3: {  	[tilespmem:s18], [sflag:$0x1] =	stream.linear.gather [hbm4b:s17+s6], $0x1800, $0x38;
	[tilespmem:$0x1B000] =	vst v63  }
0xa4: {  	s22 =	simm.s32 $0x6000;
	s25 =	simm.s32 $0x0;
	s19 =	rddreg [dreg:$0x1b]  }
0xa5: {  	[tilespmem:s20], [sflag:$0x1] =	stream.linear.gather [hbm4b:s19+s6], $0x1800, $0x38;
	[tilespmem:$0x1B000] =	vst v63  }
0xa6: {  	s24 =	simm.s32 $0x7800;
	s26 =	sor.u32 $0x3, s25;
	s21 =	rddreg [dreg:$0x1a]  }
0xa7: {  	[tilespmem:s22], [sflag:$0x1] =	stream.linear.gather [hbm4b:s21+s6], $0x1800, $0x38;
	[tilespmem:$0x1B000] =	vst v63  }
0xa8: {  	s23 =	rddreg [dreg:$0x1c];
	s28 =	sor.u32 $0x1, s25;
	s29 =	sand.u32 $0xFFFF, s26  }
0xa9: {  	[tilespmem:s24], [sflag:$0x1] =	stream.linear.gather [hbm4b:s23+s6], $0x1800, $0x38;
	[tilespmem:$0x1B000] =	vst v63  }
0xaa: {  	s31 =	sand.u32 $0xFFFF, s28;
	s17 =	smul.u32 $0xAAAB, s29;
	_ =	swait.ge [sflag:s8], $0x1800  }
0xab: {  	s1 =	sor.u32 $0x2, s25;
	s18 =	smul.u32 $0xAAAB, s31;
	[sflag:s8] =	ssyncset.done $0x0  }
0xac: {  	s5 =	smul.u32 $0xAAAB, s25;
	s17 =	sshrl.u32 s17, $0x15;
	[sflag:s8] =	ssyncadd.s32 $0xFFFFE800  }
0xad: {  	s18 =	sshrl.u32 s18, $0x15;
	s17 =	smul.u32 $0x30, s17;
	_ =	swait.ge [sflag:s8], $0x1800  }
0xae: {  	s18 =	smul.u32 $0x30, s18;
	s21 =	sand.u32 $0xFFFF, s1;
	[sflag:s8] =	ssyncset.done $0x0  }
0xaf: {  	s22 =	sshrl.u32 s5, $0x18;
	s20 =	smul.u32 $0xAAAB, s21;
	[sflag:s8] =	ssyncadd.s32 $0xFFFFE800  }
0xb0: {  	s15 =	ssub.s32 s26, s17;
	s21 =	smul.u32 $0x1800, s22;
	_ =	swait.ge [sflag:s8], $0x1800  }
0xb1: {  	s26 =	ssub.s32 s28, s18;
	s24 =	sshrl.u32 s5, $0x15;
	[sflag:s8] =	ssyncset.done $0x0  }
0xb2: {  	s22 =	sshll.u32 s15, $0x7;
	s15 =	sshll.u32 s15, $0x4;
	[sflag:s8] =	ssyncadd.s32 $0xFFFFE800  }
0xb3: {  	s5 =	sshrl.u32 s5, $0xE;
	s18 =	sshll.u32 s26, $0x7;
	_ =	swait.ge [sflag:s8], $0x1800  }
0xb4: {  	s23 =	sshrl.u32 s20, $0x15;
	s22 =	sand.u32 $0x1C00, s22;
	[sflag:s8] =	ssyncset.done $0x0  }
0xb5: {  	s15 =	sand.u32 $0x70, s15;
	s20 =	smul.u32 $0x30, s24;
	[sflag:s8] =	ssyncadd.s32 $0xFFFFE800  }
0xb6: {  	s17 =	smul.u32 $0x30, s23;
	s22 =	sadd.s32 s21, s22;
	_ =	swait.ge [sflag:s8], $0x1800  }
0xb7: {  	s23 =	sand.u32 $0x380, s5;
	s25 =	sor.u32 s15, s22;
	[sflag:s8] =	ssyncset.done $0x0  }
0xb8: {  	s18 =	sand.u32 $0x1C00, s18;
	s5 =	sor.u32 s23, s25;
	[sflag:s8] =	ssyncadd.s32 $0xFFFFE800  }
0xb9: {  	s18 =	sadd.s32 s21, s18;
	s29 =	ssub.s32 $0x0, s20;
	s15 =	sshll.u32 s26, $0x4;
	v0 =	vld [tilespmem:s5+$0x1800]  }
0xba: {  	s28 =	ssub.s32 s1, s17;
	s20 =	sshll.u32 s29, $0x7;
	s15 =	sand.u32 $0x50, s15;
	v1 =	vld [tilespmem:s5+$0xD800]  }
0xbb: {  	s31 =	sshll.u32 s29, $0x4;
	s17 =	simm.s32 $0x4;
	s19 =	sshll.u32 s28, $0x7;
	v2 =	vld [tilespmem:s5+$0x9000]  }
0xbc: {  	s20 =	sand.u32 $0x1C00, s20;
	s15 =	sor.u32 s15, s18;
	s19 =	sand.u32 $0x1C00, s19;
	v3 =	vld [tilespmem:s5+$0xA800]  }
0xbd: {  	s16 =	sshll.u32 s28, $0x4;
	s1 =	sadd.s32 s21, s19;
	s19 =	sor.u32 s23, s15;
	v4 =	vld [tilespmem:s5+$0xC000]  }
0xbe: {  	s26 =	sand.u32 $0x40, s31;
	s25 =	sadd.s32 s20, s21;
	s20 =	sor.u32 $0x3, s17;
	v5 =	vld [tilespmem:s19+$0x1800]  }
0xbf: {  	s22 =	sor.u32 $0x1, s17;
	s16 =	sand.u32 $0x60, s16;
	s24 =	sand.u32 $0xFFFF, s20;
	v6 =	vld [tilespmem:s19+$0x9000]  }
0xc0: {  	s28 =	sand.u32 $0xFFFF, s22;
	s15 =	sor.u32 s26, s25;
	s24 =	smul.u32 $0xAAAB, s24;
	v7 =	vld [tilespmem:s19+$0xA800]  }
0xc1: {  	s21 =	sor.u32 $0x2, s17;
	s25 =	smul.u32 $0xAAAB, s28;
	s16 =	sor.u32 s16, s1;
	v8 =	vld [tilespmem:s19+$0xC000]  }
0xc2: {  	s26 =	smul.u32 $0xAAAB, s17;
	s18 =	sor.u32 s23, s16;
	s24 =	sshrl.u32 s24, $0x15;
	v62 =	vld [tilespmem:s19+$0xD800];
	v1 =	vadd.f32 v1, v0  }
0xc3: {  	s28 =	sand.u32 $0xFFFF, s21;
	s16 =	sor.u32 s23, s15;
	s15 =	smul.u32 $0x30, s24;
	v63 =	vld [tilespmem:s18+$0x1800];
	v2 =	vadd.f32 v2, v0  }
0xc4: {  	s29 =	sshrl.u32 s25, $0x15;
	s31 =	smul.u32 $0xAAAB, s28;
	s1 =	sshrl.u32 s26, $0x18;
	v3 =	vadd.f32 v3, v0;
	v0 =	vadd.f32 v4, v0;
	v4 =	vld [tilespmem:s18+$0xC000];
	[tilespmem:s5+$0x19800] =	vst v1  }
0xc5: {  	s23 =	smul.u32 $0x30, s29;
	s24 =	sshrl.u32 s26, $0x15;
	s15 =	ssub.s32 s20, s15;
	v1 =	vld [tilespmem:s18+$0x9000];
	[tilespmem:s5+$0x15000] =	vst v2  }
0xc6: {  	s25 =	sshrl.u32 s31, $0x15;
	s20 =	smul.u32 $0x1800, s1;
	s29 =	sshll.u32 s15, $0x7;
	v2 =	vld [tilespmem:s18+$0xA800];
	[tilespmem:s5+$0x16800] =	vst v3;
	v3 =	vadd.f32 v6, v5  }
0xc7: {  	s26 =	sshrl.u32 s26, $0xE;
	s15 =	sshll.u32 s15, $0x4;
	s1 =	sand.u32 $0x1C00, s29;
	[tilespmem:s5+$0x18000] =	vst v0;
	v6 =	vadd.f32 v7, v5;
	v0 =	vld [tilespmem:s16+$0x1800]  }
0xc8: {  	s31 =	smul.u32 $0x30, s25;
	s15 =	sand.u32 $0x70, s15;
	s25 =	sadd.s32 s20, s1;
	v7 =	vld [tilespmem:s16+$0x9000];
	[tilespmem:s19+$0x15000] =	vst v3;
	v3 =	vadd.f32 v8, v5  }
0xc9: {  	s24 =	smul.u32 $0x30, s24;
	s25 =	sor.u32 s15, s25;
	s15 =	sand.u32 $0x380, s26;
	[tilespmem:s19+$0x16800] =	vst v6;
	v5 =	vadd.f32 v62, v5;
	v6 =	vld [tilespmem:s18+$0xD800]  }
0xca: {  	s22 =	ssub.s32 s22, s23;
	s21 =	ssub.s32 s21, s31;
	s5 =	sor.u32 s15, s25;
	v8 =	vld [tilespmem:s16+$0xA800];
	v4 =	vadd.f32 v4, v63;
	[tilespmem:s19+$0x18000] =	vst v3  }
0xcb: {  	s28 =	sshll.u32 s22, $0x7;
	s29 =	sshll.u32 s21, $0x7;
	s26 =	ssub.s32 $0x4, s24;
	[tilespmem:s19+$0x19800] =	vst v5;
	v3 =	vadd.f32 v1, v63;
	v1 =	vld [tilespmem:s5+$0x1800]  }
0xcc: {  	s21 =	sshll.u32 s21, $0x4;
	s24 =	sand.u32 $0x1C00, s29;
	s31 =	sshll.u32 s26, $0x7;
	v5 =	vadd.f32 v2, v63;
	v2 =	vld [tilespmem:s5+$0xD800];
	[tilespmem:s18+$0x18000] =	vst v4  }
0xcd: {  	s24 =	sadd.s32 s20, s24;
	s29 =	sshll.u32 s26, $0x4;
	s25 =	sand.u32 $0x1C00, s31;
	v7 =	vadd.f32 v7, v0;
	v4 =	vld [tilespmem:s5+$0xC000];
	[tilespmem:s18+$0x15000] =	vst v3  }
0xce: {  	s31 =	sand.u32 $0x60, s21;
	s19 =	sand.u32 $0x1C00, s28;
	s28 =	sshll.u32 s22, $0x4;
	[tilespmem:s18+$0x16800] =	vst v5;
	v3 =	vld [tilespmem:s5+$0x9000];
	v6 =	vadd.f32 v6, v63  }
0xcf: {  	s1 =	sadd.s32 s20, s19;
	s19 =	sadd.s32 s25, s20;
	s20 =	sand.u32 $0x50, s28;
	v5 =	vld [tilespmem:s5+$0xA800];
	[tilespmem:s16+$0x15000] =	vst v7  }
0xd0: {  	s21 =	sor.u32 s20, s1;
	s20 =	sand.u32 $0x40, s29;
	v7 =	vadd.f32 v8, v0;
	[tilespmem:s18+$0x19800] =	vst v6;
	s18 =	sor.u32 s31, s24;
	v6 =	vld [tilespmem:s16+$0xC000]  }
.LBB2_4:
0xd1: {  	s17 =	sadd.s32 $0x4, s17  }
0xd2: {  	s22 =	sor.u32 s20, s19;
	s19 =	sor.u32 s15, s21;
	v2 =	vadd.f32 v2, v1;
	[tilespmem:s16+$0x16800] =	vst v7;
	v7 =	vld [tilespmem:s16+$0xD800];
	s21 =	sor.u32 $0x3, s17  }
0xd3: {  	s20 =	sor.u32 $0x1, s17;
	s25 =	sor.u32 $0x2, s17;
	v8 =	vld [tilespmem:s19+$0x1800];
	v3 =	vadd.f32 v3, v1;
	s26 =	sand.u32 $0xFFFF, s21  }
0xd4: {  	s23 =	sand.u32 $0xFFFF, s20;
	s24 =	sand.u32 $0xFFFF, s25;
	v9 =	vld [tilespmem:s19+$0x9000];
	v5 =	vadd.f32 v5, v1;
	[tilespmem:s5+$0x19800] =	vst v2;
	s26 =	smul.u32 $0xAAAB, s26  }
0xd5: {  	s18 =	sor.u32 s15, s18;
	s22 =	sor.u32 s15, s22;
	v2 =	vld [tilespmem:s19+$0xA800];
	[tilespmem:s5+$0x15000] =	vst v3;
	v1 =	vadd.f32 v4, v1;
	s15 =	smul.u32 $0xAAAB, s23  }
0xd6: {  	p0 =	slt.u32 s17, $0x17C;
	s23 =	smul.u32 $0xAAAB, s17;
	v3 =	vld [tilespmem:s19+$0xC000];
	[tilespmem:s5+$0x16800] =	vst v5;
	v4 =	vadd.f32 v6, v0  }
0xd7: {  	s24 =	smul.u32 $0xAAAB, s24;
	s26 =	sshrl.u32 s26, $0x15;
	v5 =	vld [tilespmem:s19+$0xD800];
	[tilespmem:s5+$0x18000] =	vst v1;
	v0 =	vadd.f32 v7, v0  }
0xd8: {  	s5 =	sshrl.u32 s15, $0x15;
	s15 =	smul.u32 $0x30, s26;
	v6 =	vld [tilespmem:s18+$0x1800];
	[tilespmem:s16+$0x18000] =	vst v4  }
0xd9: {  	s26 =	sshrl.u32 s23, $0x15;
	s5 =	smul.u32 $0x30, s5;
	v1 =	vadd.f32 v9, v8;
	v4 =	vld [tilespmem:s18+$0x9000];
	[tilespmem:s16+$0x19800] =	vst v0;
	s16 =	smov.u32 s22  }
0xda: {  	s22 =	sshrl.u32 s23, $0x18;
	s23 =	sshrl.u32 s23, $0xE;
	s15 =	ssub.s32 s21, s15;
	v0 =	vadd.f32 v2, v8;
	v2 =	vld [tilespmem:s18+$0xA800]  }
0xdb: {  	s21 =	smul.u32 $0x1800, s22;
	s22 =	sshrl.u32 s24, $0x15;
	s24 =	sshll.u32 s15, $0x7;
	[tilespmem:s19+$0x15000] =	vst v1;
	v1 =	vadd.f32 v3, v8;
	v3 =	vld [tilespmem:s18+$0xC000]  }
0xdc: {  	s22 =	smul.u32 $0x30, s22;
	s15 =	sshll.u32 s15, $0x4;
	s24 =	sand.u32 $0x1C00, s24;
	[tilespmem:s19+$0x16800] =	vst v0;
	v5 =	vadd.f32 v5, v8;
	v7 =	vld [tilespmem:s18+$0xD800]  }
0xdd: {  	s26 =	smul.u32 $0x30, s26;
	s28 =	sand.u32 $0x70, s15;
	s24 =	sadd.s32 s21, s24;
	v0 =	vld [tilespmem:s16+$0x1800];
	[tilespmem:s19+$0x18000] =	vst v1  }
0xde: {  	s15 =	sand.u32 $0x380, s23;
	s23 =	sor.u32 s28, s24;
	v8 =	vld [tilespmem:s16+$0x9000];
	[tilespmem:s19+$0x19800] =	vst v5;
	v4 =	vadd.f32 v4, v6;
	s19 =	ssub.s32 s20, s5  }
0xdf: {  	s20 =	ssub.s32 s25, s22;
	s22 =	ssub.s32 s17, s26;
	s5 =	sor.u32 s15, s23;
	v9 =	vld [tilespmem:s16+$0xA800];
	v5 =	vadd.f32 v2, v6  }
0xe0: {  	s23 =	sshll.u32 s19, $0x7;
	s24 =	sshll.u32 s20, $0x7;
	s25 =	sshll.u32 s22, $0x7;
	v1 =	vld [tilespmem:s5+$0x1800];
	[tilespmem:s18+$0x15000] =	vst v4;
	v4 =	vadd.f32 v3, v6  }
.Ltmp1:
0xe1: {  	s23 =	sand.u32 $0x1C00, s23;
	s24 =	sand.u32 $0x1C00, s24;
	v2 =	vld [tilespmem:s5+$0xD800];
	[tilespmem:s18+$0x16800] =	vst v5;
	v6 =	vadd.f32 v7, v6;
	(pc) =	sbr.rel @p0 .LBB2_4-.Ltmp1, $4  }
0xe2: {  	s26 =	sshll.u32 s19, $0x4;
	s20 =	sshll.u32 s20, $0x4;
	s25 =	sand.u32 $0x1C00, s25;
	v3 =	vld [tilespmem:s5+$0x9000];
	[tilespmem:s18+$0x18000] =	vst v4  }
0xe3: {  	s22 =	sshll.u32 s22, $0x4;
	s23 =	sadd.s32 s21, s23;
	s24 =	sadd.s32 s21, s24;
	v5 =	vld [tilespmem:s5+$0xA800];
	v8 =	vadd.f32 v8, v0;
	[tilespmem:s18+$0x19800] =	vst v6  }
0xe4: {  	s19 =	sadd.s32 s25, s21;
	s25 =	sand.u32 $0x60, s20;
	s18 =	sand.u32 $0x50, s26;
	v4 =	vld [tilespmem:s5+$0xC000];
	v7 =	vadd.f32 v9, v0  }
0xe5: {  	s20 =	sand.u32 $0x40, s22;
	s21 =	sor.u32 s18, s23;
	s18 =	sor.u32 s25, s24;
	[tilespmem:s16+$0x15000] =	vst v8;
	v6 =	vld [tilespmem:s16+$0xC000]  }
0xe6: {  	s17 =	sor.u32 s15, s21;
	v39 =	vld [tilespmem:s16+$0xD800]  }
0xe7: {  	v8 =	vld [tilespmem:s17+$0x1800]  }
0xe8: {  	v9 =	vld [tilespmem:s17+$0x9000]  }
0xe9: {  	v2 =	vadd.f32 v2, v1;
	v10 =	vld [tilespmem:s17+$0xA800]  }
0xea: {  	[tilespmem:s16+$0x16800] =	vst v7;
	v3 =	vadd.f32 v3, v1;
	v11 =	vld [tilespmem:s17+$0xC000]  }
0xeb: {  	s18 =	sor.u32 s15, s18;
	v40 =	vld [tilespmem:s17+$0xD800];
	v5 =	vadd.f32 v5, v1;
	[tilespmem:s5+$0x19800] =	vst v2  }
0xec: {  	v42 =	vld [tilespmem:s18+$0x1800];
	[tilespmem:s5+$0x15000] =	vst v3;
	v41 =	vadd.f32 v4, v1  }
0xed: {  	v44 =	vld [tilespmem:s18+$0x9000];
	[tilespmem:s5+$0x16800] =	vst v5;
	v43 =	vadd.f32 v6, v0  }
0xee: {  	v46 =	vld [tilespmem:s18+$0xA800];
	[tilespmem:s5+$0x18000] =	vst v41;
	v45 =	vadd.f32 v39, v0  }
0xef: {  	s1 =	sor.u32 s20, s19;
	v48 =	vld [tilespmem:s18+$0xC000];
	[tilespmem:s16+$0x18000] =	vst v43;
	v47 =	vadd.f32 v9, v8  }
0xf0: {  	v50 =	vld [tilespmem:s18+$0xD800];
	s5 =	sor.u32 s15, s1;
	v49 =	vadd.f32 v10, v8;
	[tilespmem:s16+$0x19800] =	vst v45  }
0xf1: {  	v51 =	vadd.f32 v11, v8;
	v52 =	vld [tilespmem:s5+$0x1800];
	[tilespmem:s17+$0x15000] =	vst v47  }
0xf2: {  	v53 =	vadd.f32 v40, v8;
	v54 =	vld [tilespmem:s5+$0x9000];
	[tilespmem:s17+$0x16800] =	vst v49  }
0xf3: {  	v55 =	vadd.f32 v44, v42;
	v56 =	vld [tilespmem:s5+$0xA800];
	[tilespmem:s17+$0x18000] =	vst v51  }
0xf4: {  	v57 =	vadd.f32 v46, v42;
	v58 =	vld [tilespmem:s5+$0xC000];
	[tilespmem:s17+$0x19800] =	vst v53  }
0xf5: {  	v59 =	vadd.f32 v48, v42;
	v60 =	vld [tilespmem:s5+$0xD800];
	[tilespmem:s18+$0x15000] =	vst v55  }
0xf6: {  	v61 =	vadd.f32 v50, v42;
	[tilespmem:s18+$0x16800] =	vst v57  }
0xf7: {  	[tilespmem:s18+$0x18000] =	vst v59;
	v2 =	vadd.f32 v54, v52  }
0xf8: {  	[tilespmem:s18+$0x19800] =	vst v61;
	v62 =	vadd.f32 v56, v52  }
0xf9: {  	v1 =	vadd.f32 v58, v52;
	[tilespmem:s5+$0x15000] =	vst v2  }
0xfa: {  	v63 =	vadd.f32 v60, v52;
	[tilespmem:s5+$0x16800] =	vst v62  }
0xfb: {  	[tilespmem:s5+$0x18000] =	vst v1  }
0xfc: {  	[tilespmem:s5+$0x19800] =	vst v63  }
0xfd: {  	s1 =	rddreg [dreg:$0x11]  }
0xfe: {  	s17 =	rddreg [dreg:$0x12]  }
0xff: {  	[hbm4b:s1+s6] =	stream.linear.scatter [tilespmem:s9], [sflag:$0x4], $0x1800, $0x38;
	[tilespmem:$0x1B000] =	vst v63  }
0x100: {  	s18 =	rddreg [dreg:$0x13]  }
0x101: {  	[hbm4b:s17+s6] =	stream.linear.scatter [tilespmem:s10], [sflag:$0x4], $0x1800, $0x38;
	[tilespmem:$0x1B000] =	vst v63  }
0x102: {  	s19 =	rddreg [dreg:$0x14]  }
0x103: {  	[hbm4b:s18+s6] =	stream.linear.scatter [tilespmem:s11], [sflag:$0x4], $0x1800, $0x38;
	[tilespmem:$0x1B000] =	vst v63  }
0x104: {  	s20 =	rddreg [dreg:$0x18]  }
0x105: {  	[hbm4b:s19+s6] =	stream.linear.scatter [tilespmem:s12], [sflag:$0x4], $0x1800, $0x38;
	[tilespmem:$0x1B000] =	vst v63  }
0x106: {  	s21 =	simm.s32 $0x1800;
	s22 =	rddreg [dreg:$0x19]  }
0x107: {  	[tilespmem:s21], [sflag:$0x2] =	stream.linear.gather [hbm4b:s20+s6], $0x1800, $0x38;
	[tilespmem:$0x1B000] =	vst v63  }
0x108: {  	s23 =	simm.s32 $0x9000;
	s24 =	rddreg [dreg:$0x1d]  }
0x109: {  	[tilespmem:s23], [sflag:$0x2] =	stream.linear.gather [hbm4b:s22+s6], $0x1800, $0x38;
	[tilespmem:$0x1B000] =	vst v63  }
0x10a: {  	s25 =	simm.s32 $0xA800;
	s26 =	rddreg [dreg:$0x1f]  }
0x10b: {  	[tilespmem:s25], [sflag:$0x2] =	stream.linear.gather [hbm4b:s24+s6], $0x1800, $0x38;
	[tilespmem:$0x1B000] =	vst v63  }
0x10c: {  	s28 =	simm.s32 $0xC000;
	s29 =	sld [smem:$0x7F5]  }
0x10d: {  	[tilespmem:s28], [sflag:$0x2] =	stream.linear.gather [hbm4b:s26+s6], $0x1800, $0x38;
	[tilespmem:$0x1B000] =	vst v63  }
0x10e: {  	s31 =	simm.s32 $0xD800;
	s16 =	simm.s32 $0x1  }
0x10f: {  	[tilespmem:s31], [sflag:$0x2] =	stream.linear.gather [hbm4b:s29+s6], $0x1800, $0x38;
	[tilespmem:$0x1B000] =	vst v63  }
.LBB2_6:
0x110: {  	_ =	swait.ge [sflag:s30], $0x1800  }
0x111: {  	[sflag:s30] =	ssyncset.done $0x0  }
0x112: {  	[sflag:s30] =	ssyncadd.s32 $0xFFFFE800  }
0x113: {  	_ =	swait.ge [sflag:s30], $0x1800  }
0x114: {  	[sflag:s30] =	ssyncset.done $0x0  }
0x115: {  	[sflag:s30] =	ssyncadd.s32 $0xFFFFE800  }
0x116: {  	_ =	swait.ge [sflag:s30], $0x1800  }
0x117: {  	s5 =	simm.s32 $0x0;
	[sflag:s30] =	ssyncset.done $0x0  }
0x118: {  	s15 =	sor.u32 $0x3, s5;
	[sflag:s30] =	ssyncadd.s32 $0xFFFFE800  }
0x119: {  	s17 =	sor.u32 $0x1, s5;
	s20 =	sor.u32 $0x2, s5;
	_ =	swait.ge [sflag:s30], $0x1800  }
0x11a: {  	s5 =	smul.u32 $0xAAAB, s5;
	s18 =	sand.u32 $0xFFFF, s15;
	[sflag:s30] =	ssyncset.done $0x0  }
0x11b: {  	s19 =	sand.u32 $0xFFFF, s17;
	s18 =	smul.u32 $0xAAAB, s18;
	[sflag:s30] =	ssyncadd.s32 $0xFFFFE800  }
0x11c: {  	s21 =	sand.u32 $0xFFFF, s20;
	s19 =	smul.u32 $0xAAAB, s19;
	_ =	swait.ge [sflag:s30], $0x1800  }
0x11d: {  	s21 =	smul.u32 $0xAAAB, s21;
	[sflag:s30] =	ssyncset.done $0x0  }
0x11e: {  	s22 =	sshrl.u32 s5, $0x18;
	s18 =	sshrl.u32 s18, $0x15;
	[sflag:s30] =	ssyncadd.s32 $0xFFFFE800  }
0x11f: {  	s19 =	sshrl.u32 s19, $0x15;
	s18 =	smul.u32 $0x30, s18;
	_ =	swait.ge [sflag:s13], $0x1800  }
0x120: {  	s21 =	sshrl.u32 s21, $0x15;
	s19 =	smul.u32 $0x30, s19;
	[sflag:s13] =	ssyncset.done $0x0  }
0x121: {  	s24 =	sshrl.u32 s5, $0x15;
	s21 =	smul.u32 $0x30, s21;
	[sflag:s13] =	ssyncadd.s32 $0xFFFFE800  }
0x122: {  	s15 =	ssub.s32 s15, s18;
	s18 =	smul.u32 $0x1800, s22;
	_ =	swait.ge [sflag:s13], $0x1800  }
0x123: {  	s5 =	sshrl.u32 s5, $0xE;
	s22 =	smul.u32 $0x30, s24;
	[sflag:s13] =	ssyncset.done $0x0  }
0x124: {  	s24 =	sand.u32 $0x380, s5;
	s26 =	ssub.s32 s17, s19;
	[sflag:s13] =	ssyncadd.s32 $0xFFFFE800  }
0x125: {  	s28 =	ssub.s32 s20, s21;
	s23 =	sshll.u32 s15, $0x7;
	_ =	swait.ge [sflag:s13], $0x1800  }
0x126: {  	s15 =	sshll.u32 s15, $0x4;
	s31 =	sshll.u32 s26, $0x7;
	[sflag:s13] =	ssyncset.done $0x0  }
0x127: {  	s21 =	sshll.u32 s28, $0x7;
	s23 =	sand.u32 $0x1C00, s23;
	[sflag:s13] =	ssyncadd.s32 $0xFFFFE800  }
0x128: {  	s15 =	sand.u32 $0x70, s15;
	s23 =	sadd.s32 s18, s23;
	_ =	swait.ge [sflag:s13], $0x1800  }
0x129: {  	s17 =	sshll.u32 s28, $0x4;
	s25 =	sor.u32 s15, s23;
	[sflag:s13] =	ssyncset.done $0x0  }
0x12a: {  	s29 =	ssub.s32 $0x0, s22;
	s5 =	sor.u32 s24, s25;
	[sflag:s13] =	ssyncadd.s32 $0xFFFFE800  }
0x12b: {  	s20 =	sand.u32 $0x1C00, s31;
	s21 =	sand.u32 $0x1C00, s21;
	s17 =	sand.u32 $0x60, s17;
	v0 =	vld [tilespmem:s5+$0x0]  }
0x12c: {  	s22 =	sshll.u32 s29, $0x7;
	s20 =	sadd.s32 s18, s20;
	s15 =	sshll.u32 s26, $0x4;
	v1 =	vld [tilespmem:s5+$0x7800]  }
0x12d: {  	s1 =	sshll.u32 s29, $0x4;
	s22 =	sand.u32 $0x1C00, s22;
	s15 =	sand.u32 $0x50, s15;
	v2 =	vld [tilespmem:s5+$0x3000]  }
0x12e: {  	s26 =	sadd.s32 s18, s21;
	s29 =	sand.u32 $0x40, s1;
	s15 =	sor.u32 s15, s20;
	v3 =	vld [tilespmem:s5+$0x4800]  }
0x12f: {  	s25 =	simm.s32 $0x4;
	s28 =	sadd.s32 s22, s18;
	s19 =	sor.u32 s24, s15;
	v4 =	vld [tilespmem:s5+$0x6000]  }
0x130: {  	s17 =	sor.u32 s17, s26;
	s21 =	sor.u32 $0x3, s25;
	s22 =	sor.u32 $0x1, s25;
	v5 =	vld [tilespmem:s19+$0x0]  }
0x131: {  	s31 =	sand.u32 $0xFFFF, s21;
	s15 =	sor.u32 s29, s28;
	s28 =	smul.u32 $0xAAAB, s25;
	v6 =	vld [tilespmem:s19+$0x3000]  }
0x132: {  	s26 =	sor.u32 $0x2, s25;
	s1 =	sand.u32 $0xFFFF, s22;
	s23 =	smul.u32 $0xAAAB, s31;
	v7 =	vld [tilespmem:s19+$0x4800]  }
0x133: {  	s29 =	sand.u32 $0xFFFF, s26;
	s20 =	smul.u32 $0xAAAB, s1;
	v8 =	vld [tilespmem:s19+$0x6000]  }
0x134: {  	s18 =	sor.u32 s24, s17;
	s1 =	smul.u32 $0xAAAB, s29;
	s23 =	sshrl.u32 s23, $0x15;
	v9 =	vld [tilespmem:s19+$0x7800];
	v1 =	vadd.f32 v1, v0  }
0x135: {  	s17 =	sor.u32 s24, s15;
	s24 =	smul.u32 $0x30, s23;
	v10 =	vld [tilespmem:s18+$0x0];
	v2 =	vadd.f32 v2, v0  }
0x136: {  	s31 =	sshrl.u32 s28, $0x18;
	s20 =	sshrl.u32 s20, $0x15;
	s23 =	sshrl.u32 s28, $0x15;
	v3 =	vadd.f32 v3, v0;
	v0 =	vadd.f32 v4, v0;
	v4 =	vld [tilespmem:s18+$0x6000];
	[tilespmem:s5+$0x13800] =	vst v1  }
0x137: {  	s20 =	smul.u32 $0x30, s20;
	s28 =	sshrl.u32 s28, $0xE;
	s15 =	ssub.s32 s21, s24;
	v1 =	vld [tilespmem:s18+$0x3000];
	[tilespmem:s5+$0xF000] =	vst v2  }
0x138: {  	s21 =	smul.u32 $0x1800, s31;
	s24 =	sshrl.u32 s1, $0x15;
	s1 =	sshll.u32 s15, $0x7;
	v2 =	vld [tilespmem:s18+$0x4800];
	[tilespmem:s5+$0x10800] =	vst v3;
	v3 =	vadd.f32 v6, v5  }
0x139: {  	s23 =	smul.u32 $0x30, s23;
	s15 =	sshll.u32 s15, $0x4;
	s31 =	sand.u32 $0x1C00, s1;
	[tilespmem:s5+$0x12000] =	vst v0;
	v6 =	vadd.f32 v7, v5;
	v0 =	vld [tilespmem:s17+$0x0]  }
0x13a: {  	s1 =	sand.u32 $0x70, s15;
	s5 =	smul.u32 $0x30, s24;
	s24 =	sadd.s32 s21, s31;
	v7 =	vld [tilespmem:s17+$0x3000];
	[tilespmem:s19+$0xF000] =	vst v3;
	v3 =	vadd.f32 v8, v5  }
0x13b: {  	s20 =	ssub.s32 s22, s20;
	s15 =	sand.u32 $0x380, s28;
	s24 =	sor.u32 s1, s24;
	[tilespmem:s19+$0x10800] =	vst v6;
	v5 =	vadd.f32 v9, v5;
	v6 =	vld [tilespmem:s18+$0x7800]  }
0x13c: {  	s1 =	ssub.s32 $0x4, s23;
	s31 =	ssub.s32 s26, s5;
	s5 =	sor.u32 s15, s24;
	v8 =	vld [tilespmem:s17+$0x4800];
	v4 =	vadd.f32 v4, v10;
	[tilespmem:s19+$0x12000] =	vst v3  }
0x13d: {  	s24 =	sshll.u32 s20, $0x7;
	s28 =	sshll.u32 s1, $0x7;
	[tilespmem:s19+$0x13800] =	vst v5;
	v3 =	vadd.f32 v1, v10;
	v1 =	vld [tilespmem:s5+$0x0]  }
0x13e: {  	s20 =	sshll.u32 s20, $0x4;
	s29 =	sshll.u32 s1, $0x4;
	s26 =	sshll.u32 s31, $0x7;
	v5 =	vadd.f32 v2, v10;
	v2 =	vld [tilespmem:s5+$0x7800];
	[tilespmem:s18+$0x12000] =	vst v4  }
0x13f: {  	s23 =	sand.u32 $0x1C00, s24;
	s22 =	sshll.u32 s31, $0x4;
	s31 =	sand.u32 $0x50, s20;
	v7 =	vadd.f32 v7, v0;
	v4 =	vld [tilespmem:s5+$0x6000];
	[tilespmem:s18+$0xF000] =	vst v3  }
0x140: {  	s20 =	sand.u32 $0x40, s29;
	s24 =	sand.u32 $0x1C00, s26;
	s26 =	sand.u32 $0x1C00, s28;
	[tilespmem:s18+$0x10800] =	vst v5;
	v3 =	vld [tilespmem:s5+$0x3000];
	v6 =	vadd.f32 v6, v10  }
0x141: {  	s23 =	sadd.s32 s21, s23;
	s22 =	sand.u32 $0x60, s22;
	s24 =	sadd.s32 s21, s24;
	v5 =	vld [tilespmem:s5+$0x4800];
	[tilespmem:s17+$0xF000] =	vst v7  }
0x142: {  	s19 =	sadd.s32 s26, s21;
	s21 =	sor.u32 s31, s23;
	v7 =	vadd.f32 v8, v0;
	[tilespmem:s18+$0x13800] =	vst v6;
	s18 =	sor.u32 s22, s24;
	v6 =	vld [tilespmem:s17+$0x6000]  }
.LBB2_7:
0x143: {  	s25 =	sadd.s32 $0x4, s25  }
0x144: {  	s22 =	sor.u32 s20, s19;
	s19 =	sor.u32 s15, s21;
	v2 =	vadd.f32 v2, v1;
	[tilespmem:s17+$0x10800] =	vst v7;
	v7 =	vld [tilespmem:s17+$0x7800];
	s21 =	sor.u32 $0x3, s25  }
0x145: {  	s20 =	sor.u32 $0x1, s25;
	s26 =	sor.u32 $0x2, s25;
	v8 =	vld [tilespmem:s19+$0x0];
	v3 =	vadd.f32 v3, v1;
	s28 =	sand.u32 $0xFFFF, s21  }
0x146: {  	s23 =	sand.u32 $0xFFFF, s20;
	s24 =	sand.u32 $0xFFFF, s26;
	v9 =	vld [tilespmem:s19+$0x3000];
	v5 =	vadd.f32 v5, v1;
	[tilespmem:s5+$0x13800] =	vst v2;
	s28 =	smul.u32 $0xAAAB, s28  }
0x147: {  	s18 =	sor.u32 s15, s18;
	s22 =	sor.u32 s15, s22;
	v2 =	vld [tilespmem:s19+$0x4800];
	[tilespmem:s5+$0xF000] =	vst v3;
	v1 =	vadd.f32 v4, v1;
	s15 =	smul.u32 $0xAAAB, s23  }
0x148: {  	p0 =	slt.u32 s25, $0x17C;
	s23 =	smul.u32 $0xAAAB, s25;
	v3 =	vld [tilespmem:s19+$0x6000];
	[tilespmem:s5+$0x10800] =	vst v5;
	v4 =	vadd.f32 v6, v0  }
0x149: {  	s24 =	smul.u32 $0xAAAB, s24;
	s28 =	sshrl.u32 s28, $0x15;
	v5 =	vld [tilespmem:s19+$0x7800];
	[tilespmem:s5+$0x12000] =	vst v1;
	v0 =	vadd.f32 v7, v0  }
0x14a: {  	s5 =	sshrl.u32 s15, $0x15;
	s15 =	smul.u32 $0x30, s28;
	v6 =	vld [tilespmem:s18+$0x0];
	[tilespmem:s17+$0x12000] =	vst v4  }
0x14b: {  	s28 =	sshrl.u32 s23, $0x15;
	s5 =	smul.u32 $0x30, s5;
	v1 =	vadd.f32 v9, v8;
	v4 =	vld [tilespmem:s18+$0x3000];
	[tilespmem:s17+$0x13800] =	vst v0;
	s17 =	smov.u32 s22  }
0x14c: {  	s22 =	sshrl.u32 s23, $0x18;
	s23 =	sshrl.u32 s23, $0xE;
	s15 =	ssub.s32 s21, s15;
	v0 =	vadd.f32 v2, v8;
	v2 =	vld [tilespmem:s18+$0x4800]  }
0x14d: {  	s21 =	smul.u32 $0x1800, s22;
	s22 =	sshrl.u32 s24, $0x15;
	s24 =	sshll.u32 s15, $0x7;
	[tilespmem:s19+$0xF000] =	vst v1;
	v1 =	vadd.f32 v3, v8;
	v3 =	vld [tilespmem:s18+$0x6000]  }
0x14e: {  	s22 =	smul.u32 $0x30, s22;
	s15 =	sshll.u32 s15, $0x4;
	s24 =	sand.u32 $0x1C00, s24;
	[tilespmem:s19+$0x10800] =	vst v0;
	v5 =	vadd.f32 v5, v8;
	v7 =	vld [tilespmem:s18+$0x7800]  }
0x14f: {  	s28 =	smul.u32 $0x30, s28;
	s29 =	sand.u32 $0x70, s15;
	s24 =	sadd.s32 s21, s24;
	v0 =	vld [tilespmem:s17+$0x0];
	[tilespmem:s19+$0x12000] =	vst v1  }
0x150: {  	s15 =	sand.u32 $0x380, s23;
	s23 =	sor.u32 s29, s24;
	v8 =	vld [tilespmem:s17+$0x3000];
	[tilespmem:s19+$0x13800] =	vst v5;
	v4 =	vadd.f32 v4, v6;
	s19 =	ssub.s32 s20, s5  }
0x151: {  	s20 =	ssub.s32 s26, s22;
	s22 =	ssub.s32 s25, s28;
	s5 =	sor.u32 s15, s23;
	v9 =	vld [tilespmem:s17+$0x4800];
	v5 =	vadd.f32 v2, v6  }
0x152: {  	s23 =	sshll.u32 s19, $0x7;
	s24 =	sshll.u32 s20, $0x7;
	s26 =	sshll.u32 s22, $0x7;
	v1 =	vld [tilespmem:s5+$0x0];
	[tilespmem:s18+$0xF000] =	vst v4;
	v4 =	vadd.f32 v3, v6  }
.Ltmp2:
0x153: {  	s23 =	sand.u32 $0x1C00, s23;
	s24 =	sand.u32 $0x1C00, s24;
	v2 =	vld [tilespmem:s5+$0x7800];
	[tilespmem:s18+$0x10800] =	vst v5;
	v6 =	vadd.f32 v7, v6;
	(pc) =	sbr.rel @p0 .LBB2_7-.Ltmp2, $4  }
0x154: {  	s28 =	sshll.u32 s19, $0x4;
	s20 =	sshll.u32 s20, $0x4;
	s26 =	sand.u32 $0x1C00, s26;
	v3 =	vld [tilespmem:s5+$0x3000];
	[tilespmem:s18+$0x12000] =	vst v4  }
0x155: {  	s22 =	sshll.u32 s22, $0x4;
	s23 =	sadd.s32 s21, s23;
	s24 =	sadd.s32 s21, s24;
	v5 =	vld [tilespmem:s5+$0x4800];
	v8 =	vadd.f32 v8, v0;
	[tilespmem:s18+$0x13800] =	vst v6  }
0x156: {  	s19 =	sadd.s32 s26, s21;
	s26 =	sand.u32 $0x60, s20;
	s18 =	sand.u32 $0x50, s28;
	v4 =	vld [tilespmem:s5+$0x6000];
	v7 =	vadd.f32 v9, v0  }
0x157: {  	s20 =	sand.u32 $0x40, s22;
	s21 =	sor.u32 s18, s23;
	s18 =	sor.u32 s26, s24;
	[tilespmem:s17+$0xF000] =	vst v8;
	v6 =	vld [tilespmem:s17+$0x6000]  }
0x158: {  	[tilespmem:s17+$0x10800] =	vst v7;
	s21 =	sor.u32 s15, s21;
	v7 =	vld [tilespmem:s17+$0x7800]  }
0x159: {  	v8 =	vld [tilespmem:s21+$0x0]  }
0x15a: {  	v9 =	vld [tilespmem:s21+$0x3000]  }
0x15b: {  	v2 =	vadd.f32 v2, v1;
	v10 =	vld [tilespmem:s21+$0x4800]  }
0x15c: {  	v3 =	vadd.f32 v3, v1;
	v11 =	vld [tilespmem:s21+$0x6000]  }
0x15d: {  	s18 =	sor.u32 s15, s18;
	v5 =	vadd.f32 v5, v1;
	[tilespmem:s5+$0x13800] =	vst v2;
	v2 =	vld [tilespmem:s21+$0x7800]  }
0x15e: {  	[tilespmem:s5+$0xF000] =	vst v3;
	v1 =	vadd.f32 v4, v1;
	v3 =	vld [tilespmem:s18+$0x0]  }
0x15f: {  	[tilespmem:s5+$0x10800] =	vst v5;
	v4 =	vadd.f32 v6, v0;
	v5 =	vld [tilespmem:s18+$0x3000]  }
0x160: {  	v6 =	vld [tilespmem:s18+$0x6000];
	[tilespmem:s5+$0x12000] =	vst v1;
	v0 =	vadd.f32 v7, v0  }
0x161: {  	s26 =	sor.u32 s20, s19;
	v1 =	vld [tilespmem:s18+$0x4800];
	[tilespmem:s17+$0x12000] =	vst v4;
	v4 =	vadd.f32 v9, v8  }
0x162: {  	s5 =	sor.u32 s15, s26;
	v7 =	vld [tilespmem:s18+$0x7800];
	[tilespmem:s17+$0x13800] =	vst v0;
	v0 =	vadd.f32 v10, v8  }
0x163: {  	v61 =	vld [tilespmem:s5+$0x0];
	[tilespmem:s21+$0xF000] =	vst v4;
	v4 =	vadd.f32 v11, v8  }
0x164: {  	[tilespmem:s21+$0x10800] =	vst v0;
	v0 =	vadd.f32 v2, v8;
	v2 =	vld [tilespmem:s5+$0x3000]  }
0x165: {  	[tilespmem:s21+$0x12000] =	vst v4;
	v4 =	vadd.f32 v5, v3;
	v5 =	vld [tilespmem:s5+$0x4800]  }
0x166: {  	[tilespmem:s21+$0x13800] =	vst v0;
	v0 =	vadd.f32 v1, v3;
	v1 =	vld [tilespmem:s5+$0x6000]  }
0x167: {  	[tilespmem:s18+$0xF000] =	vst v4;
	v4 =	vadd.f32 v6, v3;
	v6 =	vld [tilespmem:s5+$0x7800]  }
0x168: {  	s28 =	sshll.u32 s16, $0x4;
	[tilespmem:s18+$0x10800] =	vst v0;
	v0 =	vadd.f32 v7, v3  }
0x169: {  	s17 =	sadd.s32 s3, s28;
	[tilespmem:s18+$0x12000] =	vst v4;
	v2 =	vadd.f32 v2, v61  }
0x16a: {  	s15 =	sshrl.u32 s17, $0x3;
	[tilespmem:s18+$0x13800] =	vst v0;
	v0 =	vadd.f32 v5, v61  }
0x16b: {  	s15 =	smul.u32 $0x1800, s15;
	[tilespmem:s5+$0xF000] =	vst v2;
	v1 =	vadd.f32 v1, v61  }
0x16c: {  	[tilespmem:s5+$0x10800] =	vst v0;
	v0 =	vadd.f32 v6, v61  }
0x16d: {  	s1 =	rddreg [dreg:$0x2];
	s29 =	sshrl.u32 s15, $0x3;
	[tilespmem:s5+$0x12000] =	vst v1  }
0x16e: {  	s31 =	simm.s32 $0xF000;
	s25 =	sadd.s32 s1, s29;
	[tilespmem:s5+$0x13800] =	vst v0  }
0x16f: {  	[hbm4b:s25+s6] =	stream.linear.scatter [tilespmem:s31], [sflag:$0x3], $0x1800, $0x38;
	[tilespmem:$0x1B000] =	vst v63  }
0x170: {  	s1 =	sadd.s32 $0xC0000, s25;
	s18 =	simm.s32 $0x10800  }
0x171: {  	[hbm4b:s1+s6] =	stream.linear.scatter [tilespmem:s18], [sflag:$0x3], $0x1800, $0x38;
	[tilespmem:$0x1B000] =	vst v63  }
0x172: {  	s21 =	sadd.s32 $0x3000, s15;
	s19 =	sadd.s32 $0x180000, s25  }
0x173: {  	[hbm4b:s19+s6] =	stream.linear.scatter [tilespmem:s0], [sflag:$0x3], $0x1800, $0x38;
	[tilespmem:$0x1B000] =	vst v63  }
0x174: {  	s20 =	sadd.s32 $0x240000, s25;
	s5 =	sshrl.u32 s21, $0x3  }
0x175: {  	[hbm4b:s20+s6] =	stream.linear.scatter [tilespmem:s7], [sflag:$0x3], $0x1800, $0x38;
	[tilespmem:$0x1B000] =	vst v63  }
0x176: {  	s22 =	sadd.s32 s4, s5  }
0x177: {  	[tilespmem:s6], [sflag:$0x1] =	stream.linear.gather [hbm4b:s22+s6], $0x1800, $0x38;
	[tilespmem:$0x1B000] =	vst v63  }
0x178: {  	s23 =	simm.s32 $0x3000;
	s5 =	sadd.s32 s2, s5  }
0x179: {  	[tilespmem:s23], [sflag:$0x1] =	stream.linear.gather [hbm4b:s5+s6], $0x1800, $0x38;
	[tilespmem:$0x1B000] =	vst v63  }
0x17a: {  	s26 =	simm.s32 $0x4800;
	s24 =	sadd.s32 $0xC0000, s5  }
0x17b: {  	[tilespmem:s26], [sflag:$0x1] =	stream.linear.gather [hbm4b:s24+s6], $0x1800, $0x38;
	[tilespmem:$0x1B000] =	vst v63  }
0x17c: {  	s29 =	simm.s32 $0x6000;
	s28 =	sadd.s32 $0x180000, s5  }
0x17d: {  	[tilespmem:s29], [sflag:$0x1] =	stream.linear.gather [hbm4b:s28+s6], $0x1800, $0x38;
	[tilespmem:$0x1B000] =	vst v63  }
0x17e: {  	s31 =	simm.s32 $0x7800;
	s5 =	sadd.s32 $0x240000, s5  }
0x17f: {  	[tilespmem:s31], [sflag:$0x1] =	stream.linear.gather [hbm4b:s5+s6], $0x1800, $0x38;
	[tilespmem:$0x1B000] =	vst v63  }
0x180: {  	_ =	swait.ge [sflag:s8], $0x1800  }
0x181: {  	[sflag:s8] =	ssyncset.done $0x0  }
0x182: {  	[sflag:s8] =	ssyncadd.s32 $0xFFFFE800  }
0x183: {  	_ =	swait.ge [sflag:s8], $0x1800  }
0x184: {  	[sflag:s8] =	ssyncset.done $0x0  }
0x185: {  	[sflag:s8] =	ssyncadd.s32 $0xFFFFE800  }
0x186: {  	_ =	swait.ge [sflag:s8], $0x1800  }
0x187: {  	s15 =	simm.s32 $0x0;
	[sflag:s8] =	ssyncset.done $0x0  }
0x188: {  	s18 =	sor.u32 $0x3, s15;
	[sflag:s8] =	ssyncadd.s32 $0xFFFFE800  }
0x189: {  	s21 =	sor.u32 $0x1, s15;
	s28 =	sand.u32 $0xFFFF, s18;
	_ =	swait.ge [sflag:s8], $0x1800  }
0x18a: {  	s29 =	sand.u32 $0xFFFF, s21;
	s19 =	smul.u32 $0xAAAB, s28;
	[sflag:s8] =	ssyncset.done $0x0  }
0x18b: {  	s20 =	smul.u32 $0xAAAB, s29;
	s31 =	sor.u32 $0x2, s15;
	[sflag:s8] =	ssyncadd.s32 $0xFFFFE800  }
0x18c: {  	s5 =	smul.u32 $0xAAAB, s15;
	s19 =	sshrl.u32 s19, $0x15;
	_ =	swait.ge [sflag:s8], $0x1800  }
0x18d: {  	s22 =	sand.u32 $0xFFFF, s31;
	s19 =	smul.u32 $0x30, s19;
	[sflag:s8] =	ssyncset.done $0x0  }
0x18e: {  	s20 =	sshrl.u32 s20, $0x15;
	s22 =	smul.u32 $0xAAAB, s22;
	[sflag:s8] =	ssyncadd.s32 $0xFFFFE800  }
0x18f: {  	s23 =	sshrl.u32 s5, $0x18;
	s20 =	smul.u32 $0x30, s20;
	_ =	swait.ge [sflag:s14], $0x1800  }
0x190: {  	s1 =	sshrl.u32 s5, $0x15;
	s5 =	sshrl.u32 s5, $0xE;
	[sflag:s14] =	ssyncset.done $0x0  }
0x191: {  	s26 =	sand.u32 $0x380, s5;
	s15 =	ssub.s32 s18, s19;
	[sflag:s14] =	ssyncadd.s32 $0xFFFFE800  }
0x192: {  	s19 =	smul.u32 $0x1800, s23;
	s22 =	sshrl.u32 s22, $0x15;
	_ =	swait.ge [sflag:s14], $0x1800  }
0x193: {  	s23 =	smul.u32 $0x30, s1;
	s24 =	sshll.u32 s15, $0x7;
	[sflag:s14] =	ssyncset.done $0x0  }
0x194: {  	s22 =	smul.u32 $0x30, s22;
	s15 =	sshll.u32 s15, $0x4;
	[sflag:s14] =	ssyncadd.s32 $0xFFFFE800  }
0x195: {  	s24 =	sand.u32 $0x1C00, s24;
	s15 =	sand.u32 $0x70, s15;
	_ =	swait.ge [sflag:s14], $0x1800  }
0x196: {  	s29 =	ssub.s32 $0x0, s23;
	s24 =	sadd.s32 s19, s24;
	[sflag:s14] =	ssyncset.done $0x0  }
0x197: {  	s28 =	ssub.s32 s31, s22;
	s23 =	sshll.u32 s29, $0x7;
	[sflag:s14] =	ssyncadd.s32 $0xFFFFE800  }
0x198: {  	s1 =	sshll.u32 s29, $0x4;
	s15 =	sor.u32 s15, s24;
	_ =	swait.ge [sflag:s14], $0x1800  }
0x199: {  	s24 =	ssub.s32 s21, s20;
	s22 =	sshll.u32 s28, $0x7;
	[sflag:s14] =	ssyncset.done $0x0  }
0x19a: {  	s23 =	sand.u32 $0x1C00, s23;
	s5 =	sor.u32 s26, s15;
	[sflag:s14] =	ssyncadd.s32 $0xFFFFE800  }
0x19b: {  	s18 =	sshll.u32 s28, $0x4;
	s31 =	sshll.u32 s24, $0x7;
	s22 =	sand.u32 $0x1C00, s22;
	v0 =	vld [tilespmem:s5+$0x1800]  }
0x19c: {  	s15 =	sshll.u32 s24, $0x4;
	s18 =	sand.u32 $0x60, s18;
	s21 =	sand.u32 $0x1C00, s31;
	v1 =	vld [tilespmem:s5+$0xD800]  }
0x19d: {  	s15 =	sand.u32 $0x50, s15;
	s29 =	sadd.s32 s19, s22;
	s21 =	sadd.s32 s19, s21;
	v2 =	vld [tilespmem:s5+$0x9000]  }
0x19e: {  	s31 =	sand.u32 $0x40, s1;
	s19 =	sadd.s32 s23, s19;
	s28 =	sor.u32 s15, s21;
	v3 =	vld [tilespmem:s5+$0xA800]  }
0x19f: {  	s18 =	sor.u32 s18, s29;
	s15 =	simm.s32 $0x4;
	s20 =	sor.u32 s26, s28;
	v4 =	vld [tilespmem:s5+$0xC000]  }
0x1a0: {  	s23 =	sor.u32 s31, s19;
	s19 =	sor.u32 s26, s18;
	s22 =	sor.u32 $0x3, s15;
	v5 =	vld [tilespmem:s20+$0x1800]  }
0x1a1: {  	s24 =	sor.u32 $0x1, s15;
	s18 =	smul.u32 $0xAAAB, s15;
	s28 =	sand.u32 $0xFFFF, s22;
	v6 =	vld [tilespmem:s20+$0x9000]  }
0x1a2: {  	s29 =	sor.u32 $0x2, s15;
	s1 =	sand.u32 $0xFFFF, s24;
	s28 =	smul.u32 $0xAAAB, s28;
	v7 =	vld [tilespmem:s20+$0xA800]  }
0x1a3: {  	s31 =	sand.u32 $0xFFFF, s29;
	s21 =	smul.u32 $0xAAAB, s1;
	v8 =	vld [tilespmem:s20+$0xC000]  }
0x1a4: {  	s31 =	smul.u32 $0xAAAB, s31;
	s28 =	sshrl.u32 s28, $0x15;
	v62 =	vld [tilespmem:s20+$0xD800];
	v1 =	vadd.f32 v1, v0  }
0x1a5: {  	s26 =	sor.u32 s26, s23;
	s1 =	sshrl.u32 s18, $0x18;
	s23 =	smul.u32 $0x30, s28;
	v63 =	vld [tilespmem:s19+$0x1800];
	v2 =	vadd.f32 v2, v0  }
0x1a6: {  	s1 =	smul.u32 $0x1800, s1;
	v3 =	vadd.f32 v3, v0;
	v0 =	vadd.f32 v4, v0;
	v4 =	vld [tilespmem:s19+$0xC000];
	[tilespmem:s5+$0x19800] =	vst v1  }
0x1a7: {  	s21 =	sshrl.u32 s21, $0x15;
	s28 =	sshrl.u32 s18, $0x15;
	s22 =	ssub.s32 s22, s23;
	v1 =	vld [tilespmem:s19+$0x9000];
	[tilespmem:s5+$0x15000] =	vst v2  }
0x1a8: {  	s21 =	smul.u32 $0x30, s21;
	s23 =	sshrl.u32 s31, $0x15;
	s31 =	sshll.u32 s22, $0x7;
	v2 =	vld [tilespmem:s19+$0xA800];
	[tilespmem:s5+$0x16800] =	vst v3;
	v3 =	vadd.f32 v6, v5  }
0x1a9: {  	s18 =	sshrl.u32 s18, $0xE;
	s22 =	sshll.u32 s22, $0x4;
	s31 =	sand.u32 $0x1C00, s31;
	[tilespmem:s5+$0x18000] =	vst v0;
	v6 =	vadd.f32 v7, v5;
	v0 =	vld [tilespmem:s26+$0x1800]  }
0x1aa: {  	s23 =	smul.u32 $0x30, s23;
	s5 =	sand.u32 $0x70, s22;
	s22 =	sadd.s32 s1, s31;
	v7 =	vld [tilespmem:s26+$0x9000];
	[tilespmem:s20+$0x15000] =	vst v3;
	v3 =	vadd.f32 v8, v5  }
0x1ab: {  	s28 =	smul.u32 $0x30, s28;
	s22 =	sor.u32 s5, s22;
	s5 =	sand.u32 $0x380, s18;
	[tilespmem:s20+$0x16800] =	vst v6;
	v5 =	vadd.f32 v62, v5;
	v6 =	vld [tilespmem:s19+$0xD800]  }
0x1ac: {  	s21 =	ssub.s32 s24, s21;
	s23 =	ssub.s32 s29, s23;
	s18 =	sor.u32 s5, s22;
	v8 =	vld [tilespmem:s26+$0xA800];
	v4 =	vadd.f32 v4, v63;
	[tilespmem:s20+$0x18000] =	vst v3  }
0x1ad: {  	s29 =	sshll.u32 s21, $0x7;
	s31 =	sshll.u32 s23, $0x7;
	s22 =	ssub.s32 $0x4, s28;
	[tilespmem:s20+$0x19800] =	vst v5;
	v3 =	vadd.f32 v1, v63;
	v1 =	vld [tilespmem:s18+$0x1800]  }
0x1ae: {  	s21 =	sshll.u32 s21, $0x4;
	s24 =	sand.u32 $0x1C00, s31;
	s28 =	sshll.u32 s22, $0x7;
	v5 =	vadd.f32 v2, v63;
	v2 =	vld [tilespmem:s18+$0xD800];
	[tilespmem:s19+$0x18000] =	vst v4  }
0x1af: {  	s24 =	sadd.s32 s1, s24;
	s20 =	sand.u32 $0x1C00, s29;
	s28 =	sand.u32 $0x1C00, s28;
	v7 =	vadd.f32 v7, v0;
	v4 =	vld [tilespmem:s18+$0xC000];
	[tilespmem:s19+$0x15000] =	vst v3  }
0x1b0: {  	s29 =	sadd.s32 s1, s20;
	s20 =	sadd.s32 s28, s1;
	s28 =	sshll.u32 s23, $0x4;
	[tilespmem:s19+$0x16800] =	vst v5;
	v3 =	vld [tilespmem:s18+$0x9000];
	v6 =	vadd.f32 v6, v63  }
0x1b1: {  	s31 =	sshll.u32 s22, $0x4;
	s1 =	sand.u32 $0x50, s21;
	s21 =	sand.u32 $0x60, s28;
	v5 =	vld [tilespmem:s18+$0xA800];
	[tilespmem:s26+$0x15000] =	vst v7  }
0x1b2: {  	s22 =	sor.u32 s1, s29;
	v7 =	vadd.f32 v8, v0;
	[tilespmem:s19+$0x19800] =	vst v6;
	s19 =	sor.u32 s21, s24;
	s21 =	sand.u32 $0x40, s31;
	v6 =	vld [tilespmem:s26+$0xC000]  }
.LBB2_9:
0x1b3: {  	s15 =	sadd.s32 $0x4, s15  }
0x1b4: {  	s1 =	sor.u32 s21, s20;
	s20 =	sor.u32 s5, s22;
	v2 =	vadd.f32 v2, v1;
	[tilespmem:s26+$0x16800] =	vst v7;
	v7 =	vld [tilespmem:s26+$0xD800];
	s23 =	sor.u32 $0x3, s15  }
0x1b5: {  	s21 =	sor.u32 $0x1, s15;
	s22 =	sor.u32 $0x2, s15;
	v8 =	vld [tilespmem:s20+$0x1800];
	v3 =	vadd.f32 v3, v1;
	s29 =	sand.u32 $0xFFFF, s23  }
0x1b6: {  	s24 =	sand.u32 $0xFFFF, s21;
	s28 =	sand.u32 $0xFFFF, s22;
	v9 =	vld [tilespmem:s20+$0x9000];
	v5 =	vadd.f32 v5, v1;
	[tilespmem:s18+$0x19800] =	vst v2;
	s29 =	smul.u32 $0xAAAB, s29  }
0x1b7: {  	s19 =	sor.u32 s5, s19;
	s1 =	sor.u32 s5, s1;
	v2 =	vld [tilespmem:s20+$0xA800];
	[tilespmem:s18+$0x15000] =	vst v3;
	v1 =	vadd.f32 v4, v1;
	s5 =	smul.u32 $0xAAAB, s24  }
0x1b8: {  	p0 =	slt.u32 s15, $0x17C;
	s24 =	smul.u32 $0xAAAB, s15;
	v3 =	vld [tilespmem:s20+$0xC000];
	[tilespmem:s18+$0x16800] =	vst v5;
	v4 =	vadd.f32 v6, v0  }
0x1b9: {  	s28 =	smul.u32 $0xAAAB, s28;
	s29 =	sshrl.u32 s29, $0x15;
	v5 =	vld [tilespmem:s20+$0xD800];
	[tilespmem:s18+$0x18000] =	vst v1;
	v0 =	vadd.f32 v7, v0  }
0x1ba: {  	s5 =	sshrl.u32 s5, $0x15;
	s18 =	smul.u32 $0x30, s29;
	v6 =	vld [tilespmem:s19+$0x1800];
	[tilespmem:s26+$0x18000] =	vst v4  }
0x1bb: {  	s29 =	sshrl.u32 s24, $0x15;
	s31 =	smul.u32 $0x30, s5;
	v1 =	vadd.f32 v9, v8;
	v4 =	vld [tilespmem:s19+$0x9000];
	[tilespmem:s26+$0x19800] =	vst v0;
	s26 =	smov.u32 s1  }
0x1bc: {  	s1 =	sshrl.u32 s24, $0x18;
	s24 =	sshrl.u32 s24, $0xE;
	s5 =	ssub.s32 s23, s18;
	v0 =	vadd.f32 v2, v8;
	v2 =	vld [tilespmem:s19+$0xA800]  }
0x1bd: {  	s1 =	smul.u32 $0x1800, s1;
	s18 =	sshrl.u32 s28, $0x15;
	s23 =	sshll.u32 s5, $0x7;
	[tilespmem:s20+$0x15000] =	vst v1;
	v1 =	vadd.f32 v3, v8;
	v3 =	vld [tilespmem:s19+$0xC000]  }
0x1be: {  	s18 =	smul.u32 $0x30, s18;
	s5 =	sshll.u32 s5, $0x4;
	s23 =	sand.u32 $0x1C00, s23;
	[tilespmem:s20+$0x16800] =	vst v0;
	v5 =	vadd.f32 v5, v8;
	v7 =	vld [tilespmem:s19+$0xD800]  }
0x1bf: {  	s29 =	smul.u32 $0x30, s29;
	s28 =	sand.u32 $0x70, s5;
	s23 =	sadd.s32 s1, s23;
	v0 =	vld [tilespmem:s26+$0x1800];
	[tilespmem:s20+$0x18000] =	vst v1  }
0x1c0: {  	s5 =	sand.u32 $0x380, s24;
	s23 =	sor.u32 s28, s23;
	v8 =	vld [tilespmem:s26+$0x9000];
	[tilespmem:s20+$0x19800] =	vst v5;
	v4 =	vadd.f32 v4, v6;
	s20 =	ssub.s32 s21, s31  }
0x1c1: {  	s21 =	ssub.s32 s22, s18;
	s22 =	ssub.s32 s15, s29;
	s18 =	sor.u32 s5, s23;
	v9 =	vld [tilespmem:s26+$0xA800];
	v5 =	vadd.f32 v2, v6  }
0x1c2: {  	s23 =	sshll.u32 s20, $0x7;
	s24 =	sshll.u32 s21, $0x7;
	s28 =	sshll.u32 s22, $0x7;
	v1 =	vld [tilespmem:s18+$0x1800];
	[tilespmem:s19+$0x15000] =	vst v4;
	v4 =	vadd.f32 v3, v6  }
.Ltmp3:
0x1c3: {  	s23 =	sand.u32 $0x1C00, s23;
	s24 =	sand.u32 $0x1C00, s24;
	v2 =	vld [tilespmem:s18+$0xD800];
	[tilespmem:s19+$0x16800] =	vst v5;
	v6 =	vadd.f32 v7, v6;
	(pc) =	sbr.rel @p0 .LBB2_9-.Ltmp3, $4  }
0x1c4: {  	s29 =	sshll.u32 s20, $0x4;
	s21 =	sshll.u32 s21, $0x4;
	s28 =	sand.u32 $0x1C00, s28;
	v3 =	vld [tilespmem:s18+$0x9000];
	[tilespmem:s19+$0x18000] =	vst v4  }
0x1c5: {  	s22 =	sshll.u32 s22, $0x4;
	s23 =	sadd.s32 s1, s23;
	s24 =	sadd.s32 s1, s24;
	v5 =	vld [tilespmem:s18+$0xA800];
	v8 =	vadd.f32 v8, v0;
	[tilespmem:s19+$0x19800] =	vst v6  }
0x1c6: {  	s20 =	sadd.s32 s28, s1;
	s1 =	sand.u32 $0x50, s29;
	s19 =	sand.u32 $0x60, s21;
	v4 =	vld [tilespmem:s18+$0xC000];
	v7 =	vadd.f32 v9, v0  }
0x1c7: {  	s21 =	sand.u32 $0x40, s22;
	s22 =	sor.u32 s1, s23;
	s19 =	sor.u32 s19, s24;
	[tilespmem:s26+$0x15000] =	vst v8;
	v6 =	vld [tilespmem:s26+$0xC000]  }
0x1c8: {  	s1 =	sor.u32 s5, s22;
	v39 =	vld [tilespmem:s26+$0xD800]  }
0x1c9: {  	v8 =	vld [tilespmem:s1+$0x1800]  }
0x1ca: {  	v9 =	vld [tilespmem:s1+$0x9000]  }
0x1cb: {  	v2 =	vadd.f32 v2, v1;
	v10 =	vld [tilespmem:s1+$0xA800]  }
0x1cc: {  	[tilespmem:s26+$0x16800] =	vst v7;
	v3 =	vadd.f32 v3, v1;
	v11 =	vld [tilespmem:s1+$0xC000]  }
0x1cd: {  	s15 =	sor.u32 s5, s19;
	v40 =	vld [tilespmem:s1+$0xD800];
	v5 =	vadd.f32 v5, v1;
	[tilespmem:s18+$0x19800] =	vst v2  }
0x1ce: {  	v42 =	vld [tilespmem:s15+$0x1800];
	[tilespmem:s18+$0x15000] =	vst v3;
	v41 =	vadd.f32 v4, v1  }
0x1cf: {  	v44 =	vld [tilespmem:s15+$0x9000];
	[tilespmem:s18+$0x16800] =	vst v5;
	v43 =	vadd.f32 v6, v0  }
0x1d0: {  	v46 =	vld [tilespmem:s15+$0xA800];
	[tilespmem:s18+$0x18000] =	vst v41;
	v45 =	vadd.f32 v39, v0  }
0x1d1: {  	s29 =	sor.u32 s21, s20;
	v48 =	vld [tilespmem:s15+$0xC000];
	[tilespmem:s26+$0x18000] =	vst v43;
	v47 =	vadd.f32 v9, v8  }
0x1d2: {  	s31 =	sor.u32 s5, s29;
	v50 =	vld [tilespmem:s15+$0xD800];
	v49 =	vadd.f32 v10, v8;
	[tilespmem:s26+$0x19800] =	vst v45  }
0x1d3: {  	v52 =	vld [tilespmem:s31+$0x1800];
	v51 =	vadd.f32 v11, v8;
	[tilespmem:s1+$0x15000] =	vst v47  }
0x1d4: {  	v54 =	vld [tilespmem:s31+$0x9000];
	v53 =	vadd.f32 v40, v8;
	[tilespmem:s1+$0x16800] =	vst v49  }
0x1d5: {  	v56 =	vld [tilespmem:s31+$0xA800];
	v55 =	vadd.f32 v44, v42;
	[tilespmem:s1+$0x18000] =	vst v51  }
0x1d6: {  	v58 =	vld [tilespmem:s31+$0xC000];
	v57 =	vadd.f32 v46, v42;
	[tilespmem:s1+$0x19800] =	vst v53  }
0x1d7: {  	v60 =	vld [tilespmem:s31+$0xD800];
	v59 =	vadd.f32 v48, v42;
	[tilespmem:s15+$0x15000] =	vst v55  }
0x1d8: {  	v61 =	vadd.f32 v50, v42;
	[tilespmem:s15+$0x16800] =	vst v57  }
0x1d9: {  	v2 =	vadd.f32 v54, v52;
	[tilespmem:s15+$0x18000] =	vst v59  }
0x1da: {  	v62 =	vadd.f32 v56, v52;
	[tilespmem:s15+$0x19800] =	vst v61  }
0x1db: {  	v1 =	vadd.f32 v58, v52;
	[tilespmem:s31+$0x15000] =	vst v2  }
0x1dc: {  	v63 =	vadd.f32 v60, v52;
	[tilespmem:s31+$0x16800] =	vst v62  }
0x1dd: {  	[tilespmem:s31+$0x18000] =	vst v1  }
0x1de: {  	s20 =	sadd.s32 $0x18, s17;
	s15 =	sadd.s32 $0x300, s25;
	[tilespmem:s31+$0x19800] =	vst v63  }
0x1df: {  	[hbm4b:s15+s6] =	stream.linear.scatter [tilespmem:s9], [sflag:$0x4], $0x1800, $0x38;
	[tilespmem:$0x1B000] =	vst v63  }
0x1e0: {  	s18 =	sadd.s32 $0xC0300, s25;
	s1 =	sshrl.u32 s20, $0x3  }
0x1e1: {  	[hbm4b:s18+s6] =	stream.linear.scatter [tilespmem:s10], [sflag:$0x4], $0x1800, $0x38;
	[tilespmem:$0x1B000] =	vst v63  }
0x1e2: {  	s19 =	sadd.s32 $0x180300, s25;
	s1 =	smul.u32 $0x1800, s1  }
0x1e3: {  	[hbm4b:s19+s6] =	stream.linear.scatter [tilespmem:s11], [sflag:$0x4], $0x1800, $0x38;
	[tilespmem:$0x1B000] =	vst v63  }
0x1e4: {  	s21 =	sadd.s32 $0x240300, s25;
	s1 =	sshrl.u32 s1, $0x3  }
0x1e5: {  	[hbm4b:s21+s6] =	stream.linear.scatter [tilespmem:s12], [sflag:$0x4], $0x1800, $0x38;
	[tilespmem:$0x1B000] =	vst v63  }
0x1e6: {  	s23 =	simm.s32 $0x1800;
	s22 =	sadd.s32 s4, s1  }
0x1e7: {  	[tilespmem:s23], [sflag:$0x2] =	stream.linear.gather [hbm4b:s22+s6], $0x1800, $0x38;
	[tilespmem:$0x1B000] =	vst v63  }
0x1e8: {  	s24 =	simm.s32 $0x9000;
	s16 =	sadd.s32 $0x1, s16;
	s1 =	sadd.s32 s2, s1  }
0x1e9: {  	[tilespmem:s24], [sflag:$0x2] =	stream.linear.gather [hbm4b:s1+s6], $0x1800, $0x38;
	[tilespmem:$0x1B000] =	vst v63  }
0x1ea: {  	p0 =	sne.s32 s16, $0xF;
	s26 =	simm.s32 $0xA800;
	s25 =	sadd.s32 $0xC0000, s1  }
0x1eb: {  	[tilespmem:s26], [sflag:$0x2] =	stream.linear.gather [hbm4b:s25+s6], $0x1800, $0x38;
	[tilespmem:$0x1B000] =	vst v63  }
.Ltmp4:
0x1ec: {  	_ = 	snop;
	(pc) =	sbr.rel @p0 .LBB2_6-.Ltmp4, $4  }
0x1ed: {  	s29 =	simm.s32 $0xC000;
	s28 =	sadd.s32 $0x180000, s1  }
0x1ee: {  	[tilespmem:s29], [sflag:$0x2] =	stream.linear.gather [hbm4b:s28+s6], $0x1800, $0x38;
	[tilespmem:$0x1B000] =	vst v63  }
0x1ef: {  	s31 =	simm.s32 $0xD800;
	s1 =	sadd.s32 $0x240000, s1  }
0x1f0: {  	[tilespmem:s31], [sflag:$0x2] =	stream.linear.gather [hbm4b:s1+s6], $0x1800, $0x38;
	[tilespmem:$0x1B000] =	vst v63  }
0x1f1: {  	_ =	swait.ge [sflag:s30], $0x1800  }
0x1f2: {  	[sflag:s30] =	ssyncset.done $0x0  }
0x1f3: {  	[sflag:s30] =	ssyncadd.s32 $0xFFFFE800  }
0x1f4: {  	_ =	swait.ge [sflag:s30], $0x1800  }
0x1f5: {  	[sflag:s30] =	ssyncset.done $0x0  }
0x1f6: {  	[sflag:s30] =	ssyncadd.s32 $0xFFFFE800  }
0x1f7: {  	_ =	swait.ge [sflag:s30], $0x1800  }
0x1f8: {  	s1 =	simm.s32 $0x0;
	[sflag:s30] =	ssyncset.done $0x0  }
0x1f9: {  	s5 =	sor.u32 $0x3, s1;
	[sflag:s30] =	ssyncadd.s32 $0xFFFFE800  }
0x1fa: {  	s15 =	sor.u32 $0x1, s1;
	s18 =	sor.u32 $0x2, s1;
	_ =	swait.ge [sflag:s30], $0x1800  }
0x1fb: {  	s1 =	smul.u32 $0xAAAB, s1;
	s16 =	sand.u32 $0xFFFF, s5;
	[sflag:s30] =	ssyncset.done $0x0  }
0x1fc: {  	s17 =	sand.u32 $0xFFFF, s15;
	s16 =	smul.u32 $0xAAAB, s16;
	[sflag:s30] =	ssyncadd.s32 $0xFFFFE800  }
0x1fd: {  	s19 =	sand.u32 $0xFFFF, s18;
	s17 =	smul.u32 $0xAAAB, s17;
	_ =	swait.ge [sflag:s30], $0x1800  }
0x1fe: {  	s19 =	smul.u32 $0xAAAB, s19;
	s20 =	sshrl.u32 s1, $0x18;
	[sflag:s30] =	ssyncset.done $0x0  }
0x1ff: {  	s23 =	sshrl.u32 s1, $0x15;
	s22 =	smul.u32 $0x1800, s20;
	[sflag:s30] =	ssyncadd.s32 $0xFFFFE800  }
0x200: {  	s1 =	sshrl.u32 s1, $0xE;
	s20 =	smul.u32 $0x30, s23;
	_ =	swait.ge [sflag:s13], $0x1800  }
0x201: {  	s1 =	sand.u32 $0x380, s1;
	s16 =	sshrl.u32 s16, $0x15;
	[sflag:s13] =	ssyncset.done $0x0  }
0x202: {  	s17 =	sshrl.u32 s17, $0x15;
	s16 =	smul.u32 $0x30, s16;
	[sflag:s13] =	ssyncadd.s32 $0xFFFFE800  }
0x203: {  	s19 =	sshrl.u32 s19, $0x15;
	s17 =	smul.u32 $0x30, s17;
	_ =	swait.ge [sflag:s13], $0x1800  }
0x204: {  	s19 =	smul.u32 $0x30, s19;
	s25 =	ssub.s32 $0x0, s20;
	[sflag:s13] =	ssyncset.done $0x0  }
0x205: {  	s29 =	sshll.u32 s25, $0x7;
	s5 =	ssub.s32 s5, s16;
	[sflag:s13] =	ssyncadd.s32 $0xFFFFE800  }
0x206: {  	s15 =	ssub.s32 s15, s17;
	s24 =	ssub.s32 s18, s19;
	_ =	swait.ge [sflag:s13], $0x1800  }
0x207: {  	s18 =	sshll.u32 s25, $0x4;
	s21 =	sshll.u32 s5, $0x7;
	[sflag:s13] =	ssyncset.done $0x0  }
0x208: {  	s5 =	sshll.u32 s5, $0x4;
	s21 =	sand.u32 $0x1C00, s21;
	[sflag:s13] =	ssyncadd.s32 $0xFFFFE800  }
0x209: {  	s5 =	sand.u32 $0x70, s5;
	s21 =	sadd.s32 s22, s21;
	_ =	swait.ge [sflag:s13], $0x1800  }
0x20a: {  	s26 =	sshll.u32 s15, $0x7;
	s5 =	sor.u32 s5, s21;
	[sflag:s13] =	ssyncset.done $0x0  }
0x20b: {  	s28 =	sshll.u32 s24, $0x7;
	s5 =	sor.u32 s1, s5;
	[sflag:s13] =	ssyncadd.s32 $0xFFFFE800  }
0x20c: {  	s15 =	sshll.u32 s15, $0x4;
	s17 =	sshll.u32 s24, $0x4;
	s18 =	sand.u32 $0x40, s18;
	v0 =	vld [tilespmem:s5+$0x0]  }
0x20d: {  	s19 =	sand.u32 $0x1C00, s26;
	s20 =	sand.u32 $0x1C00, s28;
	s15 =	sand.u32 $0x50, s15;
	v1 =	vld [tilespmem:s5+$0x7800]  }
0x20e: {  	s17 =	sand.u32 $0x60, s17;
	s19 =	sadd.s32 s22, s19;
	s20 =	sadd.s32 s22, s20;
	v2 =	vld [tilespmem:s5+$0x3000]  }
0x20f: {  	s21 =	sand.u32 $0x1C00, s29;
	s19 =	sor.u32 s15, s19;
	s15 =	simm.s32 $0x4;
	v3 =	vld [tilespmem:s5+$0x4800]  }
0x210: {  	s17 =	sor.u32 s17, s20;
	s19 =	sor.u32 s1, s19;
	s31 =	sor.u32 $0x3, s15;
	v4 =	vld [tilespmem:s5+$0x6000]  }
0x211: {  	s16 =	sadd.s32 s21, s22;
	s22 =	sor.u32 $0x1, s15;
	s23 =	sand.u32 $0xFFFF, s31;
	v5 =	vld [tilespmem:s19+$0x0]  }
0x212: {  	s16 =	sor.u32 s18, s16;
	s18 =	sor.u32 s1, s17;
	s17 =	smul.u32 $0xAAAB, s15;
	v6 =	vld [tilespmem:s19+$0x3000]  }
0x213: {  	s24 =	sor.u32 $0x2, s15;
	s26 =	sand.u32 $0xFFFF, s22;
	s23 =	smul.u32 $0xAAAB, s23;
	v7 =	vld [tilespmem:s19+$0x4800]  }
0x214: {  	s25 =	sand.u32 $0xFFFF, s24;
	s20 =	smul.u32 $0xAAAB, s26;
	v8 =	vld [tilespmem:s19+$0x6000]  }
0x215: {  	s25 =	smul.u32 $0xAAAB, s25;
	s23 =	sshrl.u32 s23, $0x15;
	v9 =	vld [tilespmem:s19+$0x7800];
	v1 =	vadd.f32 v1, v0  }
0x216: {  	s28 =	smul.u32 $0x30, s23;
	v10 =	vld [tilespmem:s18+$0x0];
	v2 =	vadd.f32 v2, v0  }
0x217: {  	s16 =	sor.u32 s1, s16;
	s26 =	sshrl.u32 s17, $0x18;
	s20 =	sshrl.u32 s20, $0x15;
	v3 =	vadd.f32 v3, v0;
	v0 =	vadd.f32 v4, v0;
	v4 =	vld [tilespmem:s18+$0x6000];
	[tilespmem:s5+$0x13800] =	vst v1  }
0x218: {  	s21 =	smul.u32 $0x1800, s26;
	s25 =	sshrl.u32 s25, $0x15;
	s1 =	ssub.s32 s31, s28;
	v1 =	vld [tilespmem:s18+$0x3000];
	[tilespmem:s5+$0xF000] =	vst v2  }
0x219: {  	s23 =	sshrl.u32 s17, $0x15;
	s17 =	sshrl.u32 s17, $0xE;
	s29 =	sshll.u32 s1, $0x7;
	v2 =	vld [tilespmem:s18+$0x4800];
	[tilespmem:s5+$0x10800] =	vst v3;
	v3 =	vadd.f32 v6, v5  }
0x21a: {  	s23 =	smul.u32 $0x30, s23;
	s1 =	sshll.u32 s1, $0x4;
	s28 =	sand.u32 $0x1C00, s29;
	[tilespmem:s5+$0x12000] =	vst v0;
	v6 =	vadd.f32 v7, v5;
	v0 =	vld [tilespmem:s16+$0x0]  }
0x21b: {  	s31 =	smul.u32 $0x30, s25;
	s1 =	sand.u32 $0x70, s1;
	s25 =	sadd.s32 s21, s28;
	v7 =	vld [tilespmem:s16+$0x3000];
	[tilespmem:s19+$0xF000] =	vst v3;
	v3 =	vadd.f32 v8, v5  }
0x21c: {  	s20 =	smul.u32 $0x30, s20;
	s17 =	sand.u32 $0x380, s17;
	s1 =	sor.u32 s1, s25;
	[tilespmem:s19+$0x10800] =	vst v6;
	v5 =	vadd.f32 v9, v5;
	v6 =	vld [tilespmem:s18+$0x7800]  }
0x21d: {  	s29 =	ssub.s32 s24, s31;
	s31 =	ssub.s32 $0x4, s23;
	s5 =	sor.u32 s17, s1;
	v8 =	vld [tilespmem:s16+$0x4800];
	v4 =	vadd.f32 v4, v10;
	[tilespmem:s19+$0x12000] =	vst v3  }
0x21e: {  	s20 =	ssub.s32 s22, s20;
	s26 =	sshll.u32 s29, $0x7;
	s28 =	sshll.u32 s31, $0x7;
	[tilespmem:s19+$0x13800] =	vst v5;
	v3 =	vadd.f32 v1, v10;
	v1 =	vld [tilespmem:s5+$0x0]  }
0x21f: {  	s22 =	sshll.u32 s29, $0x4;
	s25 =	sshll.u32 s20, $0x7;
	s23 =	sand.u32 $0x1C00, s26;
	v5 =	vadd.f32 v2, v10;
	v2 =	vld [tilespmem:s5+$0x7800];
	[tilespmem:s18+$0x12000] =	vst v4  }
0x220: {  	s24 =	sand.u32 $0x1C00, s28;
	s20 =	sshll.u32 s20, $0x4;
	s22 =	sand.u32 $0x60, s22;
	v7 =	vadd.f32 v7, v0;
	v4 =	vld [tilespmem:s5+$0x6000];
	[tilespmem:s18+$0xF000] =	vst v3  }
0x221: {  	s23 =	sadd.s32 s21, s23;
	s1 =	sshll.u32 s31, $0x4;
	s19 =	sand.u32 $0x1C00, s25;
	[tilespmem:s18+$0x10800] =	vst v5;
	v3 =	vld [tilespmem:s5+$0x3000];
	v6 =	vadd.f32 v6, v10  }
0x222: {  	s31 =	sand.u32 $0x50, s20;
	s20 =	sand.u32 $0x40, s1;
	s29 =	sadd.s32 s21, s19;
	v5 =	vld [tilespmem:s5+$0x4800];
	[tilespmem:s16+$0xF000] =	vst v7  }
0x223: {  	s19 =	sadd.s32 s24, s21;
	s21 =	sor.u32 s31, s29;
	v7 =	vadd.f32 v8, v0;
	[tilespmem:s18+$0x13800] =	vst v6;
	s18 =	sor.u32 s22, s23;
	v6 =	vld [tilespmem:s16+$0x6000]  }
.LBB2_12:
0x224: {  	s15 =	sadd.s32 $0x4, s15  }
0x225: {  	s1 =	sor.u32 s20, s19;
	s19 =	sor.u32 s17, s21;
	v2 =	vadd.f32 v2, v1;
	[tilespmem:s16+$0x10800] =	vst v7;
	v7 =	vld [tilespmem:s16+$0x7800];
	s22 =	sor.u32 $0x3, s15  }
0x226: {  	s20 =	sor.u32 $0x1, s15;
	s21 =	sor.u32 $0x2, s15;
	v8 =	vld [tilespmem:s19+$0x0];
	v3 =	vadd.f32 v3, v1;
	s25 =	sand.u32 $0xFFFF, s22  }
0x227: {  	s23 =	sand.u32 $0xFFFF, s20;
	s24 =	sand.u32 $0xFFFF, s21;
	v9 =	vld [tilespmem:s19+$0x3000];
	v5 =	vadd.f32 v5, v1;
	[tilespmem:s5+$0x13800] =	vst v2;
	s25 =	smul.u32 $0xAAAB, s25  }
0x228: {  	s18 =	sor.u32 s17, s18;
	s1 =	sor.u32 s17, s1;
	v2 =	vld [tilespmem:s19+$0x4800];
	[tilespmem:s5+$0xF000] =	vst v3;
	v1 =	vadd.f32 v4, v1;
	s17 =	smul.u32 $0xAAAB, s23  }
0x229: {  	p0 =	slt.u32 s15, $0x17C;
	s23 =	smul.u32 $0xAAAB, s15;
	v3 =	vld [tilespmem:s19+$0x6000];
	[tilespmem:s5+$0x10800] =	vst v5;
	v4 =	vadd.f32 v6, v0  }
0x22a: {  	s24 =	smul.u32 $0xAAAB, s24;
	s25 =	sshrl.u32 s25, $0x15;
	v5 =	vld [tilespmem:s19+$0x7800];
	[tilespmem:s5+$0x12000] =	vst v1;
	v0 =	vadd.f32 v7, v0  }
0x22b: {  	s5 =	sshrl.u32 s17, $0x15;
	s17 =	smul.u32 $0x30, s25;
	v6 =	vld [tilespmem:s18+$0x0];
	[tilespmem:s16+$0x12000] =	vst v4  }
0x22c: {  	s25 =	sshrl.u32 s23, $0x15;
	s5 =	smul.u32 $0x30, s5;
	v1 =	vadd.f32 v9, v8;
	v4 =	vld [tilespmem:s18+$0x3000];
	[tilespmem:s16+$0x13800] =	vst v0;
	s16 =	smov.u32 s1  }
0x22d: {  	s1 =	sshrl.u32 s23, $0x18;
	s23 =	sshrl.u32 s23, $0xE;
	s17 =	ssub.s32 s22, s17;
	v0 =	vadd.f32 v2, v8;
	v2 =	vld [tilespmem:s18+$0x4800]  }
0x22e: {  	s1 =	smul.u32 $0x1800, s1;
	s22 =	sshrl.u32 s24, $0x15;
	s24 =	sshll.u32 s17, $0x7;
	[tilespmem:s19+$0xF000] =	vst v1;
	v1 =	vadd.f32 v3, v8;
	v3 =	vld [tilespmem:s18+$0x6000]  }
0x22f: {  	s22 =	smul.u32 $0x30, s22;
	s17 =	sshll.u32 s17, $0x4;
	s24 =	sand.u32 $0x1C00, s24;
	[tilespmem:s19+$0x10800] =	vst v0;
	v5 =	vadd.f32 v5, v8;
	v7 =	vld [tilespmem:s18+$0x7800]  }
0x230: {  	s25 =	smul.u32 $0x30, s25;
	s26 =	sand.u32 $0x70, s17;
	s24 =	sadd.s32 s1, s24;
	v0 =	vld [tilespmem:s16+$0x0];
	[tilespmem:s19+$0x12000] =	vst v1  }
0x231: {  	s17 =	sand.u32 $0x380, s23;
	s23 =	sor.u32 s26, s24;
	v8 =	vld [tilespmem:s16+$0x3000];
	[tilespmem:s19+$0x13800] =	vst v5;
	v4 =	vadd.f32 v4, v6;
	s19 =	ssub.s32 s20, s5  }
0x232: {  	s20 =	ssub.s32 s21, s22;
	s21 =	ssub.s32 s15, s25;
	s5 =	sor.u32 s17, s23;
	v9 =	vld [tilespmem:s16+$0x4800];
	v5 =	vadd.f32 v2, v6  }
0x233: {  	s22 =	sshll.u32 s19, $0x7;
	s23 =	sshll.u32 s20, $0x7;
	s24 =	sshll.u32 s21, $0x7;
	v1 =	vld [tilespmem:s5+$0x0];
	[tilespmem:s18+$0xF000] =	vst v4;
	v4 =	vadd.f32 v3, v6  }
.Ltmp5:
0x234: {  	s22 =	sand.u32 $0x1C00, s22;
	s23 =	sand.u32 $0x1C00, s23;
	v2 =	vld [tilespmem:s5+$0x7800];
	[tilespmem:s18+$0x10800] =	vst v5;
	v6 =	vadd.f32 v7, v6;
	(pc) =	sbr.rel @p0 .LBB2_12-.Ltmp5, $4  }
0x235: {  	s25 =	sshll.u32 s19, $0x4;
	s20 =	sshll.u32 s20, $0x4;
	s24 =	sand.u32 $0x1C00, s24;
	v3 =	vld [tilespmem:s5+$0x3000];
	[tilespmem:s18+$0x12000] =	vst v4  }
0x236: {  	s21 =	sshll.u32 s21, $0x4;
	s22 =	sadd.s32 s1, s22;
	s23 =	sadd.s32 s1, s23;
	v5 =	vld [tilespmem:s5+$0x4800];
	v8 =	vadd.f32 v8, v0;
	[tilespmem:s18+$0x13800] =	vst v6  }
0x237: {  	s19 =	sadd.s32 s24, s1;
	s1 =	sand.u32 $0x50, s25;
	s18 =	sand.u32 $0x60, s20;
	v4 =	vld [tilespmem:s5+$0x6000];
	v7 =	vadd.f32 v9, v0  }
0x238: {  	s20 =	sand.u32 $0x40, s21;
	s21 =	sor.u32 s1, s22;
	s18 =	sor.u32 s18, s23;
	[tilespmem:s16+$0xF000] =	vst v8;
	v6 =	vld [tilespmem:s16+$0x6000]  }
0x239: {  	[tilespmem:s16+$0x10800] =	vst v7;
	s1 =	sor.u32 s17, s21;
	v7 =	vld [tilespmem:s16+$0x7800]  }
0x23a: {  	v8 =	vld [tilespmem:s1+$0x0]  }
0x23b: {  	v9 =	vld [tilespmem:s1+$0x3000]  }
0x23c: {  	v2 =	vadd.f32 v2, v1;
	v10 =	vld [tilespmem:s1+$0x4800]  }
0x23d: {  	v3 =	vadd.f32 v3, v1;
	v11 =	vld [tilespmem:s1+$0x6000]  }
0x23e: {  	s15 =	sor.u32 s17, s18;
	v5 =	vadd.f32 v5, v1;
	[tilespmem:s5+$0x13800] =	vst v2;
	v2 =	vld [tilespmem:s1+$0x7800]  }
0x23f: {  	[tilespmem:s5+$0xF000] =	vst v3;
	v1 =	vadd.f32 v4, v1;
	v3 =	vld [tilespmem:s15+$0x0]  }
0x240: {  	[tilespmem:s5+$0x10800] =	vst v5;
	v4 =	vadd.f32 v6, v0;
	v5 =	vld [tilespmem:s15+$0x3000]  }
0x241: {  	v6 =	vld [tilespmem:s15+$0x6000];
	[tilespmem:s5+$0x12000] =	vst v1;
	v0 =	vadd.f32 v7, v0  }
0x242: {  	s24 =	sor.u32 s20, s19;
	v1 =	vld [tilespmem:s15+$0x4800];
	[tilespmem:s16+$0x12000] =	vst v4;
	v4 =	vadd.f32 v9, v8  }
0x243: {  	s5 =	sor.u32 s17, s24;
	v7 =	vld [tilespmem:s15+$0x7800];
	[tilespmem:s16+$0x13800] =	vst v0;
	v0 =	vadd.f32 v10, v8  }
0x244: {  	v61 =	vld [tilespmem:s5+$0x0];
	[tilespmem:s1+$0xF000] =	vst v4;
	v4 =	vadd.f32 v11, v8  }
0x245: {  	[tilespmem:s1+$0x10800] =	vst v0;
	v0 =	vadd.f32 v2, v8;
	v2 =	vld [tilespmem:s5+$0x3000]  }
0x246: {  	[tilespmem:s1+$0x12000] =	vst v4;
	v4 =	vadd.f32 v5, v3;
	v5 =	vld [tilespmem:s5+$0x4800]  }
0x247: {  	[tilespmem:s1+$0x13800] =	vst v0;
	v0 =	vadd.f32 v1, v3;
	v1 =	vld [tilespmem:s5+$0x6000]  }
0x248: {  	[tilespmem:s15+$0xF000] =	vst v4;
	v4 =	vadd.f32 v6, v3;
	v6 =	vld [tilespmem:s5+$0x7800]  }
0x249: {  	[tilespmem:s15+$0x10800] =	vst v0;
	v0 =	vadd.f32 v7, v3  }
0x24a: {  	[tilespmem:s15+$0x12000] =	vst v4;
	v2 =	vadd.f32 v2, v61  }
0x24b: {  	[tilespmem:s15+$0x13800] =	vst v0;
	v0 =	vadd.f32 v5, v61  }
0x24c: {  	[tilespmem:s5+$0xF000] =	vst v2;
	v1 =	vadd.f32 v1, v61  }
0x24d: {  	[tilespmem:s5+$0x10800] =	vst v0;
	v0 =	vadd.f32 v6, v61  }
0x24e: {  	[tilespmem:s5+$0x12000] =	vst v1  }
0x24f: {  	[tilespmem:s5+$0x13800] =	vst v0  }
0x250: {  	s1 =	sld [smem:$0x7F6];
	_ =	sdelay $0x1  }
0x251: {  	s25 =	simm.s32 $0xF000;
	s26 =	sld [smem:$0x7F7]  }
0x252: {  	[hbm4b:s1+s6] =	stream.linear.scatter [tilespmem:s25], [sflag:$0x3], $0x1800, $0x38;
	[tilespmem:$0x1B000] =	vst v63  }
0x253: {  	s28 =	simm.s32 $0x10800;
	s29 =	sld [smem:$0x7F8]  }
0x254: {  	[hbm4b:s26+s6] =	stream.linear.scatter [tilespmem:s28], [sflag:$0x3], $0x1800, $0x38;
	[tilespmem:$0x1B000] =	vst v63  }
0x255: {  	s31 =	sld [smem:$0x7F9]  }
0x256: {  	[hbm4b:s29+s6] =	stream.linear.scatter [tilespmem:s0], [sflag:$0x3], $0x1800, $0x38;
	[tilespmem:$0x1B000] =	vst v63  }
0x257: {  	_ = 	snop  }
0x258: {  	[hbm4b:s31+s6] =	stream.linear.scatter [tilespmem:s7], [sflag:$0x3], $0x1800, $0x38;
	[tilespmem:$0x1B000] =	vst v63  }
0x259: {  	_ =	swait.ge [sflag:s8], $0x1800  }
0x25a: {  	[sflag:s8] =	ssyncset.done $0x0  }
0x25b: {  	[sflag:s8] =	ssyncadd.s32 $0xFFFFE800  }
0x25c: {  	_ =	swait.ge [sflag:s8], $0x1800  }
0x25d: {  	[sflag:s8] =	ssyncset.done $0x0  }
0x25e: {  	[sflag:s8] =	ssyncadd.s32 $0xFFFFE800  }
0x25f: {  	s5 =	simm.s32 $0x0;
	_ =	swait.ge [sflag:s8], $0x1800  }
0x260: {  	s15 =	sor.u32 $0x3, s5;
	[sflag:s8] =	ssyncset.done $0x0  }
0x261: {  	s24 =	sand.u32 $0xFFFF, s15;
	[sflag:s8] =	ssyncadd.s32 $0xFFFFE800  }
0x262: {  	s18 =	sor.u32 $0x1, s5;
	s16 =	smul.u32 $0xAAAB, s24;
	_ =	swait.ge [sflag:s8], $0x1800  }
0x263: {  	s25 =	sand.u32 $0xFFFF, s18;
	s1 =	smul.u32 $0xAAAB, s5;
	[sflag:s8] =	ssyncset.done $0x0  }
0x264: {  	s17 =	smul.u32 $0xAAAB, s25;
	[sflag:s8] =	ssyncadd.s32 $0xFFFFE800  }
0x265: {  	s16 =	sshrl.u32 s16, $0x15;
	s26 =	sor.u32 $0x2, s5;
	_ =	swait.ge [sflag:s8], $0x1800  }
0x266: {  	s16 =	smul.u32 $0x30, s16;
	s22 =	sshrl.u32 s1, $0x15;
	[sflag:s8] =	ssyncset.done $0x0  }
0x267: {  	s28 =	sand.u32 $0xFFFF, s26;
	s20 =	smul.u32 $0x30, s22;
	[sflag:s8] =	ssyncadd.s32 $0xFFFFE800  }
0x268: {  	s17 =	sshrl.u32 s17, $0x15;
	s19 =	smul.u32 $0xAAAB, s28;
	_ =	swait.ge [sflag:s14], $0x1800  }
0x269: {  	s29 =	sshrl.u32 s1, $0x18;
	s17 =	smul.u32 $0x30, s17;
	[sflag:s14] =	ssyncset.done $0x0  }
0x26a: {  	s5 =	ssub.s32 s15, s16;
	s1 =	sshrl.u32 s1, $0xE;
	[sflag:s14] =	ssyncadd.s32 $0xFFFFE800  }
0x26b: {  	s23 =	sshll.u32 s5, $0x7;
	s5 =	sshll.u32 s5, $0x4;
	_ =	swait.ge [sflag:s14], $0x1800  }
0x26c: {  	s1 =	sand.u32 $0x380, s1;
	s25 =	ssub.s32 $0x0, s20;
	[sflag:s14] =	ssyncset.done $0x0  }
0x26d: {  	s31 =	smul.u32 $0x1800, s29;
	s19 =	sshrl.u32 s19, $0x15;
	[sflag:s14] =	ssyncadd.s32 $0xFFFFE800  }
0x26e: {  	s21 =	sand.u32 $0x1C00, s23;
	s5 =	sand.u32 $0x70, s5;
	_ =	swait.ge [sflag:s14], $0x1800  }
0x26f: {  	s15 =	ssub.s32 s18, s17;
	s29 =	sshll.u32 s25, $0x7;
	[sflag:s14] =	ssyncset.done $0x0  }
0x270: {  	s18 =	sshll.u32 s25, $0x4;
	s19 =	smul.u32 $0x30, s19;
	[sflag:s14] =	ssyncadd.s32 $0xFFFFE800  }
0x271: {  	s18 =	sand.u32 $0x40, s18;
	s21 =	sadd.s32 s31, s21;
	_ =	swait.ge [sflag:s14], $0x1800  }
0x272: {  	s5 =	sor.u32 s5, s21;
	s24 =	ssub.s32 s26, s19;
	[sflag:s14] =	ssyncset.done $0x0  }
0x273: {  	s26 =	sshll.u32 s15, $0x7;
	s5 =	sor.u32 s1, s5;
	[sflag:s14] =	ssyncadd.s32 $0xFFFFE800  }
0x274: {  	s15 =	sshll.u32 s15, $0x4;
	s21 =	sand.u32 $0x1C00, s29;
	s28 =	sshll.u32 s24, $0x7;
	v0 =	vld [tilespmem:s5+$0x1800]  }
0x275: {  	s19 =	sand.u32 $0x1C00, s26;
	s15 =	sand.u32 $0x50, s15;
	s17 =	sshll.u32 s24, $0x4;
	v1 =	vld [tilespmem:s5+$0xD800]  }
0x276: {  	s16 =	sadd.s32 s21, s31;
	s20 =	sand.u32 $0x1C00, s28;
	s19 =	sadd.s32 s31, s19;
	v2 =	vld [tilespmem:s5+$0x9000]  }
0x277: {  	s17 =	sand.u32 $0x60, s17;
	s16 =	sor.u32 s18, s16;
	s19 =	sor.u32 s15, s19;
	v3 =	vld [tilespmem:s5+$0xA800]  }
0x278: {  	s20 =	sadd.s32 s31, s20;
	s15 =	simm.s32 $0x4;
	s19 =	sor.u32 s1, s19;
	v4 =	vld [tilespmem:s5+$0xC000]  }
0x279: {  	s31 =	sor.u32 $0x3, s15;
	s22 =	sor.u32 $0x1, s15;
	s17 =	sor.u32 s17, s20;
	v5 =	vld [tilespmem:s19+$0x1800]  }
0x27a: {  	s23 =	sand.u32 $0xFFFF, s31;
	s18 =	sor.u32 s1, s17;
	s17 =	smul.u32 $0xAAAB, s15;
	v6 =	vld [tilespmem:s19+$0x9000]  }
0x27b: {  	s24 =	sor.u32 $0x2, s15;
	s26 =	sand.u32 $0xFFFF, s22;
	s23 =	smul.u32 $0xAAAB, s23;
	v7 =	vld [tilespmem:s19+$0xA800]  }
0x27c: {  	s25 =	sand.u32 $0xFFFF, s24;
	s20 =	smul.u32 $0xAAAB, s26;
	v8 =	vld [tilespmem:s19+$0xC000]  }
0x27d: {  	s25 =	smul.u32 $0xAAAB, s25;
	s23 =	sshrl.u32 s23, $0x15;
	v62 =	vld [tilespmem:s19+$0xD800];
	v1 =	vadd.f32 v1, v0  }
0x27e: {  	s28 =	smul.u32 $0x30, s23;
	v63 =	vld [tilespmem:s18+$0x1800];
	v2 =	vadd.f32 v2, v0  }
0x27f: {  	s16 =	sor.u32 s1, s16;
	s26 =	sshrl.u32 s17, $0x18;
	s20 =	sshrl.u32 s20, $0x15;
	v3 =	vadd.f32 v3, v0;
	v0 =	vadd.f32 v4, v0;
	v4 =	vld [tilespmem:s18+$0xC000];
	[tilespmem:s5+$0x19800] =	vst v1  }
0x280: {  	s21 =	smul.u32 $0x1800, s26;
	s25 =	sshrl.u32 s25, $0x15;
	s1 =	ssub.s32 s31, s28;
	v1 =	vld [tilespmem:s18+$0x9000];
	[tilespmem:s5+$0x15000] =	vst v2  }
0x281: {  	s23 =	sshrl.u32 s17, $0x15;
	s17 =	sshrl.u32 s17, $0xE;
	s29 =	sshll.u32 s1, $0x7;
	v2 =	vld [tilespmem:s18+$0xA800];
	[tilespmem:s5+$0x16800] =	vst v3;
	v3 =	vadd.f32 v6, v5  }
0x282: {  	s23 =	smul.u32 $0x30, s23;
	s1 =	sshll.u32 s1, $0x4;
	s28 =	sand.u32 $0x1C00, s29;
	[tilespmem:s5+$0x18000] =	vst v0;
	v6 =	vadd.f32 v7, v5;
	v0 =	vld [tilespmem:s16+$0x1800]  }
0x283: {  	s31 =	smul.u32 $0x30, s25;
	s1 =	sand.u32 $0x70, s1;
	s25 =	sadd.s32 s21, s28;
	v7 =	vld [tilespmem:s16+$0x9000];
	[tilespmem:s19+$0x15000] =	vst v3;
	v3 =	vadd.f32 v8, v5  }
0x284: {  	s20 =	smul.u32 $0x30, s20;
	s17 =	sand.u32 $0x380, s17;
	s1 =	sor.u32 s1, s25;
	[tilespmem:s19+$0x16800] =	vst v6;
	v5 =	vadd.f32 v62, v5;
	v6 =	vld [tilespmem:s18+$0xD800]  }
0x285: {  	s29 =	ssub.s32 s24, s31;
	s31 =	ssub.s32 $0x4, s23;
	s5 =	sor.u32 s17, s1;
	v8 =	vld [tilespmem:s16+$0xA800];
	v4 =	vadd.f32 v4, v63;
	[tilespmem:s19+$0x18000] =	vst v3  }
0x286: {  	s20 =	ssub.s32 s22, s20;
	s26 =	sshll.u32 s29, $0x7;
	s28 =	sshll.u32 s31, $0x7;
	[tilespmem:s19+$0x19800] =	vst v5;
	v3 =	vadd.f32 v1, v63;
	v1 =	vld [tilespmem:s5+$0x1800]  }
0x287: {  	s22 =	sshll.u32 s29, $0x4;
	s25 =	sshll.u32 s20, $0x7;
	s23 =	sand.u32 $0x1C00, s26;
	v5 =	vadd.f32 v2, v63;
	v2 =	vld [tilespmem:s5+$0xD800];
	[tilespmem:s18+$0x18000] =	vst v4  }
0x288: {  	s24 =	sand.u32 $0x1C00, s28;
	s20 =	sshll.u32 s20, $0x4;
	s22 =	sand.u32 $0x60, s22;
	v7 =	vadd.f32 v7, v0;
	v4 =	vld [tilespmem:s5+$0xC000];
	[tilespmem:s18+$0x15000] =	vst v3  }
0x289: {  	s23 =	sadd.s32 s21, s23;
	s1 =	sshll.u32 s31, $0x4;
	s19 =	sand.u32 $0x1C00, s25;
	[tilespmem:s18+$0x16800] =	vst v5;
	v3 =	vld [tilespmem:s5+$0x9000];
	v6 =	vadd.f32 v6, v63  }
0x28a: {  	s31 =	sand.u32 $0x50, s20;
	s20 =	sand.u32 $0x40, s1;
	s29 =	sadd.s32 s21, s19;
	v5 =	vld [tilespmem:s5+$0xA800];
	[tilespmem:s16+$0x15000] =	vst v7  }
0x28b: {  	s19 =	sadd.s32 s24, s21;
	s21 =	sor.u32 s31, s29;
	v7 =	vadd.f32 v8, v0;
	[tilespmem:s18+$0x19800] =	vst v6;
	s18 =	sor.u32 s22, s23;
	v6 =	vld [tilespmem:s16+$0xC000]  }
.LBB2_14:
0x28c: {  	s15 =	sadd.s32 $0x4, s15  }
0x28d: {  	s1 =	sor.u32 s20, s19;
	s19 =	sor.u32 s17, s21;
	v2 =	vadd.f32 v2, v1;
	[tilespmem:s16+$0x16800] =	vst v7;
	v7 =	vld [tilespmem:s16+$0xD800];
	s22 =	sor.u32 $0x3, s15  }
0x28e: {  	s20 =	sor.u32 $0x1, s15;
	s21 =	sor.u32 $0x2, s15;
	v8 =	vld [tilespmem:s19+$0x1800];
	v3 =	vadd.f32 v3, v1;
	s25 =	sand.u32 $0xFFFF, s22  }
0x28f: {  	s23 =	sand.u32 $0xFFFF, s20;
	s24 =	sand.u32 $0xFFFF, s21;
	v9 =	vld [tilespmem:s19+$0x9000];
	v5 =	vadd.f32 v5, v1;
	[tilespmem:s5+$0x19800] =	vst v2;
	s25 =	smul.u32 $0xAAAB, s25  }
0x290: {  	s18 =	sor.u32 s17, s18;
	s1 =	sor.u32 s17, s1;
	v2 =	vld [tilespmem:s19+$0xA800];
	[tilespmem:s5+$0x15000] =	vst v3;
	v1 =	vadd.f32 v4, v1;
	s17 =	smul.u32 $0xAAAB, s23  }
0x291: {  	p0 =	slt.u32 s15, $0x17C;
	s23 =	smul.u32 $0xAAAB, s15;
	v3 =	vld [tilespmem:s19+$0xC000];
	[tilespmem:s5+$0x16800] =	vst v5;
	v4 =	vadd.f32 v6, v0  }
0x292: {  	s24 =	smul.u32 $0xAAAB, s24;
	s25 =	sshrl.u32 s25, $0x15;
	v5 =	vld [tilespmem:s19+$0xD800];
	[tilespmem:s5+$0x18000] =	vst v1;
	v0 =	vadd.f32 v7, v0  }
0x293: {  	s5 =	sshrl.u32 s17, $0x15;
	s17 =	smul.u32 $0x30, s25;
	v6 =	vld [tilespmem:s18+$0x1800];
	[tilespmem:s16+$0x18000] =	vst v4  }
0x294: {  	s25 =	sshrl.u32 s23, $0x15;
	s5 =	smul.u32 $0x30, s5;
	v1 =	vadd.f32 v9, v8;
	v4 =	vld [tilespmem:s18+$0x9000];
	[tilespmem:s16+$0x19800] =	vst v0;
	s16 =	smov.u32 s1  }
0x295: {  	s1 =	sshrl.u32 s23, $0x18;
	s23 =	sshrl.u32 s23, $0xE;
	s17 =	ssub.s32 s22, s17;
	v0 =	vadd.f32 v2, v8;
	v2 =	vld [tilespmem:s18+$0xA800]  }
0x296: {  	s1 =	smul.u32 $0x1800, s1;
	s22 =	sshrl.u32 s24, $0x15;
	s24 =	sshll.u32 s17, $0x7;
	[tilespmem:s19+$0x15000] =	vst v1;
	v1 =	vadd.f32 v3, v8;
	v3 =	vld [tilespmem:s18+$0xC000]  }
0x297: {  	s22 =	smul.u32 $0x30, s22;
	s17 =	sshll.u32 s17, $0x4;
	s24 =	sand.u32 $0x1C00, s24;
	[tilespmem:s19+$0x16800] =	vst v0;
	v5 =	vadd.f32 v5, v8;
	v7 =	vld [tilespmem:s18+$0xD800]  }
0x298: {  	s25 =	smul.u32 $0x30, s25;
	s26 =	sand.u32 $0x70, s17;
	s24 =	sadd.s32 s1, s24;
	v0 =	vld [tilespmem:s16+$0x1800];
	[tilespmem:s19+$0x18000] =	vst v1  }
0x299: {  	s17 =	sand.u32 $0x380, s23;
	s23 =	sor.u32 s26, s24;
	v8 =	vld [tilespmem:s16+$0x9000];
	[tilespmem:s19+$0x19800] =	vst v5;
	v4 =	vadd.f32 v4, v6;
	s19 =	ssub.s32 s20, s5  }
0x29a: {  	s20 =	ssub.s32 s21, s22;
	s21 =	ssub.s32 s15, s25;
	s5 =	sor.u32 s17, s23;
	v9 =	vld [tilespmem:s16+$0xA800];
	v5 =	vadd.f32 v2, v6  }
0x29b: {  	s22 =	sshll.u32 s19, $0x7;
	s23 =	sshll.u32 s20, $0x7;
	s24 =	sshll.u32 s21, $0x7;
	v1 =	vld [tilespmem:s5+$0x1800];
	[tilespmem:s18+$0x15000] =	vst v4;
	v4 =	vadd.f32 v3, v6  }
.Ltmp6:
0x29c: {  	s22 =	sand.u32 $0x1C00, s22;
	s23 =	sand.u32 $0x1C00, s23;
	v2 =	vld [tilespmem:s5+$0xD800];
	[tilespmem:s18+$0x16800] =	vst v5;
	v6 =	vadd.f32 v7, v6;
	(pc) =	sbr.rel @p0 .LBB2_14-.Ltmp6, $4  }
0x29d: {  	s25 =	sshll.u32 s19, $0x4;
	s20 =	sshll.u32 s20, $0x4;
	s24 =	sand.u32 $0x1C00, s24;
	v3 =	vld [tilespmem:s5+$0x9000];
	[tilespmem:s18+$0x18000] =	vst v4  }
0x29e: {  	s21 =	sshll.u32 s21, $0x4;
	s22 =	sadd.s32 s1, s22;
	s23 =	sadd.s32 s1, s23;
	v5 =	vld [tilespmem:s5+$0xA800];
	v8 =	vadd.f32 v8, v0;
	[tilespmem:s18+$0x19800] =	vst v6  }
0x29f: {  	s19 =	sadd.s32 s24, s1;
	s1 =	sand.u32 $0x50, s25;
	s18 =	sand.u32 $0x60, s20;
	v4 =	vld [tilespmem:s5+$0xC000];
	v7 =	vadd.f32 v9, v0  }
0x2a0: {  	s20 =	sand.u32 $0x40, s21;
	s21 =	sor.u32 s1, s22;
	s18 =	sor.u32 s18, s23;
	[tilespmem:s16+$0x15000] =	vst v8;
	v6 =	vld [tilespmem:s16+$0xC000]  }
0x2a1: {  	s1 =	sor.u32 s17, s21;
	v39 =	vld [tilespmem:s16+$0xD800]  }
0x2a2: {  	v8 =	vld [tilespmem:s1+$0x1800]  }
0x2a3: {  	v9 =	vld [tilespmem:s1+$0x9000]  }
0x2a4: {  	v2 =	vadd.f32 v2, v1;
	v10 =	vld [tilespmem:s1+$0xA800]  }
0x2a5: {  	[tilespmem:s16+$0x16800] =	vst v7;
	v3 =	vadd.f32 v3, v1;
	v11 =	vld [tilespmem:s1+$0xC000]  }
0x2a6: {  	s15 =	sor.u32 s17, s18;
	v40 =	vld [tilespmem:s1+$0xD800];
	v5 =	vadd.f32 v5, v1;
	[tilespmem:s5+$0x19800] =	vst v2  }
0x2a7: {  	v42 =	vld [tilespmem:s15+$0x1800];
	[tilespmem:s5+$0x15000] =	vst v3;
	v41 =	vadd.f32 v4, v1  }
0x2a8: {  	v44 =	vld [tilespmem:s15+$0x9000];
	[tilespmem:s5+$0x16800] =	vst v5;
	v43 =	vadd.f32 v6, v0  }
0x2a9: {  	v46 =	vld [tilespmem:s15+$0xA800];
	[tilespmem:s5+$0x18000] =	vst v41;
	v45 =	vadd.f32 v39, v0  }
0x2aa: {  	s24 =	sor.u32 s20, s19;
	v48 =	vld [tilespmem:s15+$0xC000];
	[tilespmem:s16+$0x18000] =	vst v43;
	v47 =	vadd.f32 v9, v8  }
0x2ab: {  	v50 =	vld [tilespmem:s15+$0xD800];
	s5 =	sor.u32 s17, s24;
	v49 =	vadd.f32 v10, v8;
	[tilespmem:s16+$0x19800] =	vst v45  }
0x2ac: {  	v51 =	vadd.f32 v11, v8;
	v52 =	vld [tilespmem:s5+$0x1800];
	[tilespmem:s1+$0x15000] =	vst v47  }
0x2ad: {  	v53 =	vadd.f32 v40, v8;
	v54 =	vld [tilespmem:s5+$0x9000];
	[tilespmem:s1+$0x16800] =	vst v49  }
0x2ae: {  	v55 =	vadd.f32 v44, v42;
	v56 =	vld [tilespmem:s5+$0xA800];
	[tilespmem:s1+$0x18000] =	vst v51  }
0x2af: {  	v57 =	vadd.f32 v46, v42;
	v58 =	vld [tilespmem:s5+$0xC000];
	[tilespmem:s1+$0x19800] =	vst v53  }
0x2b0: {  	v59 =	vadd.f32 v48, v42;
	v60 =	vld [tilespmem:s5+$0xD800];
	[tilespmem:s15+$0x15000] =	vst v55  }
0x2b1: {  	v61 =	vadd.f32 v50, v42;
	[tilespmem:s15+$0x16800] =	vst v57  }
0x2b2: {  	[tilespmem:s15+$0x18000] =	vst v59;
	v2 =	vadd.f32 v54, v52  }
0x2b3: {  	[tilespmem:s15+$0x19800] =	vst v61;
	v62 =	vadd.f32 v56, v52  }
0x2b4: {  	v1 =	vadd.f32 v58, v52;
	[tilespmem:s5+$0x15000] =	vst v2  }
0x2b5: {  	v63 =	vadd.f32 v60, v52;
	[tilespmem:s5+$0x16800] =	vst v62  }
0x2b6: {  	[tilespmem:s5+$0x18000] =	vst v1  }
0x2b7: {  	[tilespmem:s5+$0x19800] =	vst v63  }
0x2b8: {  	s1 =	sld [smem:$0x7FA];
	_ =	sdelay $0x1  }
0x2b9: {  	s25 =	sld [smem:$0x7FC]  }
0x2ba: {  	[hbm4b:s1+s6] =	stream.linear.scatter [tilespmem:s9], [sflag:$0x4], $0x1800, $0x38;
	[tilespmem:$0x1B000] =	vst v63  }
0x2bb: {  	s26 =	sld [smem:$0x7FB]  }
0x2bc: {  	[hbm4b:s25+s6] =	stream.linear.scatter [tilespmem:s10], [sflag:$0x4], $0x1800, $0x38;
	[tilespmem:$0x1B000] =	vst v63  }
0x2bd: {  	s28 =	sld [smem:$0x7FD]  }
0x2be: {  	[hbm4b:s26+s6] =	stream.linear.scatter [tilespmem:s11], [sflag:$0x4], $0x1800, $0x38;
	[tilespmem:$0x1B000] =	vst v63  }
0x2bf: {  	_ = 	snop  }
0x2c0: {  	[hbm4b:s28+s6] =	stream.linear.scatter [tilespmem:s12], [sflag:$0x4], $0x1800, $0x38;
	[tilespmem:$0x1B000] =	vst v63  }
0x2c1: {  	_ =	swait.ge [sflag:s13], $0x1800  }
0x2c2: {  	[sflag:s13] =	ssyncset.done $0x0  }
0x2c3: {  	[sflag:s13] =	ssyncadd.s32 $0xFFFFE800  }
0x2c4: {  	_ =	swait.ge [sflag:s13], $0x1800  }
0x2c5: {  	[sflag:s13] =	ssyncset.done $0x0  }
0x2c6: {  	[sflag:s13] =	ssyncadd.s32 $0xFFFFE800  }
0x2c7: {  	_ =	swait.ge [sflag:s13], $0x1800  }
0x2c8: {  	[sflag:s13] =	ssyncset.done $0x0  }
0x2c9: {  	[sflag:s13] =	ssyncadd.s32 $0xFFFFE800  }
0x2ca: {  	_ =	swait.ge [sflag:s13], $0x1800  }
0x2cb: {  	[sflag:s13] =	ssyncset.done $0x0  }
0x2cc: {  	[sflag:s13] =	ssyncadd.s32 $0xFFFFE800  }
0x2cd: {  	_ =	swait.ge [sflag:s14], $0x1800  }
0x2ce: {  	[sflag:s14] =	ssyncset.done $0x0  }
0x2cf: {  	[sflag:s14] =	ssyncadd.s32 $0xFFFFE800  }
0x2d0: {  	_ =	swait.ge [sflag:s14], $0x1800  }
0x2d1: {  	[sflag:s14] =	ssyncset.done $0x0  }
0x2d2: {  	[sflag:s14] =	ssyncadd.s32 $0xFFFFE800  }
0x2d3: {  	_ =	swait.ge [sflag:s14], $0x1800  }
0x2d4: {  	[sflag:s14] =	ssyncset.done $0x0  }
0x2d5: {  	[sflag:s14] =	ssyncadd.s32 $0xFFFFE800  }
0x2d6: {  	_ =	swait.ge [sflag:s14], $0x1800  }
0x2d7: {  	s29 =	sld [smem:$0x7F4];
	_ =	sdelay $0x2  }
0x2d8: {  	s31 =	rddreg [dreg:$0x1e];
	s5 =	sadd.s32 $0x1, s29  }
0x2d9: {  	p0 =	sne.s32 s5, s31  }
.Ltmp7:
0x2da: {  	_ = 	snop;
	(pc) =	sbr.rel @p0 .LBB2_1-.Ltmp7, $3  }
0x2db: {  	_ =	sdelay $0x1  }
0x2dc: {  	[sflag:s14] =	ssyncset.done $0x0  }
0x2dd: {  	[sflag:s14] =	ssyncadd.s32 $0xFFFFE800  }
0x2de: {  	_ =	sfence.sel $0x180000  }
0x2df: {  	[bflag:$0x0] =	sbarrier.arrive $0xFFFF  }
0x2e0: {  	_ =	strace $0x90000047  }
0x2e1: {  	s0 =	stileid.u32;
	[bflag:$0x2] =	sbarrier.arrive $0xFFFF  }
0x2e2: {  	p0 =	sne.s32 s0, $0x0;
	s0 =	rddreg [dreg:$0x3]  }
0x2e3: {  	s0 =	sadd.s32 @!p0 $0x100000, s0  }
0x2e4: {  	[sflag:s0] =	ssyncadd.tile.s32 @!p0 $0x1;
	_ =	shalt  }
.Lfunc_end2:
_tile_overlayer_lowered:
.L_overlay_start_2:
0x2e5: {  	(tag) =	ssettag $0x2  }
0x2e6: {  	s0 =	rddreg [dreg:$0x0];
	s2 =	stileid.u32  }
0x2e7: {  	s1 =	rddreg [dreg:$0x1];
	p0 =	sne.s32 s2, $0x0  }
0x2e8: {  	s3 =	rddreg [dreg:$0x2];
	[bflag:$0x3] =	sbarrier.arrive $0xFFFF;
	s2 =	simm.s32 @!p0 $0x1C05  }
0x2e9: {  	[timem:s3], [sflag:s2] =	dma.local @!p0 [hbm:s0], s1  }
0x2ea: {  	s0 =	simm.s32 @!p0 $0x5  }
0x2eb: {  	_ =	swait.ge @!p0 [sflag:s0], s1  }
0x2ec: {  	s1 =	ssub.s32 @!p0 $0x0, s1;
	[sflag:s0] =	ssyncset.done @!p0 $0x0  }
0x2ed: {  	[sflag:s0] =	ssyncadd.s32 @!p0 s1  }
0x2ee: {  	[bflag:$0x3] =	sbarrier.arrive $0xFFFF  }
0x2ef: {  	_ =	shalt  }

</sc_bundles>
